<compile_context>
chip_gen: v7x
topology: tpu7x:2x2x1
jax: 0.10.2.dev20260603
libtpu: 0.0.44.dev20260713+nightly
codegen_flags: <defaults>
</compile_context>

<pallas_src>
import functools

import jax
import jax.numpy as jnp
from jax import lax
from jax.experimental import pallas as pl
from jax.experimental.pallas import tpu as pltpu
from jax.experimental.pallas import tpu_sc as plsc

N = 10000
NPAD = 10240
DUMMY = N
NC, NS = 2, 16
NW = NC * NS
CH = 128
DEGW = 16
BLK = 512
GRID = NPAD // BLK
ROWS_PER_TILE = NPAD // NS

_SC_PARAMS = dict(
    mesh=plsc.VectorSubcoreMesh(
        core_axis_name="c", subcore_axis_name="s", num_cores=NC, num_subcores=NS
    ),
    compiler_params=pltpu.CompilerParams(use_tc_tiling_on_sc=False),
)


def _make_deg(npt):

    @functools.partial(
        pl.kernel,
        out_type=jax.ShapeDtypeStruct((NC, NPAD, DEGW), jnp.float32),
        scratch_types=[
            pltpu.VMEM((npt, CH), jnp.int32),
            pltpu.VMEM((CH, DEGW), jnp.float32),
            pltpu.VMEM_SHARED((NPAD, DEGW), jnp.float32),
            pltpu.SemaphoreType.DMA,
            pltpu.SemaphoreType.DMA,
            pltpu.SemaphoreType.DMA,
            pltpu.SemaphoreType.DMA,
        ],
        **_SC_PARAMS,
    )
    def deg_kernel(dst_hbm, zeros_hbm, ones_hbm, out_hbm, dst_v, ones_v, acc,
                   dsem0, dsem1, dsem2, dsem3):
        c = lax.axis_index("c")
        s = lax.axis_index("s")
        wid = s * NC + c
        r0 = s * ROWS_PER_TILE
        pltpu.sync_copy(
            zeros_hbm.at[pl.ds(r0, ROWS_PER_TILE)], acc.at[pl.ds(r0, ROWS_PER_TILE)]
        )
        pltpu.sync_copy(ones_hbm, ones_v)
        pltpu.sync_copy(dst_hbm.at[pl.ds(wid * npt, npt)], dst_v)
        plsc.subcore_barrier()

        ssems = (dsem0, dsem1, dsem2, dsem3)

        @pl.loop(0, npt // 4)
        def _(i):
            j0 = i * 4
            for b in range(4):
                @pl.when(j0 > 0)
                def _(b=b):
                    pltpu.make_async_copy(
                        ones_v, acc.at[pl.ds(0, CH)], ssems[b]
                    ).wait()

                pltpu.async_copy(ones_v, acc.at[dst_v.at[j0 + b]], ssems[b],
                                 add=True)

        for b in range(4):
            pltpu.make_async_copy(ones_v, acc.at[pl.ds(0, CH)], ssems[b]).wait()
        plsc.subcore_barrier()
        pltpu.sync_copy(
            acc.at[pl.ds(r0, ROWS_PER_TILE)], out_hbm.at[c, pl.ds(r0, ROWS_PER_TILE)]
        )

    return deg_kernel


def _pipeline4(npt, fire, drain_g, scatter, drain_s):
    assert npt % 4 == 0
    fire(0, 0)
    fire(1, 1)

    @pl.loop(0, npt // 4)
    def _(i):
        j0 = i * 4
        for b in range(4):
            j = j0 + b
            b2 = (b + 2) % 4
            drain_g(b)
            scatter(j, b)
            if b < 2:
                @pl.when(j0 > 0)
                def _(b2=b2):
                    drain_s(b2)
            else:
                drain_s(b2)

            @pl.when(j + 2 < npt)
            def _(j=j, b2=b2):
                fire(j + 2, b2)

    drain_s(2)
    drain_s(3)


def _make_agg1(npt):
    SG = 20
    NSG = npt // SG
    assert npt % SG == 0 and NSG % 2 == 0 and SG % 4 == 0

    @functools.partial(
        pl.kernel,
        out_type=jax.ShapeDtypeStruct((NC, NPAD, 64), jnp.float32),
        scratch_types=[
            pltpu.VMEM((2, SG, CH), jnp.int32),
            pltpu.VMEM((2, SG, CH), jnp.int32),
            pltpu.VMEM((4, CH, 64), jnp.float32),
            pltpu.VMEM_SHARED((NPAD, 64), jnp.float32),
            pltpu.VMEM_SHARED((NPAD, 64), jnp.float32),
            pltpu.SemaphoreType.DMA,
            pltpu.SemaphoreType.DMA,
            pltpu.SemaphoreType.DMA,
            pltpu.SemaphoreType.DMA,
            pltpu.SemaphoreType.DMA,
            pltpu.SemaphoreType.DMA,
            pltpu.SemaphoreType.DMA,
            pltpu.SemaphoreType.DMA,
            pltpu.SemaphoreType.DMA,
            pltpu.SemaphoreType.DMA,
        ],
        **_SC_PARAMS,
    )
    def agg_kernel(y_hbm, src_hbm, dst_hbm, out_hbm,
                   src_v, dst_v, rows_v, y_sp, acc,
                   gsem0, gsem1, gsem2, gsem3,
                   ssem0, ssem1, ssem2, ssem3, isem0, isem1):
        c = lax.axis_index("c")
        s = lax.axis_index("s")
        r0 = s * ROWS_PER_TILE
        pltpu.sync_copy(
            y_hbm.at[c, pl.ds(r0, ROWS_PER_TILE)], acc.at[pl.ds(r0, ROWS_PER_TILE)]
        )
        pltpu.sync_copy(
            y_hbm.at[c, pl.ds(r0, ROWS_PER_TILE)], y_sp.at[pl.ds(r0, ROWS_PER_TILE)]
        )

        gsems = (gsem0, gsem1, gsem2, gsem3)
        ssems = (ssem0, ssem1, ssem2, ssem3)
        isems = (isem0, isem1)
        base = s * npt

        def fire_idx(sg, h):
            pltpu.async_copy(src_hbm.at[pl.ds(base + sg * SG, SG)], src_v.at[h],
                             isems[h])
            pltpu.async_copy(dst_hbm.at[pl.ds(base + sg * SG, SG)], dst_v.at[h],
                             isems[h])

        def drain_idx(h):
            pltpu.make_async_copy(src_hbm.at[pl.ds(0, SG)], src_v.at[h],
                                  isems[h]).wait()
            pltpu.make_async_copy(src_hbm.at[pl.ds(0, SG)], dst_v.at[h],
                                  isems[h]).wait()

        fire_idx(0, 0)
        fire_idx(1, 1)
        plsc.subcore_barrier()

        @pl.loop(0, NSG // 2)
        def _(o):
            for h in range(2):
                sg = 2 * o + h
                drain_idx(h)

                def fire(j, b, _h=h):
                    pltpu.async_copy(y_sp.at[src_v.at[_h].at[j]], rows_v.at[b],
                                     gsems[b])

                def drain_g(b):
                    pltpu.make_async_copy(
                        y_sp.at[pl.ds(0, CH)], rows_v.at[b], gsems[b]
                    ).wait()

                def scatter(j, b, _h=h):
                    pltpu.async_copy(rows_v.at[b], acc.at[dst_v.at[_h].at[j]],
                                     ssems[b], add=True)

                def drain_s(b):
                    pltpu.make_async_copy(
                        rows_v.at[b], acc.at[pl.ds(0, CH)], ssems[b]
                    ).wait()

                _pipeline4(SG, fire, drain_g, scatter, drain_s)

                @pl.when(sg + 2 < NSG)
                def _(_sg=sg, _h=h):
                    fire_idx(_sg + 2, _h)

        plsc.subcore_barrier()
        pltpu.sync_copy(
            acc.at[pl.ds(r0, ROWS_PER_TILE)], out_hbm.at[c, pl.ds(r0, ROWS_PER_TILE)]
        )

    return agg_kernel


def _make_agg2(npt):
    assert npt % 8 == 0

    @functools.partial(
        pl.kernel,
        out_type=jax.ShapeDtypeStruct((NC, NPAD, 40), jnp.float32),
        scratch_types=[
            pltpu.VMEM((npt, CH), jnp.int32),
            pltpu.VMEM((npt, CH), jnp.int32),
            pltpu.VMEM((4, CH, 40), jnp.float32),
            pltpu.VMEM_SHARED((NPAD, 40), jnp.float32),
            pltpu.VMEM_SHARED((NPAD, 40), jnp.float32),
            pltpu.SemaphoreType.DMA,
            pltpu.SemaphoreType.DMA,
            pltpu.SemaphoreType.DMA,
            pltpu.SemaphoreType.DMA,
            pltpu.SemaphoreType.DMA,
            pltpu.SemaphoreType.DMA,
            pltpu.SemaphoreType.DMA,
            pltpu.SemaphoreType.DMA,
        ],
        **_SC_PARAMS,
    )
    def agg_kernel(y_hbm, src_hbm, dst_hbm, zeros_hbm, out_hbm,
                   src_v, dst_v, rows_v, y_sp, acc,
                   gsem0, gsem1, gsem2, gsem3, ssem0, ssem1, ssem2, ssem3):
        c = lax.axis_index("c")
        s = lax.axis_index("s")
        wid = s * NC + c
        r0 = s * ROWS_PER_TILE

        @pl.when(c == 0)
        def _():
            pltpu.sync_copy(
                y_hbm.at[pl.ds(r0, ROWS_PER_TILE)], acc.at[pl.ds(r0, ROWS_PER_TILE)]
            )

        @pl.when(c == 1)
        def _():
            pltpu.sync_copy(
                zeros_hbm.at[pl.ds(r0, ROWS_PER_TILE)],
                acc.at[pl.ds(r0, ROWS_PER_TILE)],
            )

        pltpu.sync_copy(
            y_hbm.at[pl.ds(r0, ROWS_PER_TILE)], y_sp.at[pl.ds(r0, ROWS_PER_TILE)]
        )
        pltpu.sync_copy(src_hbm.at[pl.ds(wid * npt, npt)], src_v)
        pltpu.sync_copy(dst_hbm.at[pl.ds(wid * npt, npt)], dst_v)
        plsc.subcore_barrier()

        gsems = (gsem0, gsem1, gsem2, gsem3)
        ssems = (ssem0, ssem1, ssem2, ssem3)

        def fire(j, b):
            pltpu.async_copy(y_sp.at[src_v.at[j]], rows_v.at[b], gsems[b])

        def drain_g(b):
            pltpu.make_async_copy(
                y_sp.at[pl.ds(0, CH)], rows_v.at[b], gsems[b]
            ).wait()

        def scatter(j, b):
            pltpu.async_copy(rows_v.at[b], acc.at[dst_v.at[j]], ssems[b],
                             add=True)

        def drain_s(b):
            pltpu.make_async_copy(
                rows_v.at[b], acc.at[pl.ds(0, CH)], ssems[b]
            ).wait()

        _pipeline4(npt, fire, drain_g, scatter, drain_s)

        plsc.subcore_barrier()
        pltpu.sync_copy(
            acc.at[pl.ds(r0, ROWS_PER_TILE)], out_hbm.at[c, pl.ds(r0, ROWS_PER_TILE)]
        )

    return agg_kernel


def _t1(d0, d1, xp):

    def body(d0_ref, d1_ref, x_ref, y_ref, dis_ref):
        i = pl.program_id(0)
        deg = d0_ref[:, 0:1] + d1_ref[:, 0:1] + 1.0
        dis = lax.rsqrt(deg)
        row = lax.broadcasted_iota(jnp.int32, (BLK, 1), 0) + i * BLK
        dis = jnp.where(row < N, dis, 0.0)
        disb = jnp.broadcast_to(dis, (BLK, 128))
        dis_ref[...] = jnp.broadcast_to(dis, (BLK, DEGW))
        y = x_ref[...] * disb
        y_ref[0] = y[:, :64]
        y_ref[1] = y[:, 64:]

    return pl.pallas_call(
        body,
        grid=(GRID,),
        in_specs=[
            pl.BlockSpec((BLK, DEGW), lambda i: (i, 0)),
            pl.BlockSpec((BLK, DEGW), lambda i: (i, 0)),
            pl.BlockSpec((BLK, 128), lambda i: (i, 0)),
        ],
        out_specs=[
            pl.BlockSpec((2, BLK, 64), lambda i: (0, i, 0)),
            pl.BlockSpec((BLK, DEGW), lambda i: (i, 0)),
        ],
        out_shape=[
            jax.ShapeDtypeStruct((2, NPAD, 64), jnp.float32),
            jax.ShapeDtypeStruct((NPAD, DEGW), jnp.float32),
        ],
    )(d0, d1, xp)


def _t2(p, disb, W1, b1, W2):

    def body(p_ref, dis_ref, w1_ref, b1_ref, w2_ref, y2_ref):
        d1 = dis_ref[:, 0:1]
        agg = jnp.concatenate([p_ref[0], p_ref[1]], axis=1)
        a = jnp.broadcast_to(d1, (BLK, 128)) * agg
        h = jnp.dot(a, w1_ref[...], preferred_element_type=jnp.float32) + b1_ref[...]
        h = jnp.maximum(h, 0.0)
        z2 = jnp.dot(h, w2_ref[...], preferred_element_type=jnp.float32)
        y2_ref[...] = jnp.broadcast_to(d1, (BLK, 40)) * z2

    return pl.pallas_call(
        body,
        grid=(GRID,),
        in_specs=[
            pl.BlockSpec((2, BLK, 64), lambda i: (0, i, 0)),
            pl.BlockSpec((BLK, DEGW), lambda i: (i, 0)),
            pl.BlockSpec((128, 256), lambda i: (0, 0)),
            pl.BlockSpec((1, 256), lambda i: (0, 0)),
            pl.BlockSpec((256, 40), lambda i: (0, 0)),
        ],
        out_specs=pl.BlockSpec((BLK, 40), lambda i: (i, 0)),
        out_shape=jax.ShapeDtypeStruct((NPAD, 40), jnp.float32),
    )(p, disb, W1, b1, W2)


def _t3(q0, q1, disb, b2):

    def body(q0_ref, q1_ref, dis_ref, b2_ref, out_ref):
        d1 = jnp.broadcast_to(dis_ref[:, 0:1], (BLK, 40))
        t = d1 * (q0_ref[...] + q1_ref[...]) + b2_ref[...]
        m = jnp.max(t, axis=1, keepdims=True)
        e = t - m
        out_ref[...] = e - jnp.log(jnp.sum(jnp.exp(e), axis=1, keepdims=True))

    return pl.pallas_call(
        body,
        grid=(GRID,),
        in_specs=[
            pl.BlockSpec((BLK, 40), lambda i: (i, 0)),
            pl.BlockSpec((BLK, 40), lambda i: (i, 0)),
            pl.BlockSpec((BLK, DEGW), lambda i: (i, 0)),
            pl.BlockSpec((1, 40), lambda i: (0, 0)),
        ],
        out_specs=pl.BlockSpec((BLK, 40), lambda i: (i, 0)),
        out_shape=jax.ShapeDtypeStruct((NPAD, 40), jnp.float32),
    )(q0, q1, disb, b2)


def kernel(x, edge_index, W1, b1, W2, b2):
    ei = edge_index.astype(jnp.int32)
    E = ei.shape[1]
    nchunks = -(-E // (CH * NW * 10)) * NW * 10
    EPAD = nchunks * CH
    pad = EPAD - E
    padv = jnp.full((pad,), DUMMY, jnp.int32)
    src = jnp.concatenate([ei[0], padv]).reshape(-1, CH)
    dst = jnp.concatenate([ei[1], padv]).reshape(-1, CH)

    xp = jnp.pad(x, ((0, NPAD - N), (0, 0)))
    z16 = jnp.zeros((NPAD, DEGW), jnp.float32)
    z40 = jnp.zeros((NPAD, 40), jnp.float32)
    ones16 = jnp.ones((CH, DEGW), jnp.float32)

    degp = _make_deg(nchunks // NW)(dst, z16, ones16)
    y, disb = _t1(degp[0], degp[1], xp)
    p = _make_agg1(nchunks // NS)(y, src, dst)
    y2 = _t2(p, disb, W1, b1.reshape(1, -1), W2)
    q = _make_agg2(nchunks // NW)(y2, src, dst, z40)
    out = _t3(q[0], q[1], disb, b2.reshape(1, -1))
    return out[:N]

# --- scband reference (transcript-rebuilt; emitter-appended) ---
"""Pipeline reference for scband-gcn-24283745091814 (READ-ONLY COPY).

The authoritative reference and input builder live on the scoring server;
editing this copy changes nothing except your own understanding.
"""

import jax, jax.numpy as jnp
import numpy as np

N_NODES = 10000


def gcn_conv(x, edge_index, W, b):
    n = x.shape[0]
    src = edge_index[0]
    dst = edge_index[1]
    loop = jnp.arange(n, dtype=edge_index.dtype)
    src = jnp.concatenate([src, loop])
    dst = jnp.concatenate([dst, loop])
    # symmetric normalization D^{-1/2} (A+I) D^{-1/2}
    deg = jnp.zeros((n,), dtype=x.dtype).at[dst].add(1.0)
    deg_inv_sqrt = jnp.where(deg > 0, 1.0 / jnp.sqrt(deg), 0.0)
    norm = deg_inv_sqrt[src] * deg_inv_sqrt[dst]
    xw = x @ W
    msgs = xw[src] * norm[:, None]
    out = jax.ops.segment_sum(msgs, dst, num_segments=n)
    return out + b


def setup_inputs(seed: int = 0) -> dict:
    key = jax.random.key(seed)
    k1, k2, k3, k4, k5 = jax.random.split(key, 5)
    x = jax.random.normal(k1, (N_NODES, 128), dtype=jnp.float32)
    edge_index = jax.random.randint(k2, (2, 320000), 0, N_NODES, dtype=jnp.int64)
    W1 = jax.random.normal(k3, (128, 256), dtype=jnp.float32) * (1.0 / np.sqrt(128))
    b1 = jnp.zeros((256,), dtype=jnp.float32)
    W2 = jax.random.normal(k4, (256, 40), dtype=jnp.float32) * (1.0 / np.sqrt(256))
    b2 = jnp.zeros((40,), dtype=jnp.float32)
    return {"x": x, "edge_index": edge_index, "W1": W1, "b1": b1, "W2": W2, "b2": b2}


def reference(x, edge_index, W1, b1, W2, b2):
    h = gcn_conv(x, edge_index, W1, b1)
    h = jax.nn.relu(h)
    # F.dropout(training=self.training): identity in eval mode
    out = gcn_conv(h, edge_index, W2, b2)
    return jax.nn.log_softmax(out, axis=1)

if __name__ == "__main__":
    import jax
    _d = setup_inputs()
    print(jax.jit(kernel)(*tuple(_d.values())))

</pallas_src>

<mosaic_0001>
#map = affine_map<(d0, d1) -> (0, 0)>
#map1 = affine_map<(d0, d1) -> (0, 0, 0)>
module attributes {stable_mosaic.version = 14 : i64} {
  func.func @deg_kernel(%arg0: i32, %arg1: i32, %arg2: memref<2560x128xi32, #tpu.memory_space<hbm>>, %arg3: memref<10240x16xf32, #tpu.memory_space<hbm>>, %arg4: memref<128x16xf32, #tpu.memory_space<hbm>>, %arg5: memref<2x10240x16xf32, #tpu.memory_space<hbm>>, %arg6: memref<80x128xi32, #tpu.memory_space<vmem>>, %arg7: memref<128x16xf32, #tpu.memory_space<vmem>>, %arg8: memref<10240x16xf32, #tpu.memory_space<vmem_shared>>, %arg9: memref<!tpu.dma_semaphore, #tpu.memory_space<semaphore_mem>>, %arg10: memref<!tpu.dma_semaphore, #tpu.memory_space<semaphore_mem>>, %arg11: memref<!tpu.dma_semaphore, #tpu.memory_space<semaphore_mem>>, %arg12: memref<!tpu.dma_semaphore, #tpu.memory_space<semaphore_mem>>) attributes {dimension_semantics = [#tpu.dimension_semantics<core_parallel>, #tpu.dimension_semantics<subcore_parallel>], iteration_bounds = array<i64: 2, 16>, scalar_prefetch = 0 : i64, scratch_operands = 7 : i64, tpu.core_type = #tpu.core_type<sc_vector_subcore>, window_params = [{transform_indices = #map}, {transform_indices = #map}, {transform_indices = #map}, {transform_indices = #map1}]} {
    %mul3A = arith.constant 2 : i32
    %mul3A_0 = arith.muli %arg1, %mul3A : i32
    %add3A = arith.addi %mul3A_0, %arg0 : i32
    %mul3A_1 = arith.constant 640 : i32
    %mul3A_2 = arith.muli %arg1, %mul3A_1 : i32
    "tpu.region"() ({
      %run_scoped3A = tpu.sem_alloc : memref<!tpu.dma_semaphore, #tpu.memory_space<semaphore_mem>>
      %dma_start3A = arith.constant 0 : i32
      %dma_start3A_33 = tpu.memref_slice %arg8[%mul3A_2, %dma_start3A] : memref<10240x16xf32, #tpu.memory_space<vmem_shared>> -> memref<640x16xf32, #tpu.memory_space<vmem_shared>>
      %dma_start3A_34 = arith.constant 0 : i32
      %dma_start3A_35 = tpu.memref_slice %arg3[%mul3A_2, %dma_start3A_34] : memref<10240x16xf32, #tpu.memory_space<hbm>> -> memref<640x16xf32, #tpu.memory_space<hbm>>
      tpu.enqueue_dma source(%dma_start3A_35 : memref<640x16xf32, #tpu.memory_space<hbm>>) target(%dma_start3A_33 : memref<640x16xf32, #tpu.memory_space<vmem_shared>>) target_semaphore(%run_scoped3A : memref<!tpu.dma_semaphore, #tpu.memory_space<semaphore_mem>>)
      %dma_wait3A_36 = arith.constant 0 : i32
      %dma_wait3A_37 = tpu.memref_slice %arg8[%mul3A_2, %dma_wait3A_36] : memref<10240x16xf32, #tpu.memory_space<vmem_shared>> -> memref<640x16xf32, #tpu.memory_space<vmem_shared>>
      %dma_wait3A_38 = arith.constant 0 : i32
      %dma_wait3A_39 = tpu.memref_slice %arg3[%mul3A_2, %dma_wait3A_38] : memref<10240x16xf32, #tpu.memory_space<hbm>> -> memref<640x16xf32, #tpu.memory_space<hbm>>
      tpu.wait_dma2 semaphore(%run_scoped3A : memref<!tpu.dma_semaphore, #tpu.memory_space<semaphore_mem>>) src(%dma_wait3A_39 : memref<640x16xf32, #tpu.memory_space<hbm>>) dst(%dma_wait3A_37 : memref<640x16xf32, #tpu.memory_space<vmem_shared>>)
      tpu.yield
    }) : () -> ()
    "tpu.region"() ({
      %run_scoped3A = tpu.sem_alloc : memref<!tpu.dma_semaphore, #tpu.memory_space<semaphore_mem>>
      tpu.enqueue_dma source(%arg4 : memref<128x16xf32, #tpu.memory_space<hbm>>) target(%arg7 : memref<128x16xf32, #tpu.memory_space<vmem>>) target_semaphore(%run_scoped3A : memref<!tpu.dma_semaphore, #tpu.memory_space<semaphore_mem>>)
      tpu.wait_dma2 semaphore(%run_scoped3A : memref<!tpu.dma_semaphore, #tpu.memory_space<semaphore_mem>>) src(%arg4 : memref<128x16xf32, #tpu.memory_space<hbm>>) dst(%arg7 : memref<128x16xf32, #tpu.memory_space<vmem>>)
      tpu.yield
    }) : () -> ()
    %mul3A_3 = arith.constant 80 : i32
    %mul3A_4 = arith.muli %add3A, %mul3A_3 : i32
    "tpu.region"() ({
      %run_scoped3A = tpu.sem_alloc : memref<!tpu.dma_semaphore, #tpu.memory_space<semaphore_mem>>
      %dma_start3A = arith.constant 0 : i32
      %dma_start3A_33 = tpu.memref_slice %arg2[%mul3A_4, %dma_start3A] : memref<2560x128xi32, #tpu.memory_space<hbm>> -> memref<80x128xi32, #tpu.memory_space<hbm>>
      %dma_start3A_34 = arith.constant 0 : i32
      %dma_start3A_35 = tpu.memref_slice %arg2[%mul3A_4, %dma_start3A_34] : memref<2560x128xi32, #tpu.memory_space<hbm>> -> memref<80x128xi32, #tpu.memory_space<hbm>>
      tpu.enqueue_dma source(%dma_start3A_35 : memref<80x128xi32, #tpu.memory_space<hbm>>) target(%arg6 : memref<80x128xi32, #tpu.memory_space<vmem>>) target_semaphore(%run_scoped3A : memref<!tpu.dma_semaphore, #tpu.memory_space<semaphore_mem>>)
      %dma_wait3A_36 = arith.constant 0 : i32
      %dma_wait3A_37 = tpu.memref_slice %arg2[%mul3A_4, %dma_wait3A_36] : memref<2560x128xi32, #tpu.memory_space<hbm>> -> memref<80x128xi32, #tpu.memory_space<hbm>>
      %dma_wait3A_38 = arith.constant 0 : i32
      %dma_wait3A_39 = tpu.memref_slice %arg2[%mul3A_4, %dma_wait3A_38] : memref<2560x128xi32, #tpu.memory_space<hbm>> -> memref<80x128xi32, #tpu.memory_space<hbm>>
      tpu.wait_dma2 semaphore(%run_scoped3A : memref<!tpu.dma_semaphore, #tpu.memory_space<semaphore_mem>>) src(%dma_wait3A_39 : memref<80x128xi32, #tpu.memory_space<hbm>>) dst(%arg6 : memref<80x128xi32, #tpu.memory_space<vmem>>)
      tpu.yield
    }) : () -> ()
    %barrier3A = arith.constant 0 : index
    tpu.barrier barrier_id(%barrier3A)
    %scan3A = arith.constant 0 : i32
    %scan3A_5 = arith.constant 20 : i32
    %scan3A_6 = arith.addi %scan3A, %scan3A_5 : i32
    %scan3A_7 = arith.constant 1 : i32
    scf.for %scan3A_33 = %scan3A to %scan3A_6 step %scan3A_7  : i32 {
      %mul3A_34 = arith.constant 1 : i32
      %mul3A_35 = arith.muli %scan3A_33, %mul3A_34 : i32
      %add3A_36 = arith.constant 0 : i32
      %add3A_37 = arith.addi %add3A_36, %mul3A_35 : i32
      %mul3A_38 = arith.constant 4 : i32
      %mul3A_39 = arith.muli %add3A_37, %mul3A_38 : i32
      %gt3A = arith.constant 0 : i32
      %gt3A_40 = arith.cmpi sgt, %mul3A_39, %gt3A : i32
      %convert_element_type3A = arith.extui %gt3A_40 : i1 to i32
      %cond3A = arith.constant 0 : i32
      %cond3A_41 = arith.cmpi ne, %convert_element_type3A, %cond3A : i32
      scf.if %cond3A_41 {
        %dma_wait3A_88 = arith.constant 0 : i32
        %dma_wait3A_89 = arith.constant 0 : i32
        %dma_wait3A_90 = tpu.memref_slice %arg8[%dma_wait3A_88, %dma_wait3A_89] : memref<10240x16xf32, #tpu.memory_space<vmem_shared>> -> memref<128x16xf32, #tpu.memory_space<vmem_shared>>
        %dma_wait3A_91 = arith.constant 0 : i32
        %dma_wait3A_92 = arith.constant 0 : i32
        %dma_wait3A_93 = tpu.memref_slice %arg8[%dma_wait3A_91, %dma_wait3A_92] : memref<10240x16xf32, #tpu.memory_space<vmem_shared>> -> memref<128x16xf32, #tpu.memory_space<vmem_shared>>
        tpu.wait_dma2 semaphore(%arg9 : memref<!tpu.dma_semaphore, #tpu.memory_space<semaphore_mem>>) src(%arg7 : memref<128x16xf32, #tpu.memory_space<vmem>>) dst(%dma_wait3A_93 : memref<128x16xf32, #tpu.memory_space<vmem_shared>>)
      } else {
      }
      %add3A_42 = arith.constant 0 : i32
      %add3A_43 = arith.addi %mul3A_39, %add3A_42 : i32
      %dma_start3A = arith.constant 0 : i32
      %dma_start3A_44 = tpu.memref_slice %arg6[%add3A_43, %dma_start3A] : memref<80x128xi32, #tpu.memory_space<vmem>> -> memref<1x128xi32, #tpu.memory_space<vmem>>
      %dma_start3A_45 = tpu.memref_squeeze %dma_start3A_44 : memref<1x128xi32, #tpu.memory_space<vmem>> -> memref<128xi32, #tpu.memory_space<vmem>>
      %dma_start3A_46 = arith.constant 0 : i32
      %dma_start3A_47 = arith.constant 0 : i32
      %dma_start3A_48 = tpu.memref_slice %arg8[%dma_start3A_46, %dma_start3A_47] : memref<10240x16xf32, #tpu.memory_space<vmem_shared>> -> memref<10240x16xf32, #tpu.memory_space<vmem_shared>>
      tpu.enqueue_indirect_dma source(%arg7 : memref<128x16xf32, #tpu.memory_space<vmem>>) target(%dma_start3A_48 : memref<10240x16xf32, #tpu.memory_space<vmem_shared>>) offsets(%dma_start3A_45 : memref<128xi32, #tpu.memory_space<vmem>>) semaphore(%arg9 : memref<!tpu.dma_semaphore, #tpu.memory_space<semaphore_mem>>) {add = true}
      %gt3A_49 = arith.constant 0 : i32
      %gt3A_50 = arith.cmpi sgt, %mul3A_39, %gt3A_49 : i32
      %convert_element_type3A_51 = arith.extui %gt3A_50 : i1 to i32
      %cond3A_52 = arith.constant 0 : i32
      %cond3A_53 = arith.cmpi ne, %convert_element_type3A_51, %cond3A_52 : i32
      scf.if %cond3A_53 {
        %dma_wait3A_88 = arith.constant 0 : i32
        %dma_wait3A_89 = arith.constant 0 : i32
        %dma_wait3A_90 = tpu.memref_slice %arg8[%dma_wait3A_88, %dma_wait3A_89] : memref<10240x16xf32, #tpu.memory_space<vmem_shared>> -> memref<128x16xf32, #tpu.memory_space<vmem_shared>>
        %dma_wait3A_91 = arith.constant 0 : i32
        %dma_wait3A_92 = arith.constant 0 : i32
        %dma_wait3A_93 = tpu.memref_slice %arg8[%dma_wait3A_91, %dma_wait3A_92] : memref<10240x16xf32, #tpu.memory_space<vmem_shared>> -> memref<128x16xf32, #tpu.memory_space<vmem_shared>>
        tpu.wait_dma2 semaphore(%arg10 : memref<!tpu.dma_semaphore, #tpu.memory_space<semaphore_mem>>) src(%arg7 : memref<128x16xf32, #tpu.memory_space<vmem>>) dst(%dma_wait3A_93 : memref<128x16xf32, #tpu.memory_space<vmem_shared>>)
      } else {
      }
      %add3A_54 = arith.constant 1 : i32
      %add3A_55 = arith.addi %mul3A_39, %add3A_54 : i32
      %dma_start3A_56 = arith.constant 0 : i32
      %dma_start3A_57 = tpu.memref_slice %arg6[%add3A_55, %dma_start3A_56] : memref<80x128xi32, #tpu.memory_space<vmem>> -> memref<1x128xi32, #tpu.memory_space<vmem>>
      %dma_start3A_58 = tpu.memref_squeeze %dma_start3A_57 : memref<1x128xi32, #tpu.memory_space<vmem>> -> memref<128xi32, #tpu.memory_space<vmem>>
      %dma_start3A_59 = arith.constant 0 : i32
      %dma_start3A_60 = arith.constant 0 : i32
      %dma_start3A_61 = tpu.memref_slice %arg8[%dma_start3A_59, %dma_start3A_60] : memref<10240x16xf32, #tpu.memory_space<vmem_shared>> -> memref<10240x16xf32, #tpu.memory_space<vmem_shared>>
      tpu.enqueue_indirect_dma source(%arg7 : memref<128x16xf32, #tpu.memory_space<vmem>>) target(%dma_start3A_61 : memref<10240x16xf32, #tpu.memory_space<vmem_shared>>) offsets(%dma_start3A_58 : memref<128xi32, #tpu.memory_space<vmem>>) semaphore(%arg10 : memref<!tpu.dma_semaphore, #tpu.memory_space<semaphore_mem>>) {add = true}
      %gt3A_62 = arith.constant 0 : i32
      %gt3A_63 = arith.cmpi sgt, %mul3A_39, %gt3A_62 : i32
      %convert_element_type3A_64 = arith.extui %gt3A_63 : i1 to i32
      %cond3A_65 = arith.constant 0 : i32
      %cond3A_66 = arith.cmpi ne, %convert_element_type3A_64, %cond3A_65 : i32
      scf.if %cond3A_66 {
        %dma_wait3A_88 = arith.constant 0 : i32
        %dma_wait3A_89 = arith.constant 0 : i32
        %dma_wait3A_90 = tpu.memref_slice %arg8[%dma_wait3A_88, %dma_wait3A_89] : memref<10240x16xf32, #tpu.memory_space<vmem_shared>> -> memref<128x16xf32, #tpu.memory_space<vmem_shared>>
        %dma_wait3A_91 = arith.constant 0 : i32
        %dma_wait3A_92 = arith.constant 0 : i32
        %dma_wait3A_93 = tpu.memref_slice %arg8[%dma_wait3A_91, %dma_wait3A_92] : memref<10240x16xf32, #tpu.memory_space<vmem_shared>> -> memref<128x16xf32, #tpu.memory_space<vmem_shared>>
        tpu.wait_dma2 semaphore(%arg11 : memref<!tpu.dma_semaphore, #tpu.memory_space<semaphore_mem>>) src(%arg7 : memref<128x16xf32, #tpu.memory_space<vmem>>) dst(%dma_wait3A_93 : memref<128x16xf32, #tpu.memory_space<vmem_shared>>)
      } else {
      }
      %add3A_67 = arith.constant 2 : i32
      %add3A_68 = arith.addi %mul3A_39, %add3A_67 : i32
      %dma_start3A_69 = arith.constant 0 : i32
      %dma_start3A_70 = tpu.memref_slice %arg6[%add3A_68, %dma_start3A_69] : memref<80x128xi32, #tpu.memory_space<vmem>> -> memref<1x128xi32, #tpu.memory_space<vmem>>
      %dma_start3A_71 = tpu.memref_squeeze %dma_start3A_70 : memref<1x128xi32, #tpu.memory_space<vmem>> -> memref<128xi32, #tpu.memory_space<vmem>>
      %dma_start3A_72 = arith.constant 0 : i32
      %dma_start3A_73 = arith.constant 0 : i32
      %dma_start3A_74 = tpu.memref_slice %arg8[%dma_start3A_72, %dma_start3A_73] : memref<10240x16xf32, #tpu.memory_space<vmem_shared>> -> memref<10240x16xf32, #tpu.memory_space<vmem_shared>>
      tpu.enqueue_indirect_dma source(%arg7 : memref<128x16xf32, #tpu.memory_space<vmem>>) target(%dma_start3A_74 : memref<10240x16xf32, #tpu.memory_space<vmem_shared>>) offsets(%dma_start3A_71 : memref<128xi32, #tpu.memory_space<vmem>>) semaphore(%arg11 : memref<!tpu.dma_semaphore, #tpu.memory_space<semaphore_mem>>) {add = true}
      %gt3A_75 = arith.constant 0 : i32
      %gt3A_76 = arith.cmpi sgt, %mul3A_39, %gt3A_75 : i32
      %convert_element_type3A_77 = arith.extui %gt3A_76 : i1 to i32
      %cond3A_78 = arith.constant 0 : i32
      %cond3A_79 = arith.cmpi ne, %convert_element_type3A_77, %cond3A_78 : i32
      scf.if %cond3A_79 {
        %dma_wait3A_88 = arith.constant 0 : i32
        %dma_wait3A_89 = arith.constant 0 : i32
        %dma_wait3A_90 = tpu.memref_slice %arg8[%dma_wait3A_88, %dma_wait3A_89] : memref<10240x16xf32, #tpu.memory_space<vmem_shared>> -> memref<128x16xf32, #tpu.memory_space<vmem_shared>>
        %dma_wait3A_91 = arith.constant 0 : i32
        %dma_wait3A_92 = arith.constant 0 : i32
        %dma_wait3A_93 = tpu.memref_slice %arg8[%dma_wait3A_91, %dma_wait3A_92] : memref<10240x16xf32, #tpu.memory_space<vmem_shared>> -> memref<128x16xf32, #tpu.memory_space<vmem_shared>>
        tpu.wait_dma2 semaphore(%arg12 : memref<!tpu.dma_semaphore, #tpu.memory_space<semaphore_mem>>) src(%arg7 : memref<128x16xf32, #tpu.memory_space<vmem>>) dst(%dma_wait3A_93 : memref<128x16xf32, #tpu.memory_space<vmem_shared>>)
      } else {
      }
      %add3A_80 = arith.constant 3 : i32
      %add3A_81 = arith.addi %mul3A_39, %add3A_80 : i32
      %dma_start3A_82 = arith.constant 0 : i32
      %dma_start3A_83 = tpu.memref_slice %arg6[%add3A_81, %dma_start3A_82] : memref<80x128xi32, #tpu.memory_space<vmem>> -> memref<1x128xi32, #tpu.memory_space<vmem>>
      %dma_start3A_84 = tpu.memref_squeeze %dma_start3A_83 : memref<1x128xi32, #tpu.memory_space<vmem>> -> memref<128xi32, #tpu.memory_space<vmem>>
      %dma_start3A_85 = arith.constant 0 : i32
      %dma_start3A_86 = arith.constant 0 : i32
      %dma_start3A_87 = tpu.memref_slice %arg8[%dma_start3A_85, %dma_start3A_86] : memref<10240x16xf32, #tpu.memory_space<vmem_shared>> -> memref<10240x16xf32, #tpu.memory_space<vmem_shared>>
      tpu.enqueue_indirect_dma source(%arg7 : memref<128x16xf32, #tpu.memory_space<vmem>>) target(%dma_start3A_87 : memref<10240x16xf32, #tpu.memory_space<vmem_shared>>) offsets(%dma_start3A_84 : memref<128xi32, #tpu.memory_space<vmem>>) semaphore(%arg12 : memref<!tpu.dma_semaphore, #tpu.memory_space<semaphore_mem>>) {add = true}
    }
    %scan3A_8 = arith.constant 20 : i32
    %dma_wait3A = arith.constant 0 : i32
    %dma_wait3A_9 = arith.constant 0 : i32
    %dma_wait3A_10 = tpu.memref_slice %arg8[%dma_wait3A, %dma_wait3A_9] : memref<10240x16xf32, #tpu.memory_space<vmem_shared>> -> memref<128x16xf32, #tpu.memory_space<vmem_shared>>
    %dma_wait3A_11 = arith.constant 0 : i32
    %dma_wait3A_12 = arith.constant 0 : i32
    %dma_wait3A_13 = tpu.memref_slice %arg8[%dma_wait3A_11, %dma_wait3A_12] : memref<10240x16xf32, #tpu.memory_space<vmem_shared>> -> memref<128x16xf32, #tpu.memory_space<vmem_shared>>
    tpu.wait_dma2 semaphore(%arg9 : memref<!tpu.dma_semaphore, #tpu.memory_space<semaphore_mem>>) src(%arg7 : memref<128x16xf32, #tpu.memory_space<vmem>>) dst(%dma_wait3A_13 : memref<128x16xf32, #tpu.memory_space<vmem_shared>>)
    %dma_wait3A_14 = arith.constant 0 : i32
    %dma_wait3A_15 = arith.constant 0 : i32
    %dma_wait3A_16 = tpu.memref_slice %arg8[%dma_wait3A_14, %dma_wait3A_15] : memref<10240x16xf32, #tpu.memory_space<vmem_shared>> -> memref<128x16xf32, #tpu.memory_space<vmem_shared>>
    %dma_wait3A_17 = arith.constant 0 : i32
    %dma_wait3A_18 = arith.constant 0 : i32
    %dma_wait3A_19 = tpu.memref_slice %arg8[%dma_wait3A_17, %dma_wait3A_18] : memref<10240x16xf32, #tpu.memory_space<vmem_shared>> -> memref<128x16xf32, #tpu.memory_space<vmem_shared>>
    tpu.wait_dma2 semaphore(%arg10 : memref<!tpu.dma_semaphore, #tpu.memory_space<semaphore_mem>>) src(%arg7 : memref<128x16xf32, #tpu.memory_space<vmem>>) dst(%dma_wait3A_19 : memref<128x16xf32, #tpu.memory_space<vmem_shared>>)
    %dma_wait3A_20 = arith.constant 0 : i32
    %dma_wait3A_21 = arith.constant 0 : i32
    %dma_wait3A_22 = tpu.memref_slice %arg8[%dma_wait3A_20, %dma_wait3A_21] : memref<10240x16xf32, #tpu.memory_space<vmem_shared>> -> memref<128x16xf32, #tpu.memory_space<vmem_shared>>
    %dma_wait3A_23 = arith.constant 0 : i32
    %dma_wait3A_24 = arith.constant 0 : i32
    %dma_wait3A_25 = tpu.memref_slice %arg8[%dma_wait3A_23, %dma_wait3A_24] : memref<10240x16xf32, #tpu.memory_space<vmem_shared>> -> memref<128x16xf32, #tpu.memory_space<vmem_shared>>
    tpu.wait_dma2 semaphore(%arg11 : memref<!tpu.dma_semaphore, #tpu.memory_space<semaphore_mem>>) src(%arg7 : memref<128x16xf32, #tpu.memory_space<vmem>>) dst(%dma_wait3A_25 : memref<128x16xf32, #tpu.memory_space<vmem_shared>>)
    %dma_wait3A_26 = arith.constant 0 : i32
    %dma_wait3A_27 = arith.constant 0 : i32
    %dma_wait3A_28 = tpu.memref_slice %arg8[%dma_wait3A_26, %dma_wait3A_27] : memref<10240x16xf32, #tpu.memory_space<vmem_shared>> -> memref<128x16xf32, #tpu.memory_space<vmem_shared>>
    %dma_wait3A_29 = arith.constant 0 : i32
    %dma_wait3A_30 = arith.constant 0 : i32
    %dma_wait3A_31 = tpu.memref_slice %arg8[%dma_wait3A_29, %dma_wait3A_30] : memref<10240x16xf32, #tpu.memory_space<vmem_shared>> -> memref<128x16xf32, #tpu.memory_space<vmem_shared>>
    tpu.wait_dma2 semaphore(%arg12 : memref<!tpu.dma_semaphore, #tpu.memory_space<semaphore_mem>>) src(%arg7 : memref<128x16xf32, #tpu.memory_space<vmem>>) dst(%dma_wait3A_31 : memref<128x16xf32, #tpu.memory_space<vmem_shared>>)
    %barrier3A_32 = arith.constant 0 : index
    tpu.barrier barrier_id(%barrier3A_32)
    "tpu.region"() ({
      %run_scoped3A = tpu.sem_alloc : memref<!tpu.dma_semaphore, #tpu.memory_space<semaphore_mem>>
      %dma_start3A = arith.constant 0 : i32
      %dma_start3A_33 = tpu.memref_slice %arg5[%arg0, %mul3A_2, %dma_start3A] : memref<2x10240x16xf32, #tpu.memory_space<hbm>> -> memref<1x640x16xf32, #tpu.memory_space<hbm>>
      %dma_start3A_34 = tpu.memref_squeeze %dma_start3A_33 : memref<1x640x16xf32, #tpu.memory_space<hbm>> -> memref<640x16xf32, #tpu.memory_space<hbm>>
      %dma_start3A_35 = arith.constant 0 : i32
      %dma_start3A_36 = tpu.memref_slice %arg8[%mul3A_2, %dma_start3A_35] : memref<10240x16xf32, #tpu.memory_space<vmem_shared>> -> memref<640x16xf32, #tpu.memory_space<vmem_shared>>
      tpu.enqueue_dma source(%dma_start3A_36 : memref<640x16xf32, #tpu.memory_space<vmem_shared>>) target(%dma_start3A_34 : memref<640x16xf32, #tpu.memory_space<hbm>>) target_semaphore(%run_scoped3A : memref<!tpu.dma_semaphore, #tpu.memory_space<semaphore_mem>>)
      %dma_wait3A_37 = arith.constant 0 : i32
      %dma_wait3A_38 = tpu.memref_slice %arg5[%arg0, %mul3A_2, %dma_wait3A_37] : memref<2x10240x16xf32, #tpu.memory_space<hbm>> -> memref<1x640x16xf32, #tpu.memory_space<hbm>>
      %dma_wait3A_39 = tpu.memref_squeeze %dma_wait3A_38 : memref<1x640x16xf32, #tpu.memory_space<hbm>> -> memref<640x16xf32, #tpu.memory_space<hbm>>
      %dma_wait3A_40 = arith.constant 0 : i32
      %dma_wait3A_41 = tpu.memref_slice %arg8[%mul3A_2, %dma_wait3A_40] : memref<10240x16xf32, #tpu.memory_space<vmem_shared>> -> memref<640x16xf32, #tpu.memory_space<vmem_shared>>
      tpu.wait_dma2 semaphore(%run_scoped3A : memref<!tpu.dma_semaphore, #tpu.memory_space<semaphore_mem>>) src(%dma_wait3A_41 : memref<640x16xf32, #tpu.memory_space<vmem_shared>>) dst(%dma_wait3A_39 : memref<640x16xf32, #tpu.memory_space<hbm>>)
      tpu.yield
    }) : () -> ()
    return
  }
}

#map = affine_map<(d0, d1) -> (0, 0)>
#map1 = affine_map<(d0, d1) -> (0, 0, 0)>
module attributes {stable_mosaic.version = 14 : i64} {
  func.func @agg_kernel(%arg0: i32, %arg1: i32, %arg2: memref<10240x40xf32, #tpu.memory_space<hbm>>, %arg3: memref<2560x128xi32, #tpu.memory_space<hbm>>, %arg4: memref<2560x128xi32, #tpu.memory_space<hbm>>, %arg5: memref<10240x40xf32, #tpu.memory_space<hbm>>, %arg6: memref<2x10240x40xf32, #tpu.memory_space<hbm>>, %arg7: memref<80x128xi32, #tpu.memory_space<vmem>>, %arg8: memref<80x128xi32, #tpu.memory_space<vmem>>, %arg9: memref<4x128x40xf32, #tpu.memory_space<vmem>>, %arg10: memref<10240x40xf32, #tpu.memory_space<vmem_shared>>, %arg11: memref<10240x40xf32, #tpu.memory_space<vmem_shared>>, %arg12: memref<!tpu.dma_semaphore, #tpu.memory_space<semaphore_mem>>, %arg13: memref<!tpu.dma_semaphore, #tpu.memory_space<semaphore_mem>>, %arg14: memref<!tpu.dma_semaphore, #tpu.memory_space<semaphore_mem>>, %arg15: memref<!tpu.dma_semaphore, #tpu.memory_space<semaphore_mem>>, %arg16: memref<!tpu.dma_semaphore, #tpu.memory_space<semaphore_mem>>, %arg17: memref<!tpu.dma_semaphore, #tpu.memory_space<semaphore_mem>>, %arg18: memref<!tpu.dma_semaphore, #tpu.memory_space<semaphore_mem>>, %arg19: memref<!tpu.dma_semaphore, #tpu.memory_space<semaphore_mem>>) attributes {dimension_semantics = [#tpu.dimension_semantics<core_parallel>, #tpu.dimension_semantics<subcore_parallel>], iteration_bounds = array<i64: 2, 16>, scalar_prefetch = 0 : i64, scratch_operands = 13 : i64, tpu.core_type = #tpu.core_type<sc_vector_subcore>, window_params = [{transform_indices = #map}, {transform_indices = #map}, {transform_indices = #map}, {transform_indices = #map}, {transform_indices = #map1}]} {
    %mul3A = arith.constant 2 : i32
    %mul3A_0 = arith.muli %arg1, %mul3A : i32
    %add3A = arith.addi %mul3A_0, %arg0 : i32
    %mul3A_1 = arith.constant 640 : i32
    %mul3A_2 = arith.muli %arg1, %mul3A_1 : i32
    %eq3A = arith.constant 0 : i32
    %eq3A_3 = arith.cmpi eq, %arg0, %eq3A : i32
    %convert_element_type3A = arith.extui %eq3A_3 : i1 to i32
    %cond3A = arith.constant 0 : i32
    %cond3A_4 = arith.cmpi ne, %convert_element_type3A, %cond3A : i32
    scf.if %cond3A_4 {
      "tpu.region"() ({
        %run_scoped3A = tpu.sem_alloc : memref<!tpu.dma_semaphore, #tpu.memory_space<semaphore_mem>>
        %dma_start3A_71 = arith.constant 0 : i32
        %dma_start3A_72 = tpu.memref_slice %arg11[%mul3A_2, %dma_start3A_71] : memref<10240x40xf32, #tpu.memory_space<vmem_shared>> -> memref<640x40xf32, #tpu.memory_space<vmem_shared>>
        %dma_start3A_73 = arith.constant 0 : i32
        %dma_start3A_74 = tpu.memref_slice %arg2[%mul3A_2, %dma_start3A_73] : memref<10240x40xf32, #tpu.memory_space<hbm>> -> memref<640x40xf32, #tpu.memory_space<hbm>>
        tpu.enqueue_dma source(%dma_start3A_74 : memref<640x40xf32, #tpu.memory_space<hbm>>) target(%dma_start3A_72 : memref<640x40xf32, #tpu.memory_space<vmem_shared>>) target_semaphore(%run_scoped3A : memref<!tpu.dma_semaphore, #tpu.memory_space<semaphore_mem>>)
        %dma_wait3A_75 = arith.constant 0 : i32
        %dma_wait3A_76 = tpu.memref_slice %arg11[%mul3A_2, %dma_wait3A_75] : memref<10240x40xf32, #tpu.memory_space<vmem_shared>> -> memref<640x40xf32, #tpu.memory_space<vmem_shared>>
        %dma_wait3A_77 = arith.constant 0 : i32
        %dma_wait3A_78 = tpu.memref_slice %arg2[%mul3A_2, %dma_wait3A_77] : memref<10240x40xf32, #tpu.memory_space<hbm>> -> memref<640x40xf32, #tpu.memory_space<hbm>>
        tpu.wait_dma2 semaphore(%run_scoped3A : memref<!tpu.dma_semaphore, #tpu.memory_space<semaphore_mem>>) src(%dma_wait3A_78 : memref<640x40xf32, #tpu.memory_space<hbm>>) dst(%dma_wait3A_76 : memref<640x40xf32, #tpu.memory_space<vmem_shared>>)
        tpu.yield
      }) : () -> ()
    } else {
    }
    %eq3A_5 = arith.constant 1 : i32
    %eq3A_6 = arith.cmpi eq, %arg0, %eq3A_5 : i32
    %convert_element_type3A_7 = arith.extui %eq3A_6 : i1 to i32
    %cond3A_8 = arith.constant 0 : i32
    %cond3A_9 = arith.cmpi ne, %convert_element_type3A_7, %cond3A_8 : i32
    scf.if %cond3A_9 {
      "tpu.region"() ({
        %run_scoped3A = tpu.sem_alloc : memref<!tpu.dma_semaphore, #tpu.memory_space<semaphore_mem>>
        %dma_start3A_71 = arith.constant 0 : i32
        %dma_start3A_72 = tpu.memref_slice %arg11[%mul3A_2, %dma_start3A_71] : memref<10240x40xf32, #tpu.memory_space<vmem_shared>> -> memref<640x40xf32, #tpu.memory_space<vmem_shared>>
        %dma_start3A_73 = arith.constant 0 : i32
        %dma_start3A_74 = tpu.memref_slice %arg5[%mul3A_2, %dma_start3A_73] : memref<10240x40xf32, #tpu.memory_space<hbm>> -> memref<640x40xf32, #tpu.memory_space<hbm>>
        tpu.enqueue_dma source(%dma_start3A_74 : memref<640x40xf32, #tpu.memory_space<hbm>>) target(%dma_start3A_72 : memref<640x40xf32, #tpu.memory_space<vmem_shared>>) target_semaphore(%run_scoped3A : memref<!tpu.dma_semaphore, #tpu.memory_space<semaphore_mem>>)
        %dma_wait3A_75 = arith.constant 0 : i32
        %dma_wait3A_76 = tpu.memref_slice %arg11[%mul3A_2, %dma_wait3A_75] : memref<10240x40xf32, #tpu.memory_space<vmem_shared>> -> memref<640x40xf32, #tpu.memory_space<vmem_shared>>
        %dma_wait3A_77 = arith.constant 0 : i32
        %dma_wait3A_78 = tpu.memref_slice %arg5[%mul3A_2, %dma_wait3A_77] : memref<10240x40xf32, #tpu.memory_space<hbm>> -> memref<640x40xf32, #tpu.memory_space<hbm>>
        tpu.wait_dma2 semaphore(%run_scoped3A : memref<!tpu.dma_semaphore, #tpu.memory_space<semaphore_mem>>) src(%dma_wait3A_78 : memref<640x40xf32, #tpu.memory_space<hbm>>) dst(%dma_wait3A_76 : memref<640x40xf32, #tpu.memory_space<vmem_shared>>)
        tpu.yield
      }) : () -> ()
    } else {
    }
    "tpu.region"() ({
      %run_scoped3A = tpu.sem_alloc : memref<!tpu.dma_semaphore, #tpu.memory_space<semaphore_mem>>
      %dma_start3A_71 = arith.constant 0 : i32
      %dma_start3A_72 = tpu.memref_slice %arg10[%mul3A_2, %dma_start3A_71] : memref<10240x40xf32, #tpu.memory_space<vmem_shared>> -> memref<640x40xf32, #tpu.memory_space<vmem_shared>>
      %dma_start3A_73 = arith.constant 0 : i32
      %dma_start3A_74 = tpu.memref_slice %arg2[%mul3A_2, %dma_start3A_73] : memref<10240x40xf32, #tpu.memory_space<hbm>> -> memref<640x40xf32, #tpu.memory_space<hbm>>
      tpu.enqueue_dma source(%dma_start3A_74 : memref<640x40xf32, #tpu.memory_space<hbm>>) target(%dma_start3A_72 : memref<640x40xf32, #tpu.memory_space<vmem_shared>>) target_semaphore(%run_scoped3A : memref<!tpu.dma_semaphore, #tpu.memory_space<semaphore_mem>>)
      %dma_wait3A_75 = arith.constant 0 : i32
      %dma_wait3A_76 = tpu.memref_slice %arg10[%mul3A_2, %dma_wait3A_75] : memref<10240x40xf32, #tpu.memory_space<vmem_shared>> -> memref<640x40xf32, #tpu.memory_space<vmem_shared>>
      %dma_wait3A_77 = arith.constant 0 : i32
      %dma_wait3A_78 = tpu.memref_slice %arg2[%mul3A_2, %dma_wait3A_77] : memref<10240x40xf32, #tpu.memory_space<hbm>> -> memref<640x40xf32, #tpu.memory_space<hbm>>
      tpu.wait_dma2 semaphore(%run_scoped3A : memref<!tpu.dma_semaphore, #tpu.memory_space<semaphore_mem>>) src(%dma_wait3A_78 : memref<640x40xf32, #tpu.memory_space<hbm>>) dst(%dma_wait3A_76 : memref<640x40xf32, #tpu.memory_space<vmem_shared>>)
      tpu.yield
    }) : () -> ()
    %mul3A_10 = arith.constant 80 : i32
    %mul3A_11 = arith.muli %add3A, %mul3A_10 : i32
    "tpu.region"() ({
      %run_scoped3A = tpu.sem_alloc : memref<!tpu.dma_semaphore, #tpu.memory_space<semaphore_mem>>
      %dma_start3A_71 = arith.constant 0 : i32
      %dma_start3A_72 = tpu.memref_slice %arg3[%mul3A_11, %dma_start3A_71] : memref<2560x128xi32, #tpu.memory_space<hbm>> -> memref<80x128xi32, #tpu.memory_space<hbm>>
      %dma_start3A_73 = arith.constant 0 : i32
      %dma_start3A_74 = tpu.memref_slice %arg3[%mul3A_11, %dma_start3A_73] : memref<2560x128xi32, #tpu.memory_space<hbm>> -> memref<80x128xi32, #tpu.memory_space<hbm>>
      tpu.enqueue_dma source(%dma_start3A_74 : memref<80x128xi32, #tpu.memory_space<hbm>>) target(%arg7 : memref<80x128xi32, #tpu.memory_space<vmem>>) target_semaphore(%run_scoped3A : memref<!tpu.dma_semaphore, #tpu.memory_space<semaphore_mem>>)
      %dma_wait3A_75 = arith.constant 0 : i32
      %dma_wait3A_76 = tpu.memref_slice %arg3[%mul3A_11, %dma_wait3A_75] : memref<2560x128xi32, #tpu.memory_space<hbm>> -> memref<80x128xi32, #tpu.memory_space<hbm>>
      %dma_wait3A_77 = arith.constant 0 : i32
      %dma_wait3A_78 = tpu.memref_slice %arg3[%mul3A_11, %dma_wait3A_77] : memref<2560x128xi32, #tpu.memory_space<hbm>> -> memref<80x128xi32, #tpu.memory_space<hbm>>
      tpu.wait_dma2 semaphore(%run_scoped3A : memref<!tpu.dma_semaphore, #tpu.memory_space<semaphore_mem>>) src(%dma_wait3A_78 : memref<80x128xi32, #tpu.memory_space<hbm>>) dst(%arg7 : memref<80x128xi32, #tpu.memory_space<vmem>>)
      tpu.yield
    }) : () -> ()
    %mul3A_12 = arith.constant 80 : i32
    %mul3A_13 = arith.muli %add3A, %mul3A_12 : i32
    "tpu.region"() ({
      %run_scoped3A = tpu.sem_alloc : memref<!tpu.dma_semaphore, #tpu.memory_space<semaphore_mem>>
      %dma_start3A_71 = arith.constant 0 : i32
      %dma_start3A_72 = tpu.memref_slice %arg4[%mul3A_13, %dma_start3A_71] : memref<2560x128xi32, #tpu.memory_space<hbm>> -> memref<80x128xi32, #tpu.memory_space<hbm>>
      %dma_start3A_73 = arith.constant 0 : i32
      %dma_start3A_74 = tpu.memref_slice %arg4[%mul3A_13, %dma_start3A_73] : memref<2560x128xi32, #tpu.memory_space<hbm>> -> memref<80x128xi32, #tpu.memory_space<hbm>>
      tpu.enqueue_dma source(%dma_start3A_74 : memref<80x128xi32, #tpu.memory_space<hbm>>) target(%arg8 : memref<80x128xi32, #tpu.memory_space<vmem>>) target_semaphore(%run_scoped3A : memref<!tpu.dma_semaphore, #tpu.memory_space<semaphore_mem>>)
      %dma_wait3A_75 = arith.constant 0 : i32
      %dma_wait3A_76 = tpu.memref_slice %arg4[%mul3A_13, %dma_wait3A_75] : memref<2560x128xi32, #tpu.memory_space<hbm>> -> memref<80x128xi32, #tpu.memory_space<hbm>>
      %dma_wait3A_77 = arith.constant 0 : i32
      %dma_wait3A_78 = tpu.memref_slice %arg4[%mul3A_13, %dma_wait3A_77] : memref<2560x128xi32, #tpu.memory_space<hbm>> -> memref<80x128xi32, #tpu.memory_space<hbm>>
      tpu.wait_dma2 semaphore(%run_scoped3A : memref<!tpu.dma_semaphore, #tpu.memory_space<semaphore_mem>>) src(%dma_wait3A_78 : memref<80x128xi32, #tpu.memory_space<hbm>>) dst(%arg8 : memref<80x128xi32, #tpu.memory_space<vmem>>)
      tpu.yield
    }) : () -> ()
    %barrier3A = arith.constant 0 : index
    tpu.barrier barrier_id(%barrier3A)
    %dma_start3A = arith.constant 0 : i32
    %dma_start3A_14 = arith.constant 0 : i32
    %dma_start3A_15 = arith.constant 0 : i32
    %dma_start3A_16 = arith.constant 0 : i32
    %dma_start3A_17 = tpu.memref_slice %arg9[%dma_start3A_14, %dma_start3A_15, %dma_start3A_16] : memref<4x128x40xf32, #tpu.memory_space<vmem>> -> memref<1x128x40xf32, #tpu.memory_space<vmem>>
    %dma_start3A_18 = tpu.memref_squeeze %dma_start3A_17 : memref<1x128x40xf32, #tpu.memory_space<vmem>> -> memref<128x40xf32, #tpu.memory_space<vmem>>
    %dma_start3A_19 = arith.constant 0 : i32
    %dma_start3A_20 = tpu.memref_slice %arg7[%dma_start3A, %dma_start3A_19] : memref<80x128xi32, #tpu.memory_space<vmem>> -> memref<1x128xi32, #tpu.memory_space<vmem>>
    %dma_start3A_21 = tpu.memref_squeeze %dma_start3A_20 : memref<1x128xi32, #tpu.memory_space<vmem>> -> memref<128xi32, #tpu.memory_space<vmem>>
    %dma_start3A_22 = arith.constant 0 : i32
    %dma_start3A_23 = arith.constant 0 : i32
    %dma_start3A_24 = tpu.memref_slice %arg10[%dma_start3A_22, %dma_start3A_23] : memref<10240x40xf32, #tpu.memory_space<vmem_shared>> -> memref<10240x40xf32, #tpu.memory_space<vmem_shared>>
    tpu.enqueue_indirect_dma source(%dma_start3A_24 : memref<10240x40xf32, #tpu.memory_space<vmem_shared>>) target(%dma_start3A_18 : memref<128x40xf32, #tpu.memory_space<vmem>>) offsets(%dma_start3A_21 : memref<128xi32, #tpu.memory_space<vmem>>) semaphore(%arg12 : memref<!tpu.dma_semaphore, #tpu.memory_space<semaphore_mem>>)
    %dma_start3A_25 = arith.constant 1 : i32
    %dma_start3A_26 = arith.constant 1 : i32
    %dma_start3A_27 = arith.constant 0 : i32
    %dma_start3A_28 = arith.constant 0 : i32
    %dma_start3A_29 = tpu.memref_slice %arg9[%dma_start3A_26, %dma_start3A_27, %dma_start3A_28] : memref<4x128x40xf32, #tpu.memory_space<vmem>> -> memref<1x128x40xf32, #tpu.memory_space<vmem>>
    %dma_start3A_30 = tpu.memref_squeeze %dma_start3A_29 : memref<1x128x40xf32, #tpu.memory_space<vmem>> -> memref<128x40xf32, #tpu.memory_space<vmem>>
    %dma_start3A_31 = arith.constant 0 : i32
    %dma_start3A_32 = tpu.memref_slice %arg7[%dma_start3A_25, %dma_start3A_31] : memref<80x128xi32, #tpu.memory_space<vmem>> -> memref<1x128xi32, #tpu.memory_space<vmem>>
    %dma_start3A_33 = tpu.memref_squeeze %dma_start3A_32 : memref<1x128xi32, #tpu.memory_space<vmem>> -> memref<128xi32, #tpu.memory_space<vmem>>
    %dma_start3A_34 = arith.constant 0 : i32
    %dma_start3A_35 = arith.constant 0 : i32
    %dma_start3A_36 = tpu.memref_slice %arg10[%dma_start3A_34, %dma_start3A_35] : memref<10240x40xf32, #tpu.memory_space<vmem_shared>> -> memref<10240x40xf32, #tpu.memory_space<vmem_shared>>
    tpu.enqueue_indirect_dma source(%dma_start3A_36 : memref<10240x40xf32, #tpu.memory_space<vmem_shared>>) target(%dma_start3A_30 : memref<128x40xf32, #tpu.memory_space<vmem>>) offsets(%dma_start3A_33 : memref<128xi32, #tpu.memory_space<vmem>>) semaphore(%arg13 : memref<!tpu.dma_semaphore, #tpu.memory_space<semaphore_mem>>)
    %scan3A = arith.constant 0 : i32
    %scan3A_37 = arith.constant 20 : i32
    %scan3A_38 = arith.addi %scan3A, %scan3A_37 : i32
    %scan3A_39 = arith.constant 1 : i32
    scf.for %scan3A_71 = %scan3A to %scan3A_38 step %scan3A_39  : i32 {
      %mul3A_72 = arith.constant 1 : i32
      %mul3A_73 = arith.muli %scan3A_71, %mul3A_72 : i32
      %add3A_74 = arith.constant 0 : i32
      %add3A_75 = arith.addi %add3A_74, %mul3A_73 : i32
      %mul3A_76 = arith.constant 4 : i32
      %mul3A_77 = arith.muli %add3A_75, %mul3A_76 : i32
      %add3A_78 = arith.constant 0 : i32
      %add3A_79 = arith.addi %mul3A_77, %add3A_78 : i32
      %dma_wait3A_80 = arith.constant 0 : i32
      %dma_wait3A_81 = arith.constant 0 : i32
      %dma_wait3A_82 = arith.constant 0 : i32
      %dma_wait3A_83 = tpu.memref_slice %arg9[%dma_wait3A_80, %dma_wait3A_81, %dma_wait3A_82] : memref<4x128x40xf32, #tpu.memory_space<vmem>> -> memref<1x128x40xf32, #tpu.memory_space<vmem>>
      %dma_wait3A_84 = tpu.memref_squeeze %dma_wait3A_83 : memref<1x128x40xf32, #tpu.memory_space<vmem>> -> memref<128x40xf32, #tpu.memory_space<vmem>>
      %dma_wait3A_85 = arith.constant 0 : i32
      %dma_wait3A_86 = arith.constant 0 : i32
      %dma_wait3A_87 = tpu.memref_slice %arg10[%dma_wait3A_85, %dma_wait3A_86] : memref<10240x40xf32, #tpu.memory_space<vmem_shared>> -> memref<128x40xf32, #tpu.memory_space<vmem_shared>>
      %dma_wait3A_88 = arith.constant 0 : i32
      %dma_wait3A_89 = arith.constant 0 : i32
      %dma_wait3A_90 = tpu.memref_slice %arg9[%dma_wait3A_80, %dma_wait3A_88, %dma_wait3A_89] : memref<4x128x40xf32, #tpu.memory_space<vmem>> -> memref<1x128x40xf32, #tpu.memory_space<vmem>>
      %dma_wait3A_91 = tpu.memref_squeeze %dma_wait3A_90 : memref<1x128x40xf32, #tpu.memory_space<vmem>> -> memref<128x40xf32, #tpu.memory_space<vmem>>
      %dma_wait3A_92 = arith.constant 0 : i32
      %dma_wait3A_93 = arith.constant 0 : i32
      %dma_wait3A_94 = tpu.memref_slice %arg10[%dma_wait3A_92, %dma_wait3A_93] : memref<10240x40xf32, #tpu.memory_space<vmem_shared>> -> memref<128x40xf32, #tpu.memory_space<vmem_shared>>
      tpu.wait_dma2 semaphore(%arg12 : memref<!tpu.dma_semaphore, #tpu.memory_space<semaphore_mem>>) src(%dma_wait3A_94 : memref<128x40xf32, #tpu.memory_space<vmem_shared>>) dst(%dma_wait3A_91 : memref<128x40xf32, #tpu.memory_space<vmem>>)
      %dma_start3A_95 = arith.constant 0 : i32
      %dma_start3A_96 = arith.constant 0 : i32
      %dma_start3A_97 = arith.constant 0 : i32
      %dma_start3A_98 = tpu.memref_slice %arg9[%dma_start3A_95, %dma_start3A_96, %dma_start3A_97] : memref<4x128x40xf32, #tpu.memory_space<vmem>> -> memref<1x128x40xf32, #tpu.memory_space<vmem>>
      %dma_start3A_99 = tpu.memref_squeeze %dma_start3A_98 : memref<1x128x40xf32, #tpu.memory_space<vmem>> -> memref<128x40xf32, #tpu.memory_space<vmem>>
      %dma_start3A_100 = arith.constant 0 : i32
      %dma_start3A_101 = tpu.memref_slice %arg8[%add3A_79, %dma_start3A_100] : memref<80x128xi32, #tpu.memory_space<vmem>> -> memref<1x128xi32, #tpu.memory_space<vmem>>
      %dma_start3A_102 = tpu.memref_squeeze %dma_start3A_101 : memref<1x128xi32, #tpu.memory_space<vmem>> -> memref<128xi32, #tpu.memory_space<vmem>>
      %dma_start3A_103 = arith.constant 0 : i32
      %dma_start3A_104 = arith.constant 0 : i32
      %dma_start3A_105 = tpu.memref_slice %arg11[%dma_start3A_103, %dma_start3A_104] : memref<10240x40xf32, #tpu.memory_space<vmem_shared>> -> memref<10240x40xf32, #tpu.memory_space<vmem_shared>>
      tpu.enqueue_indirect_dma source(%dma_start3A_99 : memref<128x40xf32, #tpu.memory_space<vmem>>) target(%dma_start3A_105 : memref<10240x40xf32, #tpu.memory_space<vmem_shared>>) offsets(%dma_start3A_102 : memref<128xi32, #tpu.memory_space<vmem>>) semaphore(%arg16 : memref<!tpu.dma_semaphore, #tpu.memory_space<semaphore_mem>>) {add = true}
      %gt3A = arith.constant 0 : i32
      %gt3A_106 = arith.cmpi sgt, %mul3A_77, %gt3A : i32
      %convert_element_type3A_107 = arith.extui %gt3A_106 : i1 to i32
      %cond3A_108 = arith.constant 0 : i32
      %cond3A_109 = arith.cmpi ne, %convert_element_type3A_107, %cond3A_108 : i32
      scf.if %cond3A_109 {
        %dma_wait3A_256 = arith.constant 2 : i32
        %dma_wait3A_257 = arith.constant 0 : i32
        %dma_wait3A_258 = arith.constant 0 : i32
        %dma_wait3A_259 = tpu.memref_slice %arg9[%dma_wait3A_256, %dma_wait3A_257, %dma_wait3A_258] : memref<4x128x40xf32, #tpu.memory_space<vmem>> -> memref<1x128x40xf32, #tpu.memory_space<vmem>>
        %dma_wait3A_260 = tpu.memref_squeeze %dma_wait3A_259 : memref<1x128x40xf32, #tpu.memory_space<vmem>> -> memref<128x40xf32, #tpu.memory_space<vmem>>
        %dma_wait3A_261 = arith.constant 0 : i32
        %dma_wait3A_262 = arith.constant 0 : i32
        %dma_wait3A_263 = tpu.memref_slice %arg11[%dma_wait3A_261, %dma_wait3A_262] : memref<10240x40xf32, #tpu.memory_space<vmem_shared>> -> memref<128x40xf32, #tpu.memory_space<vmem_shared>>
        %dma_wait3A_264 = arith.constant 0 : i32
        %dma_wait3A_265 = arith.constant 0 : i32
        %dma_wait3A_266 = tpu.memref_slice %arg11[%dma_wait3A_264, %dma_wait3A_265] : memref<10240x40xf32, #tpu.memory_space<vmem_shared>> -> memref<128x40xf32, #tpu.memory_space<vmem_shared>>
        %dma_wait3A_267 = arith.constant 0 : i32
        %dma_wait3A_268 = arith.constant 0 : i32
        %dma_wait3A_269 = tpu.memref_slice %arg9[%dma_wait3A_256, %dma_wait3A_267, %dma_wait3A_268] : memref<4x128x40xf32, #tpu.memory_space<vmem>> -> memref<1x128x40xf32, #tpu.memory_space<vmem>>
        %dma_wait3A_270 = tpu.memref_squeeze %dma_wait3A_269 : memref<1x128x40xf32, #tpu.memory_space<vmem>> -> memref<128x40xf32, #tpu.memory_space<vmem>>
        tpu.wait_dma2 semaphore(%arg18 : memref<!tpu.dma_semaphore, #tpu.memory_space<semaphore_mem>>) src(%dma_wait3A_270 : memref<128x40xf32, #tpu.memory_space<vmem>>) dst(%dma_wait3A_266 : memref<128x40xf32, #tpu.memory_space<vmem_shared>>)
      } else {
      }
      %add3A_110 = arith.constant 2 : i32
      %add3A_111 = arith.addi %add3A_79, %add3A_110 : i32
      %lt3A = arith.constant 80 : i32
      %lt3A_112 = arith.cmpi slt, %add3A_111, %lt3A : i32
      %convert_element_type3A_113 = arith.extui %lt3A_112 : i1 to i32
      %cond3A_114 = arith.constant 0 : i32
      %cond3A_115 = arith.cmpi ne, %convert_element_type3A_113, %cond3A_114 : i32
      scf.if %cond3A_115 {
        %add3A_256 = arith.constant 2 : i32
        %add3A_257 = arith.addi %add3A_79, %add3A_256 : i32
        %dma_start3A_258 = arith.constant 2 : i32
        %dma_start3A_259 = arith.constant 0 : i32
        %dma_start3A_260 = arith.constant 0 : i32
        %dma_start3A_261 = tpu.memref_slice %arg9[%dma_start3A_258, %dma_start3A_259, %dma_start3A_260] : memref<4x128x40xf32, #tpu.memory_space<vmem>> -> memref<1x128x40xf32, #tpu.memory_space<vmem>>
        %dma_start3A_262 = tpu.memref_squeeze %dma_start3A_261 : memref<1x128x40xf32, #tpu.memory_space<vmem>> -> memref<128x40xf32, #tpu.memory_space<vmem>>
        %dma_start3A_263 = arith.constant 0 : i32
        %dma_start3A_264 = tpu.memref_slice %arg7[%add3A_257, %dma_start3A_263] : memref<80x128xi32, #tpu.memory_space<vmem>> -> memref<1x128xi32, #tpu.memory_space<vmem>>
        %dma_start3A_265 = tpu.memref_squeeze %dma_start3A_264 : memref<1x128xi32, #tpu.memory_space<vmem>> -> memref<128xi32, #tpu.memory_space<vmem>>
        %dma_start3A_266 = arith.constant 0 : i32
        %dma_start3A_267 = arith.constant 0 : i32
        %dma_start3A_268 = tpu.memref_slice %arg10[%dma_start3A_266, %dma_start3A_267] : memref<10240x40xf32, #tpu.memory_space<vmem_shared>> -> memref<10240x40xf32, #tpu.memory_space<vmem_shared>>
        tpu.enqueue_indirect_dma source(%dma_start3A_268 : memref<10240x40xf32, #tpu.memory_space<vmem_shared>>) target(%dma_start3A_262 : memref<128x40xf32, #tpu.memory_space<vmem>>) offsets(%dma_start3A_265 : memref<128xi32, #tpu.memory_space<vmem>>) semaphore(%arg14 : memref<!tpu.dma_semaphore, #tpu.memory_space<semaphore_mem>>)
      } else {
      }
      %add3A_116 = arith.constant 1 : i32
      %add3A_117 = arith.addi %mul3A_77, %add3A_116 : i32
      %dma_wait3A_118 = arith.constant 1 : i32
      %dma_wait3A_119 = arith.constant 0 : i32
      %dma_wait3A_120 = arith.constant 0 : i32
      %dma_wait3A_121 = tpu.memref_slice %arg9[%dma_wait3A_118, %dma_wait3A_119, %dma_wait3A_120] : memref<4x128x40xf32, #tpu.memory_space<vmem>> -> memref<1x128x40xf32, #tpu.memory_space<vmem>>
      %dma_wait3A_122 = tpu.memref_squeeze %dma_wait3A_121 : memref<1x128x40xf32, #tpu.memory_space<vmem>> -> memref<128x40xf32, #tpu.memory_space<vmem>>
      %dma_wait3A_123 = arith.constant 0 : i32
      %dma_wait3A_124 = arith.constant 0 : i32
      %dma_wait3A_125 = tpu.memref_slice %arg10[%dma_wait3A_123, %dma_wait3A_124] : memref<10240x40xf32, #tpu.memory_space<vmem_shared>> -> memref<128x40xf32, #tpu.memory_space<vmem_shared>>
      %dma_wait3A_126 = arith.constant 0 : i32
      %dma_wait3A_127 = arith.constant 0 : i32
      %dma_wait3A_128 = tpu.memref_slice %arg9[%dma_wait3A_118, %dma_wait3A_126, %dma_wait3A_127] : memref<4x128x40xf32, #tpu.memory_space<vmem>> -> memref<1x128x40xf32, #tpu.memory_space<vmem>>
      %dma_wait3A_129 = tpu.memref_squeeze %dma_wait3A_128 : memref<1x128x40xf32, #tpu.memory_space<vmem>> -> memref<128x40xf32, #tpu.memory_space<vmem>>
      %dma_wait3A_130 = arith.constant 0 : i32
      %dma_wait3A_131 = arith.constant 0 : i32
      %dma_wait3A_132 = tpu.memref_slice %arg10[%dma_wait3A_130, %dma_wait3A_131] : memref<10240x40xf32, #tpu.memory_space<vmem_shared>> -> memref<128x40xf32, #tpu.memory_space<vmem_shared>>
      tpu.wait_dma2 semaphore(%arg13 : memref<!tpu.dma_semaphore, #tpu.memory_space<semaphore_mem>>) src(%dma_wait3A_132 : memref<128x40xf32, #tpu.memory_space<vmem_shared>>) dst(%dma_wait3A_129 : memref<128x40xf32, #tpu.memory_space<vmem>>)
      %dma_start3A_133 = arith.constant 1 : i32
      %dma_start3A_134 = arith.constant 0 : i32
      %dma_start3A_135 = arith.constant 0 : i32
      %dma_start3A_136 = tpu.memref_slice %arg9[%dma_start3A_133, %dma_start3A_134, %dma_start3A_135] : memref<4x128x40xf32, #tpu.memory_space<vmem>> -> memref<1x128x40xf32, #tpu.memory_space<vmem>>
      %dma_start3A_137 = tpu.memref_squeeze %dma_start3A_136 : memref<1x128x40xf32, #tpu.memory_space<vmem>> -> memref<128x40xf32, #tpu.memory_space<vmem>>
      %dma_start3A_138 = arith.constant 0 : i32
      %dma_start3A_139 = tpu.memref_slice %arg8[%add3A_117, %dma_start3A_138] : memref<80x128xi32, #tpu.memory_space<vmem>> -> memref<1x128xi32, #tpu.memory_space<vmem>>
      %dma_start3A_140 = tpu.memref_squeeze %dma_start3A_139 : memref<1x128xi32, #tpu.memory_space<vmem>> -> memref<128xi32, #tpu.memory_space<vmem>>
      %dma_start3A_141 = arith.constant 0 : i32
      %dma_start3A_142 = arith.constant 0 : i32
      %dma_start3A_143 = tpu.memref_slice %arg11[%dma_start3A_141, %dma_start3A_142] : memref<10240x40xf32, #tpu.memory_space<vmem_shared>> -> memref<10240x40xf32, #tpu.memory_space<vmem_shared>>
      tpu.enqueue_indirect_dma source(%dma_start3A_137 : memref<128x40xf32, #tpu.memory_space<vmem>>) target(%dma_start3A_143 : memref<10240x40xf32, #tpu.memory_space<vmem_shared>>) offsets(%dma_start3A_140 : memref<128xi32, #tpu.memory_space<vmem>>) semaphore(%arg17 : memref<!tpu.dma_semaphore, #tpu.memory_space<semaphore_mem>>) {add = true}
      %gt3A_144 = arith.constant 0 : i32
      %gt3A_145 = arith.cmpi sgt, %mul3A_77, %gt3A_144 : i32
      %convert_element_type3A_146 = arith.extui %gt3A_145 : i1 to i32
      %cond3A_147 = arith.constant 0 : i32
      %cond3A_148 = arith.cmpi ne, %convert_element_type3A_146, %cond3A_147 : i32
      scf.if %cond3A_148 {
        %dma_wait3A_256 = arith.constant 3 : i32
        %dma_wait3A_257 = arith.constant 0 : i32
        %dma_wait3A_258 = arith.constant 0 : i32
        %dma_wait3A_259 = tpu.memref_slice %arg9[%dma_wait3A_256, %dma_wait3A_257, %dma_wait3A_258] : memref<4x128x40xf32, #tpu.memory_space<vmem>> -> memref<1x128x40xf32, #tpu.memory_space<vmem>>
        %dma_wait3A_260 = tpu.memref_squeeze %dma_wait3A_259 : memref<1x128x40xf32, #tpu.memory_space<vmem>> -> memref<128x40xf32, #tpu.memory_space<vmem>>
        %dma_wait3A_261 = arith.constant 0 : i32
        %dma_wait3A_262 = arith.constant 0 : i32
        %dma_wait3A_263 = tpu.memref_slice %arg11[%dma_wait3A_261, %dma_wait3A_262] : memref<10240x40xf32, #tpu.memory_space<vmem_shared>> -> memref<128x40xf32, #tpu.memory_space<vmem_shared>>
        %dma_wait3A_264 = arith.constant 0 : i32
        %dma_wait3A_265 = arith.constant 0 : i32
        %dma_wait3A_266 = tpu.memref_slice %arg11[%dma_wait3A_264, %dma_wait3A_265] : memref<10240x40xf32, #tpu.memory_space<vmem_shared>> -> memref<128x40xf32, #tpu.memory_space<vmem_shared>>
        %dma_wait3A_267 = arith.constant 0 : i32
        %dma_wait3A_268 = arith.constant 0 : i32
        %dma_wait3A_269 = tpu.memref_slice %arg9[%dma_wait3A_256, %dma_wait3A_267, %dma_wait3A_268] : memref<4x128x40xf32, #tpu.memory_space<vmem>> -> memref<1x128x40xf32, #tpu.memory_space<vmem>>
        %dma_wait3A_270 = tpu.memref_squeeze %dma_wait3A_269 : memref<1x128x40xf32, #tpu.memory_space<vmem>> -> memref<128x40xf32, #tpu.memory_space<vmem>>
        tpu.wait_dma2 semaphore(%arg19 : memref<!tpu.dma_semaphore, #tpu.memory_space<semaphore_mem>>) src(%dma_wait3A_270 : memref<128x40xf32, #tpu.memory_space<vmem>>) dst(%dma_wait3A_266 : memref<128x40xf32, #tpu.memory_space<vmem_shared>>)
      } else {
      }
      %add3A_149 = arith.constant 2 : i32
      %add3A_150 = arith.addi %add3A_117, %add3A_149 : i32
      %lt3A_151 = arith.constant 80 : i32
      %lt3A_152 = arith.cmpi slt, %add3A_150, %lt3A_151 : i32
      %convert_element_type3A_153 = arith.extui %lt3A_152 : i1 to i32
      %cond3A_154 = arith.constant 0 : i32
      %cond3A_155 = arith.cmpi ne, %convert_element_type3A_153, %cond3A_154 : i32
      scf.if %cond3A_155 {
        %add3A_256 = arith.constant 2 : i32
        %add3A_257 = arith.addi %add3A_117, %add3A_256 : i32
        %dma_start3A_258 = arith.constant 3 : i32
        %dma_start3A_259 = arith.constant 0 : i32
        %dma_start3A_260 = arith.constant 0 : i32
        %dma_start3A_261 = tpu.memref_slice %arg9[%dma_start3A_258, %dma_start3A_259, %dma_start3A_260] : memref<4x128x40xf32, #tpu.memory_space<vmem>> -> memref<1x128x40xf32, #tpu.memory_space<vmem>>
        %dma_start3A_262 = tpu.memref_squeeze %dma_start3A_261 : memref<1x128x40xf32, #tpu.memory_space<vmem>> -> memref<128x40xf32, #tpu.memory_space<vmem>>
        %dma_start3A_263 = arith.constant 0 : i32
        %dma_start3A_264 = tpu.memref_slice %arg7[%add3A_257, %dma_start3A_263] : memref<80x128xi32, #tpu.memory_space<vmem>> -> memref<1x128xi32, #tpu.memory_space<vmem>>
        %dma_start3A_265 = tpu.memref_squeeze %dma_start3A_264 : memref<1x128xi32, #tpu.memory_space<vmem>> -> memref<128xi32, #tpu.memory_space<vmem>>
        %dma_start3A_266 = arith.constant 0 : i32
        %dma_start3A_267 = arith.constant 0 : i32
        %dma_start3A_268 = tpu.memref_slice %arg10[%dma_start3A_266, %dma_start3A_267] : memref<10240x40xf32, #tpu.memory_space<vmem_shared>> -> memref<10240x40xf32, #tpu.memory_space<vmem_shared>>
        tpu.enqueue_indirect_dma source(%dma_start3A_268 : memref<10240x40xf32, #tpu.memory_space<vmem_shared>>) target(%dma_start3A_262 : memref<128x40xf32, #tpu.memory_space<vmem>>) offsets(%dma_start3A_265 : memref<128xi32, #tpu.memory_space<vmem>>) semaphore(%arg15 : memref<!tpu.dma_semaphore, #tpu.memory_space<semaphore_mem>>)
      } else {
      }
      %add3A_156 = arith.constant 2 : i32
      %add3A_157 = arith.addi %mul3A_77, %add3A_156 : i32
      %dma_wait3A_158 = arith.constant 2 : i32
      %dma_wait3A_159 = arith.constant 0 : i32
      %dma_wait3A_160 = arith.constant 0 : i32
      %dma_wait3A_161 = tpu.memref_slice %arg9[%dma_wait3A_158, %dma_wait3A_159, %dma_wait3A_160] : memref<4x128x40xf32, #tpu.memory_space<vmem>> -> memref<1x128x40xf32, #tpu.memory_space<vmem>>
      %dma_wait3A_162 = tpu.memref_squeeze %dma_wait3A_161 : memref<1x128x40xf32, #tpu.memory_space<vmem>> -> memref<128x40xf32, #tpu.memory_space<vmem>>
      %dma_wait3A_163 = arith.constant 0 : i32
      %dma_wait3A_164 = arith.constant 0 : i32
      %dma_wait3A_165 = tpu.memref_slice %arg10[%dma_wait3A_163, %dma_wait3A_164] : memref<10240x40xf32, #tpu.memory_space<vmem_shared>> -> memref<128x40xf32, #tpu.memory_space<vmem_shared>>
      %dma_wait3A_166 = arith.constant 0 : i32
      %dma_wait3A_167 = arith.constant 0 : i32
      %dma_wait3A_168 = tpu.memref_slice %arg9[%dma_wait3A_158, %dma_wait3A_166, %dma_wait3A_167] : memref<4x128x40xf32, #tpu.memory_space<vmem>> -> memref<1x128x40xf32, #tpu.memory_space<vmem>>
      %dma_wait3A_169 = tpu.memref_squeeze %dma_wait3A_168 : memref<1x128x40xf32, #tpu.memory_space<vmem>> -> memref<128x40xf32, #tpu.memory_space<vmem>>
      %dma_wait3A_170 = arith.constant 0 : i32
      %dma_wait3A_171 = arith.constant 0 : i32
      %dma_wait3A_172 = tpu.memref_slice %arg10[%dma_wait3A_170, %dma_wait3A_171] : memref<10240x40xf32, #tpu.memory_space<vmem_shared>> -> memref<128x40xf32, #tpu.memory_space<vmem_shared>>
      tpu.wait_dma2 semaphore(%arg14 : memref<!tpu.dma_semaphore, #tpu.memory_space<semaphore_mem>>) src(%dma_wait3A_172 : memref<128x40xf32, #tpu.memory_space<vmem_shared>>) dst(%dma_wait3A_169 : memref<128x40xf32, #tpu.memory_space<vmem>>)
      %dma_start3A_173 = arith.constant 2 : i32
      %dma_start3A_174 = arith.constant 0 : i32
      %dma_start3A_175 = arith.constant 0 : i32
      %dma_start3A_176 = tpu.memref_slice %arg9[%dma_start3A_173, %dma_start3A_174, %dma_start3A_175] : memref<4x128x40xf32, #tpu.memory_space<vmem>> -> memref<1x128x40xf32, #tpu.memory_space<vmem>>
      %dma_start3A_177 = tpu.memref_squeeze %dma_start3A_176 : memref<1x128x40xf32, #tpu.memory_space<vmem>> -> memref<128x40xf32, #tpu.memory_space<vmem>>
      %dma_start3A_178 = arith.constant 0 : i32
      %dma_start3A_179 = tpu.memref_slice %arg8[%add3A_157, %dma_start3A_178] : memref<80x128xi32, #tpu.memory_space<vmem>> -> memref<1x128xi32, #tpu.memory_space<vmem>>
      %dma_start3A_180 = tpu.memref_squeeze %dma_start3A_179 : memref<1x128xi32, #tpu.memory_space<vmem>> -> memref<128xi32, #tpu.memory_space<vmem>>
      %dma_start3A_181 = arith.constant 0 : i32
      %dma_start3A_182 = arith.constant 0 : i32
      %dma_start3A_183 = tpu.memref_slice %arg11[%dma_start3A_181, %dma_start3A_182] : memref<10240x40xf32, #tpu.memory_space<vmem_shared>> -> memref<10240x40xf32, #tpu.memory_space<vmem_shared>>
      tpu.enqueue_indirect_dma source(%dma_start3A_177 : memref<128x40xf32, #tpu.memory_space<vmem>>) target(%dma_start3A_183 : memref<10240x40xf32, #tpu.memory_space<vmem_shared>>) offsets(%dma_start3A_180 : memref<128xi32, #tpu.memory_space<vmem>>) semaphore(%arg18 : memref<!tpu.dma_semaphore, #tpu.memory_space<semaphore_mem>>) {add = true}
      %dma_wait3A_184 = arith.constant 0 : i32
      %dma_wait3A_185 = arith.constant 0 : i32
      %dma_wait3A_186 = arith.constant 0 : i32
      %dma_wait3A_187 = tpu.memref_slice %arg9[%dma_wait3A_184, %dma_wait3A_185, %dma_wait3A_186] : memref<4x128x40xf32, #tpu.memory_space<vmem>> -> memref<1x128x40xf32, #tpu.memory_space<vmem>>
      %dma_wait3A_188 = tpu.memref_squeeze %dma_wait3A_187 : memref<1x128x40xf32, #tpu.memory_space<vmem>> -> memref<128x40xf32, #tpu.memory_space<vmem>>
      %dma_wait3A_189 = arith.constant 0 : i32
      %dma_wait3A_190 = arith.constant 0 : i32
      %dma_wait3A_191 = tpu.memref_slice %arg11[%dma_wait3A_189, %dma_wait3A_190] : memref<10240x40xf32, #tpu.memory_space<vmem_shared>> -> memref<128x40xf32, #tpu.memory_space<vmem_shared>>
      %dma_wait3A_192 = arith.constant 0 : i32
      %dma_wait3A_193 = arith.constant 0 : i32
      %dma_wait3A_194 = tpu.memref_slice %arg11[%dma_wait3A_192, %dma_wait3A_193] : memref<10240x40xf32, #tpu.memory_space<vmem_shared>> -> memref<128x40xf32, #tpu.memory_space<vmem_shared>>
      %dma_wait3A_195 = arith.constant 0 : i32
      %dma_wait3A_196 = arith.constant 0 : i32
      %dma_wait3A_197 = tpu.memref_slice %arg9[%dma_wait3A_184, %dma_wait3A_195, %dma_wait3A_196] : memref<4x128x40xf32, #tpu.memory_space<vmem>> -> memref<1x128x40xf32, #tpu.memory_space<vmem>>
      %dma_wait3A_198 = tpu.memref_squeeze %dma_wait3A_197 : memref<1x128x40xf32, #tpu.memory_space<vmem>> -> memref<128x40xf32, #tpu.memory_space<vmem>>
      tpu.wait_dma2 semaphore(%arg16 : memref<!tpu.dma_semaphore, #tpu.memory_space<semaphore_mem>>) src(%dma_wait3A_198 : memref<128x40xf32, #tpu.memory_space<vmem>>) dst(%dma_wait3A_194 : memref<128x40xf32, #tpu.memory_space<vmem_shared>>)
      %add3A_199 = arith.constant 2 : i32
      %add3A_200 = arith.addi %add3A_157, %add3A_199 : i32
      %lt3A_201 = arith.constant 80 : i32
      %lt3A_202 = arith.cmpi slt, %add3A_200, %lt3A_201 : i32
      %convert_element_type3A_203 = arith.extui %lt3A_202 : i1 to i32
      %cond3A_204 = arith.constant 0 : i32
      %cond3A_205 = arith.cmpi ne, %convert_element_type3A_203, %cond3A_204 : i32
      scf.if %cond3A_205 {
        %add3A_256 = arith.constant 2 : i32
        %add3A_257 = arith.addi %add3A_157, %add3A_256 : i32
        %dma_start3A_258 = arith.constant 0 : i32
        %dma_start3A_259 = arith.constant 0 : i32
        %dma_start3A_260 = arith.constant 0 : i32
        %dma_start3A_261 = tpu.memref_slice %arg9[%dma_start3A_258, %dma_start3A_259, %dma_start3A_260] : memref<4x128x40xf32, #tpu.memory_space<vmem>> -> memref<1x128x40xf32, #tpu.memory_space<vmem>>
        %dma_start3A_262 = tpu.memref_squeeze %dma_start3A_261 : memref<1x128x40xf32, #tpu.memory_space<vmem>> -> memref<128x40xf32, #tpu.memory_space<vmem>>
        %dma_start3A_263 = arith.constant 0 : i32
        %dma_start3A_264 = tpu.memref_slice %arg7[%add3A_257, %dma_start3A_263] : memref<80x128xi32, #tpu.memory_space<vmem>> -> memref<1x128xi32, #tpu.memory_space<vmem>>
        %dma_start3A_265 = tpu.memref_squeeze %dma_start3A_264 : memref<1x128xi32, #tpu.memory_space<vmem>> -> memref<128xi32, #tpu.memory_space<vmem>>
        %dma_start3A_266 = arith.constant 0 : i32
        %dma_start3A_267 = arith.constant 0 : i32
        %dma_start3A_268 = tpu.memref_slice %arg10[%dma_start3A_266, %dma_start3A_267] : memref<10240x40xf32, #tpu.memory_space<vmem_shared>> -> memref<10240x40xf32, #tpu.memory_space<vmem_shared>>
        tpu.enqueue_indirect_dma source(%dma_start3A_268 : memref<10240x40xf32, #tpu.memory_space<vmem_shared>>) target(%dma_start3A_262 : memref<128x40xf32, #tpu.memory_space<vmem>>) offsets(%dma_start3A_265 : memref<128xi32, #tpu.memory_space<vmem>>) semaphore(%arg12 : memref<!tpu.dma_semaphore, #tpu.memory_space<semaphore_mem>>)
      } else {
      }
      %add3A_206 = arith.constant 3 : i32
      %add3A_207 = arith.addi %mul3A_77, %add3A_206 : i32
      %dma_wait3A_208 = arith.constant 3 : i32
      %dma_wait3A_209 = arith.constant 0 : i32
      %dma_wait3A_210 = arith.constant 0 : i32
      %dma_wait3A_211 = tpu.memref_slice %arg9[%dma_wait3A_208, %dma_wait3A_209, %dma_wait3A_210] : memref<4x128x40xf32, #tpu.memory_space<vmem>> -> memref<1x128x40xf32, #tpu.memory_space<vmem>>
      %dma_wait3A_212 = tpu.memref_squeeze %dma_wait3A_211 : memref<1x128x40xf32, #tpu.memory_space<vmem>> -> memref<128x40xf32, #tpu.memory_space<vmem>>
      %dma_wait3A_213 = arith.constant 0 : i32
      %dma_wait3A_214 = arith.constant 0 : i32
      %dma_wait3A_215 = tpu.memref_slice %arg10[%dma_wait3A_213, %dma_wait3A_214] : memref<10240x40xf32, #tpu.memory_space<vmem_shared>> -> memref<128x40xf32, #tpu.memory_space<vmem_shared>>
      %dma_wait3A_216 = arith.constant 0 : i32
      %dma_wait3A_217 = arith.constant 0 : i32
      %dma_wait3A_218 = tpu.memref_slice %arg9[%dma_wait3A_208, %dma_wait3A_216, %dma_wait3A_217] : memref<4x128x40xf32, #tpu.memory_space<vmem>> -> memref<1x128x40xf32, #tpu.memory_space<vmem>>
      %dma_wait3A_219 = tpu.memref_squeeze %dma_wait3A_218 : memref<1x128x40xf32, #tpu.memory_space<vmem>> -> memref<128x40xf32, #tpu.memory_space<vmem>>
      %dma_wait3A_220 = arith.constant 0 : i32
      %dma_wait3A_221 = arith.constant 0 : i32
      %dma_wait3A_222 = tpu.memref_slice %arg10[%dma_wait3A_220, %dma_wait3A_221] : memref<10240x40xf32, #tpu.memory_space<vmem_shared>> -> memref<128x40xf32, #tpu.memory_space<vmem_shared>>
      tpu.wait_dma2 semaphore(%arg15 : memref<!tpu.dma_semaphore, #tpu.memory_space<semaphore_mem>>) src(%dma_wait3A_222 : memref<128x40xf32, #tpu.memory_space<vmem_shared>>) dst(%dma_wait3A_219 : memref<128x40xf32, #tpu.memory_space<vmem>>)
      %dma_start3A_223 = arith.constant 3 : i32
      %dma_start3A_224 = arith.constant 0 : i32
      %dma_start3A_225 = arith.constant 0 : i32
      %dma_start3A_226 = tpu.memref_slice %arg9[%dma_start3A_223, %dma_start3A_224, %dma_start3A_225] : memref<4x128x40xf32, #tpu.memory_space<vmem>> -> memref<1x128x40xf32, #tpu.memory_space<vmem>>
      %dma_start3A_227 = tpu.memref_squeeze %dma_start3A_226 : memref<1x128x40xf32, #tpu.memory_space<vmem>> -> memref<128x40xf32, #tpu.memory_space<vmem>>
      %dma_start3A_228 = arith.constant 0 : i32
      %dma_start3A_229 = tpu.memref_slice %arg8[%add3A_207, %dma_start3A_228] : memref<80x128xi32, #tpu.memory_space<vmem>> -> memref<1x128xi32, #tpu.memory_space<vmem>>
      %dma_start3A_230 = tpu.memref_squeeze %dma_start3A_229 : memref<1x128xi32, #tpu.memory_space<vmem>> -> memref<128xi32, #tpu.memory_space<vmem>>
      %dma_start3A_231 = arith.constant 0 : i32
      %dma_start3A_232 = arith.constant 0 : i32
      %dma_start3A_233 = tpu.memref_slice %arg11[%dma_start3A_231, %dma_start3A_232] : memref<10240x40xf32, #tpu.memory_space<vmem_shared>> -> memref<10240x40xf32, #tpu.memory_space<vmem_shared>>
      tpu.enqueue_indirect_dma source(%dma_start3A_227 : memref<128x40xf32, #tpu.memory_space<vmem>>) target(%dma_start3A_233 : memref<10240x40xf32, #tpu.memory_space<vmem_shared>>) offsets(%dma_start3A_230 : memref<128xi32, #tpu.memory_space<vmem>>) semaphore(%arg19 : memref<!tpu.dma_semaphore, #tpu.memory_space<semaphore_mem>>) {add = true}
      %dma_wait3A_234 = arith.constant 1 : i32
      %dma_wait3A_235 = arith.constant 0 : i32
      %dma_wait3A_236 = arith.constant 0 : i32
      %dma_wait3A_237 = tpu.memref_slice %arg9[%dma_wait3A_234, %dma_wait3A_235, %dma_wait3A_236] : memref<4x128x40xf32, #tpu.memory_space<vmem>> -> memref<1x128x40xf32, #tpu.memory_space<vmem>>
      %dma_wait3A_238 = tpu.memref_squeeze %dma_wait3A_237 : memref<1x128x40xf32, #tpu.memory_space<vmem>> -> memref<128x40xf32, #tpu.memory_space<vmem>>
      %dma_wait3A_239 = arith.constant 0 : i32
      %dma_wait3A_240 = arith.constant 0 : i32
      %dma_wait3A_241 = tpu.memref_slice %arg11[%dma_wait3A_239, %dma_wait3A_240] : memref<10240x40xf32, #tpu.memory_space<vmem_shared>> -> memref<128x40xf32, #tpu.memory_space<vmem_shared>>
      %dma_wait3A_242 = arith.constant 0 : i32
      %dma_wait3A_243 = arith.constant 0 : i32
      %dma_wait3A_244 = tpu.memref_slice %arg11[%dma_wait3A_242, %dma_wait3A_243] : memref<10240x40xf32, #tpu.memory_space<vmem_shared>> -> memref<128x40xf32, #tpu.memory_space<vmem_shared>>
      %dma_wait3A_245 = arith.constant 0 : i32
      %dma_wait3A_246 = arith.constant 0 : i32
      %dma_wait3A_247 = tpu.memref_slice %arg9[%dma_wait3A_234, %dma_wait3A_245, %dma_wait3A_246] : memref<4x128x40xf32, #tpu.memory_space<vmem>> -> memref<1x128x40xf32, #tpu.memory_space<vmem>>
      %dma_wait3A_248 = tpu.memref_squeeze %dma_wait3A_247 : memref<1x128x40xf32, #tpu.memory_space<vmem>> -> memref<128x40xf32, #tpu.memory_space<vmem>>
      tpu.wait_dma2 semaphore(%arg17 : memref<!tpu.dma_semaphore, #tpu.memory_space<semaphore_mem>>) src(%dma_wait3A_248 : memref<128x40xf32, #tpu.memory_space<vmem>>) dst(%dma_wait3A_244 : memref<128x40xf32, #tpu.memory_space<vmem_shared>>)
      %add3A_249 = arith.constant 2 : i32
      %add3A_250 = arith.addi %add3A_207, %add3A_249 : i32
      %lt3A_251 = arith.constant 80 : i32
      %lt3A_252 = arith.cmpi slt, %add3A_250, %lt3A_251 : i32
      %convert_element_type3A_253 = arith.extui %lt3A_252 : i1 to i32
      %cond3A_254 = arith.constant 0 : i32
      %cond3A_255 = arith.cmpi ne, %convert_element_type3A_253, %cond3A_254 : i32
      scf.if %cond3A_255 {
        %add3A_256 = arith.constant 2 : i32
        %add3A_257 = arith.addi %add3A_207, %add3A_256 : i32
        %dma_start3A_258 = arith.constant 1 : i32
        %dma_start3A_259 = arith.constant 0 : i32
        %dma_start3A_260 = arith.constant 0 : i32
        %dma_start3A_261 = tpu.memref_slice %arg9[%dma_start3A_258, %dma_start3A_259, %dma_start3A_260] : memref<4x128x40xf32, #tpu.memory_space<vmem>> -> memref<1x128x40xf32, #tpu.memory_space<vmem>>
        %dma_start3A_262 = tpu.memref_squeeze %dma_start3A_261 : memref<1x128x40xf32, #tpu.memory_space<vmem>> -> memref<128x40xf32, #tpu.memory_space<vmem>>
        %dma_start3A_263 = arith.constant 0 : i32
        %dma_start3A_264 = tpu.memref_slice %arg7[%add3A_257, %dma_start3A_263] : memref<80x128xi32, #tpu.memory_space<vmem>> -> memref<1x128xi32, #tpu.memory_space<vmem>>
        %dma_start3A_265 = tpu.memref_squeeze %dma_start3A_264 : memref<1x128xi32, #tpu.memory_space<vmem>> -> memref<128xi32, #tpu.memory_space<vmem>>
        %dma_start3A_266 = arith.constant 0 : i32
        %dma_start3A_267 = arith.constant 0 : i32
        %dma_start3A_268 = tpu.memref_slice %arg10[%dma_start3A_266, %dma_start3A_267] : memref<10240x40xf32, #tpu.memory_space<vmem_shared>> -> memref<10240x40xf32, #tpu.memory_space<vmem_shared>>
        tpu.enqueue_indirect_dma source(%dma_start3A_268 : memref<10240x40xf32, #tpu.memory_space<vmem_shared>>) target(%dma_start3A_262 : memref<128x40xf32, #tpu.memory_space<vmem>>) offsets(%dma_start3A_265 : memref<128xi32, #tpu.memory_space<vmem>>) semaphore(%arg13 : memref<!tpu.dma_semaphore, #tpu.memory_space<semaphore_mem>>)
      } else {
      }
    }
    %scan3A_40 = arith.constant 20 : i32
    %dma_wait3A = arith.constant 2 : i32
    %dma_wait3A_41 = arith.constant 0 : i32
    %dma_wait3A_42 = arith.constant 0 : i32
    %dma_wait3A_43 = tpu.memref_slice %arg9[%dma_wait3A, %dma_wait3A_41, %dma_wait3A_42] : memref<4x128x40xf32, #tpu.memory_space<vmem>> -> memref<1x128x40xf32, #tpu.memory_space<vmem>>
    %dma_wait3A_44 = tpu.memref_squeeze %dma_wait3A_43 : memref<1x128x40xf32, #tpu.memory_space<vmem>> -> memref<128x40xf32, #tpu.memory_space<vmem>>
    %dma_wait3A_45 = arith.constant 0 : i32
    %dma_wait3A_46 = arith.constant 0 : i32
    %dma_wait3A_47 = tpu.memref_slice %arg11[%dma_wait3A_45, %dma_wait3A_46] : memref<10240x40xf32, #tpu.memory_space<vmem_shared>> -> memref<128x40xf32, #tpu.memory_space<vmem_shared>>
    %dma_wait3A_48 = arith.constant 0 : i32
    %dma_wait3A_49 = arith.constant 0 : i32
    %dma_wait3A_50 = tpu.memref_slice %arg11[%dma_wait3A_48, %dma_wait3A_49] : memref<10240x40xf32, #tpu.memory_space<vmem_shared>> -> memref<128x40xf32, #tpu.memory_space<vmem_shared>>
    %dma_wait3A_51 = arith.constant 0 : i32
    %dma_wait3A_52 = arith.constant 0 : i32
    %dma_wait3A_53 = tpu.memref_slice %arg9[%dma_wait3A, %dma_wait3A_51, %dma_wait3A_52] : memref<4x128x40xf32, #tpu.memory_space<vmem>> -> memref<1x128x40xf32, #tpu.memory_space<vmem>>
    %dma_wait3A_54 = tpu.memref_squeeze %dma_wait3A_53 : memref<1x128x40xf32, #tpu.memory_space<vmem>> -> memref<128x40xf32, #tpu.memory_space<vmem>>
    tpu.wait_dma2 semaphore(%arg18 : memref<!tpu.dma_semaphore, #tpu.memory_space<semaphore_mem>>) src(%dma_wait3A_54 : memref<128x40xf32, #tpu.memory_space<vmem>>) dst(%dma_wait3A_50 : memref<128x40xf32, #tpu.memory_space<vmem_shared>>)
    %dma_wait3A_55 = arith.constant 3 : i32
    %dma_wait3A_56 = arith.constant 0 : i32
    %dma_wait3A_57 = arith.constant 0 : i32
    %dma_wait3A_58 = tpu.memref_slice %arg9[%dma_wait3A_55, %dma_wait3A_56, %dma_wait3A_57] : memref<4x128x40xf32, #tpu.memory_space<vmem>> -> memref<1x128x40xf32, #tpu.memory_space<vmem>>
    %dma_wait3A_59 = tpu.memref_squeeze %dma_wait3A_58 : memref<1x128x40xf32, #tpu.memory_space<vmem>> -> memref<128x40xf32, #tpu.memory_space<vmem>>
    %dma_wait3A_60 = arith.constant 0 : i32
    %dma_wait3A_61 = arith.constant 0 : i32
    %dma_wait3A_62 = tpu.memref_slice %arg11[%dma_wait3A_60, %dma_wait3A_61] : memref<10240x40xf32, #tpu.memory_space<vmem_shared>> -> memref<128x40xf32, #tpu.memory_space<vmem_shared>>
    %dma_wait3A_63 = arith.constant 0 : i32
    %dma_wait3A_64 = arith.constant 0 : i32
    %dma_wait3A_65 = tpu.memref_slice %arg11[%dma_wait3A_63, %dma_wait3A_64] : memref<10240x40xf32, #tpu.memory_space<vmem_shared>> -> memref<128x40xf32, #tpu.memory_space<vmem_shared>>
    %dma_wait3A_66 = arith.constant 0 : i32
    %dma_wait3A_67 = arith.constant 0 : i32
    %dma_wait3A_68 = tpu.memref_slice %arg9[%dma_wait3A_55, %dma_wait3A_66, %dma_wait3A_67] : memref<4x128x40xf32, #tpu.memory_space<vmem>> -> memref<1x128x40xf32, #tpu.memory_space<vmem>>
    %dma_wait3A_69 = tpu.memref_squeeze %dma_wait3A_68 : memref<1x128x40xf32, #tpu.memory_space<vmem>> -> memref<128x40xf32, #tpu.memory_space<vmem>>
    tpu.wait_dma2 semaphore(%arg19 : memref<!tpu.dma_semaphore, #tpu.memory_space<semaphore_mem>>) src(%dma_wait3A_69 : memref<128x40xf32, #tpu.memory_space<vmem>>) dst(%dma_wait3A_65 : memref<128x40xf32, #tpu.memory_space<vmem_shared>>)
    %barrier3A_70 = arith.constant 0 : index
    tpu.barrier barrier_id(%barrier3A_70)
    "tpu.region"() ({
      %run_scoped3A = tpu.sem_alloc : memref<!tpu.dma_semaphore, #tpu.memory_space<semaphore_mem>>
      %dma_start3A_71 = arith.constant 0 : i32
      %dma_start3A_72 = tpu.memref_slice %arg6[%arg0, %mul3A_2, %dma_start3A_71] : memref<2x10240x40xf32, #tpu.memory_space<hbm>> -> memref<1x640x40xf32, #tpu.memory_space<hbm>>
      %dma_start3A_73 = tpu.memref_squeeze %dma_start3A_72 : memref<1x640x40xf32, #tpu.memory_space<hbm>> -> memref<640x40xf32, #tpu.memory_space<hbm>>
      %dma_start3A_74 = arith.constant 0 : i32
      %dma_start3A_75 = tpu.memref_slice %arg11[%mul3A_2, %dma_start3A_74] : memref<10240x40xf32, #tpu.memory_space<vmem_shared>> -> memref<640x40xf32, #tpu.memory_space<vmem_shared>>
      tpu.enqueue_dma source(%dma_start3A_75 : memref<640x40xf32, #tpu.memory_space<vmem_shared>>) target(%dma_start3A_73 : memref<640x40xf32, #tpu.memory_space<hbm>>) target_semaphore(%run_scoped3A : memref<!tpu.dma_semaphore, #tpu.memory_space<semaphore_mem>>)
      %dma_wait3A_76 = arith.constant 0 : i32
      %dma_wait3A_77 = tpu.memref_slice %arg6[%arg0, %mul3A_2, %dma_wait3A_76] : memref<2x10240x40xf32, #tpu.memory_space<hbm>> -> memref<1x640x40xf32, #tpu.memory_space<hbm>>
      %dma_wait3A_78 = tpu.memref_squeeze %dma_wait3A_77 : memref<1x640x40xf32, #tpu.memory_space<hbm>> -> memref<640x40xf32, #tpu.memory_space<hbm>>
      %dma_wait3A_79 = arith.constant 0 : i32
      %dma_wait3A_80 = tpu.memref_slice %arg11[%mul3A_2, %dma_wait3A_79] : memref<10240x40xf32, #tpu.memory_space<vmem_shared>> -> memref<640x40xf32, #tpu.memory_space<vmem_shared>>
      tpu.wait_dma2 semaphore(%run_scoped3A : memref<!tpu.dma_semaphore, #tpu.memory_space<semaphore_mem>>) src(%dma_wait3A_80 : memref<640x40xf32, #tpu.memory_space<vmem_shared>>) dst(%dma_wait3A_78 : memref<640x40xf32, #tpu.memory_space<hbm>>)
      tpu.yield
    }) : () -> ()
    return
  }
}

#map = affine_map<(d0, d1) -> (0, 0, 0)>
#map1 = affine_map<(d0, d1) -> (0, 0)>
module attributes {stable_mosaic.version = 14 : i64} {
  func.func @agg_kernel(%arg0: i32, %arg1: i32, %arg2: memref<2x10240x64xf32, #tpu.memory_space<hbm>>, %arg3: memref<2560x128xi32, #tpu.memory_space<hbm>>, %arg4: memref<2560x128xi32, #tpu.memory_space<hbm>>, %arg5: memref<2x10240x64xf32, #tpu.memory_space<hbm>>, %arg6: memref<2x20x128xi32, #tpu.memory_space<vmem>>, %arg7: memref<2x20x128xi32, #tpu.memory_space<vmem>>, %arg8: memref<4x128x64xf32, #tpu.memory_space<vmem>>, %arg9: memref<10240x64xf32, #tpu.memory_space<vmem_shared>>, %arg10: memref<10240x64xf32, #tpu.memory_space<vmem_shared>>, %arg11: memref<!tpu.dma_semaphore, #tpu.memory_space<semaphore_mem>>, %arg12: memref<!tpu.dma_semaphore, #tpu.memory_space<semaphore_mem>>, %arg13: memref<!tpu.dma_semaphore, #tpu.memory_space<semaphore_mem>>, %arg14: memref<!tpu.dma_semaphore, #tpu.memory_space<semaphore_mem>>, %arg15: memref<!tpu.dma_semaphore, #tpu.memory_space<semaphore_mem>>, %arg16: memref<!tpu.dma_semaphore, #tpu.memory_space<semaphore_mem>>, %arg17: memref<!tpu.dma_semaphore, #tpu.memory_space<semaphore_mem>>, %arg18: memref<!tpu.dma_semaphore, #tpu.memory_space<semaphore_mem>>, %arg19: memref<!tpu.dma_semaphore, #tpu.memory_space<semaphore_mem>>, %arg20: memref<!tpu.dma_semaphore, #tpu.memory_space<semaphore_mem>>) attributes {dimension_semantics = [#tpu.dimension_semantics<core_parallel>, #tpu.dimension_semantics<subcore_parallel>], iteration_bounds = array<i64: 2, 16>, scalar_prefetch = 0 : i64, scratch_operands = 15 : i64, tpu.core_type = #tpu.core_type<sc_vector_subcore>, window_params = [{transform_indices = #map}, {transform_indices = #map1}, {transform_indices = #map1}, {transform_indices = #map}]} {
    %mul3A = arith.constant 640 : i32
    %mul3A_0 = arith.muli %arg1, %mul3A : i32
    "tpu.region"() ({
      %run_scoped3A = tpu.sem_alloc : memref<!tpu.dma_semaphore, #tpu.memory_space<semaphore_mem>>
      %dma_start3A_66 = arith.constant 0 : i32
      %dma_start3A_67 = tpu.memref_slice %arg10[%mul3A_0, %dma_start3A_66] : memref<10240x64xf32, #tpu.memory_space<vmem_shared>> -> memref<640x64xf32, #tpu.memory_space<vmem_shared>>
      %dma_start3A_68 = arith.constant 0 : i32
      %dma_start3A_69 = tpu.memref_slice %arg2[%arg0, %mul3A_0, %dma_start3A_68] : memref<2x10240x64xf32, #tpu.memory_space<hbm>> -> memref<1x640x64xf32, #tpu.memory_space<hbm>>
      %dma_start3A_70 = tpu.memref_squeeze %dma_start3A_69 : memref<1x640x64xf32, #tpu.memory_space<hbm>> -> memref<640x64xf32, #tpu.memory_space<hbm>>
      tpu.enqueue_dma source(%dma_start3A_70 : memref<640x64xf32, #tpu.memory_space<hbm>>) target(%dma_start3A_67 : memref<640x64xf32, #tpu.memory_space<vmem_shared>>) target_semaphore(%run_scoped3A : memref<!tpu.dma_semaphore, #tpu.memory_space<semaphore_mem>>)
      %dma_wait3A = arith.constant 0 : i32
      %dma_wait3A_71 = tpu.memref_slice %arg10[%mul3A_0, %dma_wait3A] : memref<10240x64xf32, #tpu.memory_space<vmem_shared>> -> memref<640x64xf32, #tpu.memory_space<vmem_shared>>
      %dma_wait3A_72 = arith.constant 0 : i32
      %dma_wait3A_73 = tpu.memref_slice %arg2[%arg0, %mul3A_0, %dma_wait3A_72] : memref<2x10240x64xf32, #tpu.memory_space<hbm>> -> memref<1x640x64xf32, #tpu.memory_space<hbm>>
      %dma_wait3A_74 = tpu.memref_squeeze %dma_wait3A_73 : memref<1x640x64xf32, #tpu.memory_space<hbm>> -> memref<640x64xf32, #tpu.memory_space<hbm>>
      tpu.wait_dma2 semaphore(%run_scoped3A : memref<!tpu.dma_semaphore, #tpu.memory_space<semaphore_mem>>) src(%dma_wait3A_74 : memref<640x64xf32, #tpu.memory_space<hbm>>) dst(%dma_wait3A_71 : memref<640x64xf32, #tpu.memory_space<vmem_shared>>)
      tpu.yield
    }) : () -> ()
    "tpu.region"() ({
      %run_scoped3A = tpu.sem_alloc : memref<!tpu.dma_semaphore, #tpu.memory_space<semaphore_mem>>
      %dma_start3A_66 = arith.constant 0 : i32
      %dma_start3A_67 = tpu.memref_slice %arg9[%mul3A_0, %dma_start3A_66] : memref<10240x64xf32, #tpu.memory_space<vmem_shared>> -> memref<640x64xf32, #tpu.memory_space<vmem_shared>>
      %dma_start3A_68 = arith.constant 0 : i32
      %dma_start3A_69 = tpu.memref_slice %arg2[%arg0, %mul3A_0, %dma_start3A_68] : memref<2x10240x64xf32, #tpu.memory_space<hbm>> -> memref<1x640x64xf32, #tpu.memory_space<hbm>>
      %dma_start3A_70 = tpu.memref_squeeze %dma_start3A_69 : memref<1x640x64xf32, #tpu.memory_space<hbm>> -> memref<640x64xf32, #tpu.memory_space<hbm>>
      tpu.enqueue_dma source(%dma_start3A_70 : memref<640x64xf32, #tpu.memory_space<hbm>>) target(%dma_start3A_67 : memref<640x64xf32, #tpu.memory_space<vmem_shared>>) target_semaphore(%run_scoped3A : memref<!tpu.dma_semaphore, #tpu.memory_space<semaphore_mem>>)
      %dma_wait3A = arith.constant 0 : i32
      %dma_wait3A_71 = tpu.memref_slice %arg9[%mul3A_0, %dma_wait3A] : memref<10240x64xf32, #tpu.memory_space<vmem_shared>> -> memref<640x64xf32, #tpu.memory_space<vmem_shared>>
      %dma_wait3A_72 = arith.constant 0 : i32
      %dma_wait3A_73 = tpu.memref_slice %arg2[%arg0, %mul3A_0, %dma_wait3A_72] : memref<2x10240x64xf32, #tpu.memory_space<hbm>> -> memref<1x640x64xf32, #tpu.memory_space<hbm>>
      %dma_wait3A_74 = tpu.memref_squeeze %dma_wait3A_73 : memref<1x640x64xf32, #tpu.memory_space<hbm>> -> memref<640x64xf32, #tpu.memory_space<hbm>>
      tpu.wait_dma2 semaphore(%run_scoped3A : memref<!tpu.dma_semaphore, #tpu.memory_space<semaphore_mem>>) src(%dma_wait3A_74 : memref<640x64xf32, #tpu.memory_space<hbm>>) dst(%dma_wait3A_71 : memref<640x64xf32, #tpu.memory_space<vmem_shared>>)
      tpu.yield
    }) : () -> ()
    %mul3A_1 = arith.constant 160 : i32
    %mul3A_2 = arith.muli %arg1, %mul3A_1 : i32
    %add3A = arith.constant 0 : i32
    %add3A_3 = arith.addi %mul3A_2, %add3A : i32
    %dma_start3A = arith.constant 0 : i32
    %dma_start3A_4 = arith.constant 0 : i32
    %dma_start3A_5 = arith.constant 0 : i32
    %dma_start3A_6 = tpu.memref_slice %arg6[%dma_start3A, %dma_start3A_4, %dma_start3A_5] : memref<2x20x128xi32, #tpu.memory_space<vmem>> -> memref<1x20x128xi32, #tpu.memory_space<vmem>>
    %dma_start3A_7 = tpu.memref_squeeze %dma_start3A_6 : memref<1x20x128xi32, #tpu.memory_space<vmem>> -> memref<20x128xi32, #tpu.memory_space<vmem>>
    %dma_start3A_8 = arith.constant 0 : i32
    %dma_start3A_9 = tpu.memref_slice %arg3[%add3A_3, %dma_start3A_8] : memref<2560x128xi32, #tpu.memory_space<hbm>> -> memref<20x128xi32, #tpu.memory_space<hbm>>
    %dma_start3A_10 = arith.constant 0 : i32
    %dma_start3A_11 = arith.constant 0 : i32
    %dma_start3A_12 = tpu.memref_slice %arg6[%dma_start3A, %dma_start3A_10, %dma_start3A_11] : memref<2x20x128xi32, #tpu.memory_space<vmem>> -> memref<1x20x128xi32, #tpu.memory_space<vmem>>
    %dma_start3A_13 = tpu.memref_squeeze %dma_start3A_12 : memref<1x20x128xi32, #tpu.memory_space<vmem>> -> memref<20x128xi32, #tpu.memory_space<vmem>>
    %dma_start3A_14 = arith.constant 0 : i32
    %dma_start3A_15 = tpu.memref_slice %arg3[%add3A_3, %dma_start3A_14] : memref<2560x128xi32, #tpu.memory_space<hbm>> -> memref<20x128xi32, #tpu.memory_space<hbm>>
    tpu.enqueue_dma source(%dma_start3A_15 : memref<20x128xi32, #tpu.memory_space<hbm>>) target(%dma_start3A_13 : memref<20x128xi32, #tpu.memory_space<vmem>>) target_semaphore(%arg19 : memref<!tpu.dma_semaphore, #tpu.memory_space<semaphore_mem>>)
    %add3A_16 = arith.constant 0 : i32
    %add3A_17 = arith.addi %mul3A_2, %add3A_16 : i32
    %dma_start3A_18 = arith.constant 0 : i32
    %dma_start3A_19 = arith.constant 0 : i32
    %dma_start3A_20 = arith.constant 0 : i32
    %dma_start3A_21 = tpu.memref_slice %arg7[%dma_start3A_18, %dma_start3A_19, %dma_start3A_20] : memref<2x20x128xi32, #tpu.memory_space<vmem>> -> memref<1x20x128xi32, #tpu.memory_space<vmem>>
    %dma_start3A_22 = tpu.memref_squeeze %dma_start3A_21 : memref<1x20x128xi32, #tpu.memory_space<vmem>> -> memref<20x128xi32, #tpu.memory_space<vmem>>
    %dma_start3A_23 = arith.constant 0 : i32
    %dma_start3A_24 = tpu.memref_slice %arg4[%add3A_17, %dma_start3A_23] : memref<2560x128xi32, #tpu.memory_space<hbm>> -> memref<20x128xi32, #tpu.memory_space<hbm>>
    %dma_start3A_25 = arith.constant 0 : i32
    %dma_start3A_26 = arith.constant 0 : i32
    %dma_start3A_27 = tpu.memref_slice %arg7[%dma_start3A_18, %dma_start3A_25, %dma_start3A_26] : memref<2x20x128xi32, #tpu.memory_space<vmem>> -> memref<1x20x128xi32, #tpu.memory_space<vmem>>
    %dma_start3A_28 = tpu.memref_squeeze %dma_start3A_27 : memref<1x20x128xi32, #tpu.memory_space<vmem>> -> memref<20x128xi32, #tpu.memory_space<vmem>>
    %dma_start3A_29 = arith.constant 0 : i32
    %dma_start3A_30 = tpu.memref_slice %arg4[%add3A_17, %dma_start3A_29] : memref<2560x128xi32, #tpu.memory_space<hbm>> -> memref<20x128xi32, #tpu.memory_space<hbm>>
    tpu.enqueue_dma source(%dma_start3A_30 : memref<20x128xi32, #tpu.memory_space<hbm>>) target(%dma_start3A_28 : memref<20x128xi32, #tpu.memory_space<vmem>>) target_semaphore(%arg19 : memref<!tpu.dma_semaphore, #tpu.memory_space<semaphore_mem>>)
    %add3A_31 = arith.constant 20 : i32
    %add3A_32 = arith.addi %mul3A_2, %add3A_31 : i32
    %dma_start3A_33 = arith.constant 1 : i32
    %dma_start3A_34 = arith.constant 0 : i32
    %dma_start3A_35 = arith.constant 0 : i32
    %dma_start3A_36 = tpu.memref_slice %arg6[%dma_start3A_33, %dma_start3A_34, %dma_start3A_35] : memref<2x20x128xi32, #tpu.memory_space<vmem>> -> memref<1x20x128xi32, #tpu.memory_space<vmem>>
    %dma_start3A_37 = tpu.memref_squeeze %dma_start3A_36 : memref<1x20x128xi32, #tpu.memory_space<vmem>> -> memref<20x128xi32, #tpu.memory_space<vmem>>
    %dma_start3A_38 = arith.constant 0 : i32
    %dma_start3A_39 = tpu.memref_slice %arg3[%add3A_32, %dma_start3A_38] : memref<2560x128xi32, #tpu.memory_space<hbm>> -> memref<20x128xi32, #tpu.memory_space<hbm>>
    %dma_start3A_40 = arith.constant 0 : i32
    %dma_start3A_41 = arith.constant 0 : i32
    %dma_start3A_42 = tpu.memref_slice %arg6[%dma_start3A_33, %dma_start3A_40, %dma_start3A_41] : memref<2x20x128xi32, #tpu.memory_space<vmem>> -> memref<1x20x128xi32, #tpu.memory_space<vmem>>
    %dma_start3A_43 = tpu.memref_squeeze %dma_start3A_42 : memref<1x20x128xi32, #tpu.memory_space<vmem>> -> memref<20x128xi32, #tpu.memory_space<vmem>>
    %dma_start3A_44 = arith.constant 0 : i32
    %dma_start3A_45 = tpu.memref_slice %arg3[%add3A_32, %dma_start3A_44] : memref<2560x128xi32, #tpu.memory_space<hbm>> -> memref<20x128xi32, #tpu.memory_space<hbm>>
    tpu.enqueue_dma source(%dma_start3A_45 : memref<20x128xi32, #tpu.memory_space<hbm>>) target(%dma_start3A_43 : memref<20x128xi32, #tpu.memory_space<vmem>>) target_semaphore(%arg20 : memref<!tpu.dma_semaphore, #tpu.memory_space<semaphore_mem>>)
    %add3A_46 = arith.constant 20 : i32
    %add3A_47 = arith.addi %mul3A_2, %add3A_46 : i32
    %dma_start3A_48 = arith.constant 1 : i32
    %dma_start3A_49 = arith.constant 0 : i32
    %dma_start3A_50 = arith.constant 0 : i32
    %dma_start3A_51 = tpu.memref_slice %arg7[%dma_start3A_48, %dma_start3A_49, %dma_start3A_50] : memref<2x20x128xi32, #tpu.memory_space<vmem>> -> memref<1x20x128xi32, #tpu.memory_space<vmem>>
    %dma_start3A_52 = tpu.memref_squeeze %dma_start3A_51 : memref<1x20x128xi32, #tpu.memory_space<vmem>> -> memref<20x128xi32, #tpu.memory_space<vmem>>
    %dma_start3A_53 = arith.constant 0 : i32
    %dma_start3A_54 = tpu.memref_slice %arg4[%add3A_47, %dma_start3A_53] : memref<2560x128xi32, #tpu.memory_space<hbm>> -> memref<20x128xi32, #tpu.memory_space<hbm>>
    %dma_start3A_55 = arith.constant 0 : i32
    %dma_start3A_56 = arith.constant 0 : i32
    %dma_start3A_57 = tpu.memref_slice %arg7[%dma_start3A_48, %dma_start3A_55, %dma_start3A_56] : memref<2x20x128xi32, #tpu.memory_space<vmem>> -> memref<1x20x128xi32, #tpu.memory_space<vmem>>
    %dma_start3A_58 = tpu.memref_squeeze %dma_start3A_57 : memref<1x20x128xi32, #tpu.memory_space<vmem>> -> memref<20x128xi32, #tpu.memory_space<vmem>>
    %dma_start3A_59 = arith.constant 0 : i32
    %dma_start3A_60 = tpu.memref_slice %arg4[%add3A_47, %dma_start3A_59] : memref<2560x128xi32, #tpu.memory_space<hbm>> -> memref<20x128xi32, #tpu.memory_space<hbm>>
    tpu.enqueue_dma source(%dma_start3A_60 : memref<20x128xi32, #tpu.memory_space<hbm>>) target(%dma_start3A_58 : memref<20x128xi32, #tpu.memory_space<vmem>>) target_semaphore(%arg20 : memref<!tpu.dma_semaphore, #tpu.memory_space<semaphore_mem>>)
    %barrier3A = arith.constant 0 : index
    tpu.barrier barrier_id(%barrier3A)
    %scan3A = arith.constant 0 : i32
    %scan3A_61 = arith.constant 4 : i32
    %scan3A_62 = arith.addi %scan3A, %scan3A_61 : i32
    %scan3A_63 = arith.constant 1 : i32
    scf.for %scan3A_66 = %scan3A to %scan3A_62 step %scan3A_63  : i32 {
      %mul3A_67 = arith.constant 1 : i32
      %mul3A_68 = arith.muli %scan3A_66, %mul3A_67 : i32
      %add3A_69 = arith.constant 0 : i32
      %add3A_70 = arith.addi %add3A_69, %mul3A_68 : i32
      %mul3A_71 = arith.constant 2 : i32
      %mul3A_72 = arith.muli %mul3A_71, %add3A_70 : i32
      %add3A_73 = arith.constant 0 : i32
      %add3A_74 = arith.addi %mul3A_72, %add3A_73 : i32
      %dma_wait3A = arith.constant 0 : i32
      %dma_wait3A_75 = arith.constant 0 : i32
      %dma_wait3A_76 = arith.constant 0 : i32
      %dma_wait3A_77 = tpu.memref_slice %arg6[%dma_wait3A, %dma_wait3A_75, %dma_wait3A_76] : memref<2x20x128xi32, #tpu.memory_space<vmem>> -> memref<1x20x128xi32, #tpu.memory_space<vmem>>
      %dma_wait3A_78 = tpu.memref_squeeze %dma_wait3A_77 : memref<1x20x128xi32, #tpu.memory_space<vmem>> -> memref<20x128xi32, #tpu.memory_space<vmem>>
      %dma_wait3A_79 = arith.constant 0 : i32
      %dma_wait3A_80 = arith.constant 0 : i32
      %dma_wait3A_81 = tpu.memref_slice %arg3[%dma_wait3A_79, %dma_wait3A_80] : memref<2560x128xi32, #tpu.memory_space<hbm>> -> memref<20x128xi32, #tpu.memory_space<hbm>>
      %dma_wait3A_82 = arith.constant 0 : i32
      %dma_wait3A_83 = arith.constant 0 : i32
      %dma_wait3A_84 = tpu.memref_slice %arg6[%dma_wait3A, %dma_wait3A_82, %dma_wait3A_83] : memref<2x20x128xi32, #tpu.memory_space<vmem>> -> memref<1x20x128xi32, #tpu.memory_space<vmem>>
      %dma_wait3A_85 = tpu.memref_squeeze %dma_wait3A_84 : memref<1x20x128xi32, #tpu.memory_space<vmem>> -> memref<20x128xi32, #tpu.memory_space<vmem>>
      %dma_wait3A_86 = arith.constant 0 : i32
      %dma_wait3A_87 = arith.constant 0 : i32
      %dma_wait3A_88 = tpu.memref_slice %arg3[%dma_wait3A_86, %dma_wait3A_87] : memref<2560x128xi32, #tpu.memory_space<hbm>> -> memref<20x128xi32, #tpu.memory_space<hbm>>
      tpu.wait_dma2 semaphore(%arg19 : memref<!tpu.dma_semaphore, #tpu.memory_space<semaphore_mem>>) src(%dma_wait3A_88 : memref<20x128xi32, #tpu.memory_space<hbm>>) dst(%dma_wait3A_85 : memref<20x128xi32, #tpu.memory_space<vmem>>)
      %dma_wait3A_89 = arith.constant 0 : i32
      %dma_wait3A_90 = arith.constant 0 : i32
      %dma_wait3A_91 = arith.constant 0 : i32
      %dma_wait3A_92 = tpu.memref_slice %arg7[%dma_wait3A_89, %dma_wait3A_90, %dma_wait3A_91] : memref<2x20x128xi32, #tpu.memory_space<vmem>> -> memref<1x20x128xi32, #tpu.memory_space<vmem>>
      %dma_wait3A_93 = tpu.memref_squeeze %dma_wait3A_92 : memref<1x20x128xi32, #tpu.memory_space<vmem>> -> memref<20x128xi32, #tpu.memory_space<vmem>>
      %dma_wait3A_94 = arith.constant 0 : i32
      %dma_wait3A_95 = arith.constant 0 : i32
      %dma_wait3A_96 = tpu.memref_slice %arg3[%dma_wait3A_94, %dma_wait3A_95] : memref<2560x128xi32, #tpu.memory_space<hbm>> -> memref<20x128xi32, #tpu.memory_space<hbm>>
      %dma_wait3A_97 = arith.constant 0 : i32
      %dma_wait3A_98 = arith.constant 0 : i32
      %dma_wait3A_99 = tpu.memref_slice %arg7[%dma_wait3A_89, %dma_wait3A_97, %dma_wait3A_98] : memref<2x20x128xi32, #tpu.memory_space<vmem>> -> memref<1x20x128xi32, #tpu.memory_space<vmem>>
      %dma_wait3A_100 = tpu.memref_squeeze %dma_wait3A_99 : memref<1x20x128xi32, #tpu.memory_space<vmem>> -> memref<20x128xi32, #tpu.memory_space<vmem>>
      %dma_wait3A_101 = arith.constant 0 : i32
      %dma_wait3A_102 = arith.constant 0 : i32
      %dma_wait3A_103 = tpu.memref_slice %arg3[%dma_wait3A_101, %dma_wait3A_102] : memref<2560x128xi32, #tpu.memory_space<hbm>> -> memref<20x128xi32, #tpu.memory_space<hbm>>
      tpu.wait_dma2 semaphore(%arg19 : memref<!tpu.dma_semaphore, #tpu.memory_space<semaphore_mem>>) src(%dma_wait3A_103 : memref<20x128xi32, #tpu.memory_space<hbm>>) dst(%dma_wait3A_100 : memref<20x128xi32, #tpu.memory_space<vmem>>)
      %dma_start3A_104 = arith.constant 0 : i32
      %dma_start3A_105 = arith.constant 0 : i32
      %dma_start3A_106 = arith.constant 0 : i32
      %dma_start3A_107 = arith.constant 0 : i32
      %dma_start3A_108 = arith.constant 0 : i32
      %dma_start3A_109 = tpu.memref_slice %arg8[%dma_start3A_106, %dma_start3A_107, %dma_start3A_108] : memref<4x128x64xf32, #tpu.memory_space<vmem>> -> memref<1x128x64xf32, #tpu.memory_space<vmem>>
      %dma_start3A_110 = tpu.memref_squeeze %dma_start3A_109 : memref<1x128x64xf32, #tpu.memory_space<vmem>> -> memref<128x64xf32, #tpu.memory_space<vmem>>
      %dma_start3A_111 = arith.constant 0 : i32
      %dma_start3A_112 = arith.constant 0 : i32
      %dma_start3A_113 = tpu.memref_slice %arg6[%dma_start3A_104, %dma_start3A_111, %dma_start3A_112] : memref<2x20x128xi32, #tpu.memory_space<vmem>> -> memref<1x20x128xi32, #tpu.memory_space<vmem>>
      %dma_start3A_114 = tpu.memref_squeeze %dma_start3A_113 : memref<1x20x128xi32, #tpu.memory_space<vmem>> -> memref<20x128xi32, #tpu.memory_space<vmem>>
      %dma_start3A_115 = arith.constant 0 : i32
      %dma_start3A_116 = tpu.memref_slice %dma_start3A_114[%dma_start3A_105, %dma_start3A_115] : memref<20x128xi32, #tpu.memory_space<vmem>> -> memref<1x128xi32, #tpu.memory_space<vmem>>
      %dma_start3A_117 = tpu.memref_squeeze %dma_start3A_116 : memref<1x128xi32, #tpu.memory_space<vmem>> -> memref<128xi32, #tpu.memory_space<vmem>>
      %dma_start3A_118 = arith.constant 0 : i32
      %dma_start3A_119 = arith.constant 0 : i32
      %dma_start3A_120 = tpu.memref_slice %arg9[%dma_start3A_118, %dma_start3A_119] : memref<10240x64xf32, #tpu.memory_space<vmem_shared>> -> memref<10240x64xf32, #tpu.memory_space<vmem_shared>>
      tpu.enqueue_indirect_dma source(%dma_start3A_120 : memref<10240x64xf32, #tpu.memory_space<vmem_shared>>) target(%dma_start3A_110 : memref<128x64xf32, #tpu.memory_space<vmem>>) offsets(%dma_start3A_117 : memref<128xi32, #tpu.memory_space<vmem>>) semaphore(%arg11 : memref<!tpu.dma_semaphore, #tpu.memory_space<semaphore_mem>>)
      %dma_start3A_121 = arith.constant 0 : i32
      %dma_start3A_122 = arith.constant 1 : i32
      %dma_start3A_123 = arith.constant 1 : i32
      %dma_start3A_124 = arith.constant 0 : i32
      %dma_start3A_125 = arith.constant 0 : i32
      %dma_start3A_126 = tpu.memref_slice %arg8[%dma_start3A_123, %dma_start3A_124, %dma_start3A_125] : memref<4x128x64xf32, #tpu.memory_space<vmem>> -> memref<1x128x64xf32, #tpu.memory_space<vmem>>
      %dma_start3A_127 = tpu.memref_squeeze %dma_start3A_126 : memref<1x128x64xf32, #tpu.memory_space<vmem>> -> memref<128x64xf32, #tpu.memory_space<vmem>>
      %dma_start3A_128 = arith.constant 0 : i32
      %dma_start3A_129 = arith.constant 0 : i32
      %dma_start3A_130 = tpu.memref_slice %arg6[%dma_start3A_121, %dma_start3A_128, %dma_start3A_129] : memref<2x20x128xi32, #tpu.memory_space<vmem>> -> memref<1x20x128xi32, #tpu.memory_space<vmem>>
      %dma_start3A_131 = tpu.memref_squeeze %dma_start3A_130 : memref<1x20x128xi32, #tpu.memory_space<vmem>> -> memref<20x128xi32, #tpu.memory_space<vmem>>
      %dma_start3A_132 = arith.constant 0 : i32
      %dma_start3A_133 = tpu.memref_slice %dma_start3A_131[%dma_start3A_122, %dma_start3A_132] : memref<20x128xi32, #tpu.memory_space<vmem>> -> memref<1x128xi32, #tpu.memory_space<vmem>>
      %dma_start3A_134 = tpu.memref_squeeze %dma_start3A_133 : memref<1x128xi32, #tpu.memory_space<vmem>> -> memref<128xi32, #tpu.memory_space<vmem>>
      %dma_start3A_135 = arith.constant 0 : i32
      %dma_start3A_136 = arith.constant 0 : i32
      %dma_start3A_137 = tpu.memref_slice %arg9[%dma_start3A_135, %dma_start3A_136] : memref<10240x64xf32, #tpu.memory_space<vmem_shared>> -> memref<10240x64xf32, #tpu.memory_space<vmem_shared>>
      tpu.enqueue_indirect_dma source(%dma_start3A_137 : memref<10240x64xf32, #tpu.memory_space<vmem_shared>>) target(%dma_start3A_127 : memref<128x64xf32, #tpu.memory_space<vmem>>) offsets(%dma_start3A_134 : memref<128xi32, #tpu.memory_space<vmem>>) semaphore(%arg12 : memref<!tpu.dma_semaphore, #tpu.memory_space<semaphore_mem>>)
      %scan3A_138 = arith.constant 0 : i32
      %scan3A_139 = arith.constant 5 : i32
      %scan3A_140 = arith.addi %scan3A_138, %scan3A_139 : i32
      %scan3A_141 = arith.constant 1 : i32
      scf.for %scan3A_287 = %scan3A_138 to %scan3A_140 step %scan3A_141  : i32 {
        %mul3A_288 = arith.constant 1 : i32
        %mul3A_289 = arith.muli %scan3A_287, %mul3A_288 : i32
        %add3A_290 = arith.constant 0 : i32
        %add3A_291 = arith.addi %add3A_290, %mul3A_289 : i32
        %mul3A_292 = arith.constant 4 : i32
        %mul3A_293 = arith.muli %add3A_291, %mul3A_292 : i32
        %add3A_294 = arith.constant 0 : i32
        %add3A_295 = arith.addi %mul3A_293, %add3A_294 : i32
        %dma_wait3A_296 = arith.constant 0 : i32
        %dma_wait3A_297 = arith.constant 0 : i32
        %dma_wait3A_298 = arith.constant 0 : i32
        %dma_wait3A_299 = tpu.memref_slice %arg8[%dma_wait3A_296, %dma_wait3A_297, %dma_wait3A_298] : memref<4x128x64xf32, #tpu.memory_space<vmem>> -> memref<1x128x64xf32, #tpu.memory_space<vmem>>
        %dma_wait3A_300 = tpu.memref_squeeze %dma_wait3A_299 : memref<1x128x64xf32, #tpu.memory_space<vmem>> -> memref<128x64xf32, #tpu.memory_space<vmem>>
        %dma_wait3A_301 = arith.constant 0 : i32
        %dma_wait3A_302 = arith.constant 0 : i32
        %dma_wait3A_303 = tpu.memref_slice %arg9[%dma_wait3A_301, %dma_wait3A_302] : memref<10240x64xf32, #tpu.memory_space<vmem_shared>> -> memref<128x64xf32, #tpu.memory_space<vmem_shared>>
        %dma_wait3A_304 = arith.constant 0 : i32
        %dma_wait3A_305 = arith.constant 0 : i32
        %dma_wait3A_306 = tpu.memref_slice %arg8[%dma_wait3A_296, %dma_wait3A_304, %dma_wait3A_305] : memref<4x128x64xf32, #tpu.memory_space<vmem>> -> memref<1x128x64xf32, #tpu.memory_space<vmem>>
        %dma_wait3A_307 = tpu.memref_squeeze %dma_wait3A_306 : memref<1x128x64xf32, #tpu.memory_space<vmem>> -> memref<128x64xf32, #tpu.memory_space<vmem>>
        %dma_wait3A_308 = arith.constant 0 : i32
        %dma_wait3A_309 = arith.constant 0 : i32
        %dma_wait3A_310 = tpu.memref_slice %arg9[%dma_wait3A_308, %dma_wait3A_309] : memref<10240x64xf32, #tpu.memory_space<vmem_shared>> -> memref<128x64xf32, #tpu.memory_space<vmem_shared>>
        tpu.wait_dma2 semaphore(%arg11 : memref<!tpu.dma_semaphore, #tpu.memory_space<semaphore_mem>>) src(%dma_wait3A_310 : memref<128x64xf32, #tpu.memory_space<vmem_shared>>) dst(%dma_wait3A_307 : memref<128x64xf32, #tpu.memory_space<vmem>>)
        %dma_start3A_311 = arith.constant 0 : i32
        %dma_start3A_312 = arith.constant 0 : i32
        %dma_start3A_313 = arith.constant 0 : i32
        %dma_start3A_314 = arith.constant 0 : i32
        %dma_start3A_315 = tpu.memref_slice %arg8[%dma_start3A_311, %dma_start3A_313, %dma_start3A_314] : memref<4x128x64xf32, #tpu.memory_space<vmem>> -> memref<1x128x64xf32, #tpu.memory_space<vmem>>
        %dma_start3A_316 = tpu.memref_squeeze %dma_start3A_315 : memref<1x128x64xf32, #tpu.memory_space<vmem>> -> memref<128x64xf32, #tpu.memory_space<vmem>>
        %dma_start3A_317 = arith.constant 0 : i32
        %dma_start3A_318 = arith.constant 0 : i32
        %dma_start3A_319 = tpu.memref_slice %arg7[%dma_start3A_312, %dma_start3A_317, %dma_start3A_318] : memref<2x20x128xi32, #tpu.memory_space<vmem>> -> memref<1x20x128xi32, #tpu.memory_space<vmem>>
        %dma_start3A_320 = tpu.memref_squeeze %dma_start3A_319 : memref<1x20x128xi32, #tpu.memory_space<vmem>> -> memref<20x128xi32, #tpu.memory_space<vmem>>
        %dma_start3A_321 = arith.constant 0 : i32
        %dma_start3A_322 = tpu.memref_slice %dma_start3A_320[%add3A_295, %dma_start3A_321] : memref<20x128xi32, #tpu.memory_space<vmem>> -> memref<1x128xi32, #tpu.memory_space<vmem>>
        %dma_start3A_323 = tpu.memref_squeeze %dma_start3A_322 : memref<1x128xi32, #tpu.memory_space<vmem>> -> memref<128xi32, #tpu.memory_space<vmem>>
        %dma_start3A_324 = arith.constant 0 : i32
        %dma_start3A_325 = arith.constant 0 : i32
        %dma_start3A_326 = tpu.memref_slice %arg10[%dma_start3A_324, %dma_start3A_325] : memref<10240x64xf32, #tpu.memory_space<vmem_shared>> -> memref<10240x64xf32, #tpu.memory_space<vmem_shared>>
        tpu.enqueue_indirect_dma source(%dma_start3A_316 : memref<128x64xf32, #tpu.memory_space<vmem>>) target(%dma_start3A_326 : memref<10240x64xf32, #tpu.memory_space<vmem_shared>>) offsets(%dma_start3A_323 : memref<128xi32, #tpu.memory_space<vmem>>) semaphore(%arg15 : memref<!tpu.dma_semaphore, #tpu.memory_space<semaphore_mem>>) {add = true}
        %gt3A = arith.constant 0 : i32
        %gt3A_327 = arith.cmpi sgt, %mul3A_293, %gt3A : i32
        %convert_element_type3A_328 = arith.extui %gt3A_327 : i1 to i32
        %cond3A_329 = arith.constant 0 : i32
        %cond3A_330 = arith.cmpi ne, %convert_element_type3A_328, %cond3A_329 : i32
        scf.if %cond3A_330 {
          %dma_wait3A_493 = arith.constant 2 : i32
          %dma_wait3A_494 = arith.constant 0 : i32
          %dma_wait3A_495 = arith.constant 0 : i32
          %dma_wait3A_496 = tpu.memref_slice %arg8[%dma_wait3A_493, %dma_wait3A_494, %dma_wait3A_495] : memref<4x128x64xf32, #tpu.memory_space<vmem>> -> memref<1x128x64xf32, #tpu.memory_space<vmem>>
          %dma_wait3A_497 = tpu.memref_squeeze %dma_wait3A_496 : memref<1x128x64xf32, #tpu.memory_space<vmem>> -> memref<128x64xf32, #tpu.memory_space<vmem>>
          %dma_wait3A_498 = arith.constant 0 : i32
          %dma_wait3A_499 = arith.constant 0 : i32
          %dma_wait3A_500 = tpu.memref_slice %arg10[%dma_wait3A_498, %dma_wait3A_499] : memref<10240x64xf32, #tpu.memory_space<vmem_shared>> -> memref<128x64xf32, #tpu.memory_space<vmem_shared>>
          %dma_wait3A_501 = arith.constant 0 : i32
          %dma_wait3A_502 = arith.constant 0 : i32
          %dma_wait3A_503 = tpu.memref_slice %arg10[%dma_wait3A_501, %dma_wait3A_502] : memref<10240x64xf32, #tpu.memory_space<vmem_shared>> -> memref<128x64xf32, #tpu.memory_space<vmem_shared>>
          %dma_wait3A_504 = arith.constant 0 : i32
          %dma_wait3A_505 = arith.constant 0 : i32
          %dma_wait3A_506 = tpu.memref_slice %arg8[%dma_wait3A_493, %dma_wait3A_504, %dma_wait3A_505] : memref<4x128x64xf32, #tpu.memory_space<vmem>> -> memref<1x128x64xf32, #tpu.memory_space<vmem>>
          %dma_wait3A_507 = tpu.memref_squeeze %dma_wait3A_506 : memref<1x128x64xf32, #tpu.memory_space<vmem>> -> memref<128x64xf32, #tpu.memory_space<vmem>>
          tpu.wait_dma2 semaphore(%arg17 : memref<!tpu.dma_semaphore, #tpu.memory_space<semaphore_mem>>) src(%dma_wait3A_507 : memref<128x64xf32, #tpu.memory_space<vmem>>) dst(%dma_wait3A_503 : memref<128x64xf32, #tpu.memory_space<vmem_shared>>)
        } else {
        }
        %add3A_331 = arith.constant 2 : i32
        %add3A_332 = arith.addi %add3A_295, %add3A_331 : i32
        %lt3A_333 = arith.constant 20 : i32
        %lt3A_334 = arith.cmpi slt, %add3A_332, %lt3A_333 : i32
        %convert_element_type3A_335 = arith.extui %lt3A_334 : i1 to i32
        %cond3A_336 = arith.constant 0 : i32
        %cond3A_337 = arith.cmpi ne, %convert_element_type3A_335, %cond3A_336 : i32
        scf.if %cond3A_337 {
          %add3A_493 = arith.constant 2 : i32
          %add3A_494 = arith.addi %add3A_295, %add3A_493 : i32
          %dma_start3A_495 = arith.constant 0 : i32
          %dma_start3A_496 = arith.constant 2 : i32
          %dma_start3A_497 = arith.constant 0 : i32
          %dma_start3A_498 = arith.constant 0 : i32
          %dma_start3A_499 = tpu.memref_slice %arg8[%dma_start3A_496, %dma_start3A_497, %dma_start3A_498] : memref<4x128x64xf32, #tpu.memory_space<vmem>> -> memref<1x128x64xf32, #tpu.memory_space<vmem>>
          %dma_start3A_500 = tpu.memref_squeeze %dma_start3A_499 : memref<1x128x64xf32, #tpu.memory_space<vmem>> -> memref<128x64xf32, #tpu.memory_space<vmem>>
          %dma_start3A_501 = arith.constant 0 : i32
          %dma_start3A_502 = arith.constant 0 : i32
          %dma_start3A_503 = tpu.memref_slice %arg6[%dma_start3A_495, %dma_start3A_501, %dma_start3A_502] : memref<2x20x128xi32, #tpu.memory_space<vmem>> -> memref<1x20x128xi32, #tpu.memory_space<vmem>>
          %dma_start3A_504 = tpu.memref_squeeze %dma_start3A_503 : memref<1x20x128xi32, #tpu.memory_space<vmem>> -> memref<20x128xi32, #tpu.memory_space<vmem>>
          %dma_start3A_505 = arith.constant 0 : i32
          %dma_start3A_506 = tpu.memref_slice %dma_start3A_504[%add3A_494, %dma_start3A_505] : memref<20x128xi32, #tpu.memory_space<vmem>> -> memref<1x128xi32, #tpu.memory_space<vmem>>
          %dma_start3A_507 = tpu.memref_squeeze %dma_start3A_506 : memref<1x128xi32, #tpu.memory_space<vmem>> -> memref<128xi32, #tpu.memory_space<vmem>>
          %dma_start3A_508 = arith.constant 0 : i32
          %dma_start3A_509 = arith.constant 0 : i32
          %dma_start3A_510 = tpu.memref_slice %arg9[%dma_start3A_508, %dma_start3A_509] : memref<10240x64xf32, #tpu.memory_space<vmem_shared>> -> memref<10240x64xf32, #tpu.memory_space<vmem_shared>>
          tpu.enqueue_indirect_dma source(%dma_start3A_510 : memref<10240x64xf32, #tpu.memory_space<vmem_shared>>) target(%dma_start3A_500 : memref<128x64xf32, #tpu.memory_space<vmem>>) offsets(%dma_start3A_507 : memref<128xi32, #tpu.memory_space<vmem>>) semaphore(%arg13 : memref<!tpu.dma_semaphore, #tpu.memory_space<semaphore_mem>>)
        } else {
        }
        %add3A_338 = arith.constant 1 : i32
        %add3A_339 = arith.addi %mul3A_293, %add3A_338 : i32
        %dma_wait3A_340 = arith.constant 1 : i32
        %dma_wait3A_341 = arith.constant 0 : i32
        %dma_wait3A_342 = arith.constant 0 : i32
        %dma_wait3A_343 = tpu.memref_slice %arg8[%dma_wait3A_340, %dma_wait3A_341, %dma_wait3A_342] : memref<4x128x64xf32, #tpu.memory_space<vmem>> -> memref<1x128x64xf32, #tpu.memory_space<vmem>>
        %dma_wait3A_344 = tpu.memref_squeeze %dma_wait3A_343 : memref<1x128x64xf32, #tpu.memory_space<vmem>> -> memref<128x64xf32, #tpu.memory_space<vmem>>
        %dma_wait3A_345 = arith.constant 0 : i32
        %dma_wait3A_346 = arith.constant 0 : i32
        %dma_wait3A_347 = tpu.memref_slice %arg9[%dma_wait3A_345, %dma_wait3A_346] : memref<10240x64xf32, #tpu.memory_space<vmem_shared>> -> memref<128x64xf32, #tpu.memory_space<vmem_shared>>
        %dma_wait3A_348 = arith.constant 0 : i32
        %dma_wait3A_349 = arith.constant 0 : i32
        %dma_wait3A_350 = tpu.memref_slice %arg8[%dma_wait3A_340, %dma_wait3A_348, %dma_wait3A_349] : memref<4x128x64xf32, #tpu.memory_space<vmem>> -> memref<1x128x64xf32, #tpu.memory_space<vmem>>
        %dma_wait3A_351 = tpu.memref_squeeze %dma_wait3A_350 : memref<1x128x64xf32, #tpu.memory_space<vmem>> -> memref<128x64xf32, #tpu.memory_space<vmem>>
        %dma_wait3A_352 = arith.constant 0 : i32
        %dma_wait3A_353 = arith.constant 0 : i32
        %dma_wait3A_354 = tpu.memref_slice %arg9[%dma_wait3A_352, %dma_wait3A_353] : memref<10240x64xf32, #tpu.memory_space<vmem_shared>> -> memref<128x64xf32, #tpu.memory_space<vmem_shared>>
        tpu.wait_dma2 semaphore(%arg12 : memref<!tpu.dma_semaphore, #tpu.memory_space<semaphore_mem>>) src(%dma_wait3A_354 : memref<128x64xf32, #tpu.memory_space<vmem_shared>>) dst(%dma_wait3A_351 : memref<128x64xf32, #tpu.memory_space<vmem>>)
        %dma_start3A_355 = arith.constant 1 : i32
        %dma_start3A_356 = arith.constant 0 : i32
        %dma_start3A_357 = arith.constant 0 : i32
        %dma_start3A_358 = arith.constant 0 : i32
        %dma_start3A_359 = tpu.memref_slice %arg8[%dma_start3A_355, %dma_start3A_357, %dma_start3A_358] : memref<4x128x64xf32, #tpu.memory_space<vmem>> -> memref<1x128x64xf32, #tpu.memory_space<vmem>>
        %dma_start3A_360 = tpu.memref_squeeze %dma_start3A_359 : memref<1x128x64xf32, #tpu.memory_space<vmem>> -> memref<128x64xf32, #tpu.memory_space<vmem>>
        %dma_start3A_361 = arith.constant 0 : i32
        %dma_start3A_362 = arith.constant 0 : i32
        %dma_start3A_363 = tpu.memref_slice %arg7[%dma_start3A_356, %dma_start3A_361, %dma_start3A_362] : memref<2x20x128xi32, #tpu.memory_space<vmem>> -> memref<1x20x128xi32, #tpu.memory_space<vmem>>
        %dma_start3A_364 = tpu.memref_squeeze %dma_start3A_363 : memref<1x20x128xi32, #tpu.memory_space<vmem>> -> memref<20x128xi32, #tpu.memory_space<vmem>>
        %dma_start3A_365 = arith.constant 0 : i32
        %dma_start3A_366 = tpu.memref_slice %dma_start3A_364[%add3A_339, %dma_start3A_365] : memref<20x128xi32, #tpu.memory_space<vmem>> -> memref<1x128xi32, #tpu.memory_space<vmem>>
        %dma_start3A_367 = tpu.memref_squeeze %dma_start3A_366 : memref<1x128xi32, #tpu.memory_space<vmem>> -> memref<128xi32, #tpu.memory_space<vmem>>
        %dma_start3A_368 = arith.constant 0 : i32
        %dma_start3A_369 = arith.constant 0 : i32
        %dma_start3A_370 = tpu.memref_slice %arg10[%dma_start3A_368, %dma_start3A_369] : memref<10240x64xf32, #tpu.memory_space<vmem_shared>> -> memref<10240x64xf32, #tpu.memory_space<vmem_shared>>
        tpu.enqueue_indirect_dma source(%dma_start3A_360 : memref<128x64xf32, #tpu.memory_space<vmem>>) target(%dma_start3A_370 : memref<10240x64xf32, #tpu.memory_space<vmem_shared>>) offsets(%dma_start3A_367 : memref<128xi32, #tpu.memory_space<vmem>>) semaphore(%arg16 : memref<!tpu.dma_semaphore, #tpu.memory_space<semaphore_mem>>) {add = true}
        %gt3A_371 = arith.constant 0 : i32
        %gt3A_372 = arith.cmpi sgt, %mul3A_293, %gt3A_371 : i32
        %convert_element_type3A_373 = arith.extui %gt3A_372 : i1 to i32
        %cond3A_374 = arith.constant 0 : i32
        %cond3A_375 = arith.cmpi ne, %convert_element_type3A_373, %cond3A_374 : i32
        scf.if %cond3A_375 {
          %dma_wait3A_493 = arith.constant 3 : i32
          %dma_wait3A_494 = arith.constant 0 : i32
          %dma_wait3A_495 = arith.constant 0 : i32
          %dma_wait3A_496 = tpu.memref_slice %arg8[%dma_wait3A_493, %dma_wait3A_494, %dma_wait3A_495] : memref<4x128x64xf32, #tpu.memory_space<vmem>> -> memref<1x128x64xf32, #tpu.memory_space<vmem>>
          %dma_wait3A_497 = tpu.memref_squeeze %dma_wait3A_496 : memref<1x128x64xf32, #tpu.memory_space<vmem>> -> memref<128x64xf32, #tpu.memory_space<vmem>>
          %dma_wait3A_498 = arith.constant 0 : i32
          %dma_wait3A_499 = arith.constant 0 : i32
          %dma_wait3A_500 = tpu.memref_slice %arg10[%dma_wait3A_498, %dma_wait3A_499] : memref<10240x64xf32, #tpu.memory_space<vmem_shared>> -> memref<128x64xf32, #tpu.memory_space<vmem_shared>>
          %dma_wait3A_501 = arith.constant 0 : i32
          %dma_wait3A_502 = arith.constant 0 : i32
          %dma_wait3A_503 = tpu.memref_slice %arg10[%dma_wait3A_501, %dma_wait3A_502] : memref<10240x64xf32, #tpu.memory_space<vmem_shared>> -> memref<128x64xf32, #tpu.memory_space<vmem_shared>>
          %dma_wait3A_504 = arith.constant 0 : i32
          %dma_wait3A_505 = arith.constant 0 : i32
          %dma_wait3A_506 = tpu.memref_slice %arg8[%dma_wait3A_493, %dma_wait3A_504, %dma_wait3A_505] : memref<4x128x64xf32, #tpu.memory_space<vmem>> -> memref<1x128x64xf32, #tpu.memory_space<vmem>>
          %dma_wait3A_507 = tpu.memref_squeeze %dma_wait3A_506 : memref<1x128x64xf32, #tpu.memory_space<vmem>> -> memref<128x64xf32, #tpu.memory_space<vmem>>
          tpu.wait_dma2 semaphore(%arg18 : memref<!tpu.dma_semaphore, #tpu.memory_space<semaphore_mem>>) src(%dma_wait3A_507 : memref<128x64xf32, #tpu.memory_space<vmem>>) dst(%dma_wait3A_503 : memref<128x64xf32, #tpu.memory_space<vmem_shared>>)
        } else {
        }
        %add3A_376 = arith.constant 2 : i32
        %add3A_377 = arith.addi %add3A_339, %add3A_376 : i32
        %lt3A_378 = arith.constant 20 : i32
        %lt3A_379 = arith.cmpi slt, %add3A_377, %lt3A_378 : i32
        %convert_element_type3A_380 = arith.extui %lt3A_379 : i1 to i32
        %cond3A_381 = arith.constant 0 : i32
        %cond3A_382 = arith.cmpi ne, %convert_element_type3A_380, %cond3A_381 : i32
        scf.if %cond3A_382 {
          %add3A_493 = arith.constant 2 : i32
          %add3A_494 = arith.addi %add3A_339, %add3A_493 : i32
          %dma_start3A_495 = arith.constant 0 : i32
          %dma_start3A_496 = arith.constant 3 : i32
          %dma_start3A_497 = arith.constant 0 : i32
          %dma_start3A_498 = arith.constant 0 : i32
          %dma_start3A_499 = tpu.memref_slice %arg8[%dma_start3A_496, %dma_start3A_497, %dma_start3A_498] : memref<4x128x64xf32, #tpu.memory_space<vmem>> -> memref<1x128x64xf32, #tpu.memory_space<vmem>>
          %dma_start3A_500 = tpu.memref_squeeze %dma_start3A_499 : memref<1x128x64xf32, #tpu.memory_space<vmem>> -> memref<128x64xf32, #tpu.memory_space<vmem>>
          %dma_start3A_501 = arith.constant 0 : i32
          %dma_start3A_502 = arith.constant 0 : i32
          %dma_start3A_503 = tpu.memref_slice %arg6[%dma_start3A_495, %dma_start3A_501, %dma_start3A_502] : memref<2x20x128xi32, #tpu.memory_space<vmem>> -> memref<1x20x128xi32, #tpu.memory_space<vmem>>
          %dma_start3A_504 = tpu.memref_squeeze %dma_start3A_503 : memref<1x20x128xi32, #tpu.memory_space<vmem>> -> memref<20x128xi32, #tpu.memory_space<vmem>>
          %dma_start3A_505 = arith.constant 0 : i32
          %dma_start3A_506 = tpu.memref_slice %dma_start3A_504[%add3A_494, %dma_start3A_505] : memref<20x128xi32, #tpu.memory_space<vmem>> -> memref<1x128xi32, #tpu.memory_space<vmem>>
          %dma_start3A_507 = tpu.memref_squeeze %dma_start3A_506 : memref<1x128xi32, #tpu.memory_space<vmem>> -> memref<128xi32, #tpu.memory_space<vmem>>
          %dma_start3A_508 = arith.constant 0 : i32
          %dma_start3A_509 = arith.constant 0 : i32
          %dma_start3A_510 = tpu.memref_slice %arg9[%dma_start3A_508, %dma_start3A_509] : memref<10240x64xf32, #tpu.memory_space<vmem_shared>> -> memref<10240x64xf32, #tpu.memory_space<vmem_shared>>
          tpu.enqueue_indirect_dma source(%dma_start3A_510 : memref<10240x64xf32, #tpu.memory_space<vmem_shared>>) target(%dma_start3A_500 : memref<128x64xf32, #tpu.memory_space<vmem>>) offsets(%dma_start3A_507 : memref<128xi32, #tpu.memory_space<vmem>>) semaphore(%arg14 : memref<!tpu.dma_semaphore, #tpu.memory_space<semaphore_mem>>)
        } else {
        }
        %add3A_383 = arith.constant 2 : i32
        %add3A_384 = arith.addi %mul3A_293, %add3A_383 : i32
        %dma_wait3A_385 = arith.constant 2 : i32
        %dma_wait3A_386 = arith.constant 0 : i32
        %dma_wait3A_387 = arith.constant 0 : i32
        %dma_wait3A_388 = tpu.memref_slice %arg8[%dma_wait3A_385, %dma_wait3A_386, %dma_wait3A_387] : memref<4x128x64xf32, #tpu.memory_space<vmem>> -> memref<1x128x64xf32, #tpu.memory_space<vmem>>
        %dma_wait3A_389 = tpu.memref_squeeze %dma_wait3A_388 : memref<1x128x64xf32, #tpu.memory_space<vmem>> -> memref<128x64xf32, #tpu.memory_space<vmem>>
        %dma_wait3A_390 = arith.constant 0 : i32
        %dma_wait3A_391 = arith.constant 0 : i32
        %dma_wait3A_392 = tpu.memref_slice %arg9[%dma_wait3A_390, %dma_wait3A_391] : memref<10240x64xf32, #tpu.memory_space<vmem_shared>> -> memref<128x64xf32, #tpu.memory_space<vmem_shared>>
        %dma_wait3A_393 = arith.constant 0 : i32
        %dma_wait3A_394 = arith.constant 0 : i32
        %dma_wait3A_395 = tpu.memref_slice %arg8[%dma_wait3A_385, %dma_wait3A_393, %dma_wait3A_394] : memref<4x128x64xf32, #tpu.memory_space<vmem>> -> memref<1x128x64xf32, #tpu.memory_space<vmem>>
        %dma_wait3A_396 = tpu.memref_squeeze %dma_wait3A_395 : memref<1x128x64xf32, #tpu.memory_space<vmem>> -> memref<128x64xf32, #tpu.memory_space<vmem>>
        %dma_wait3A_397 = arith.constant 0 : i32
        %dma_wait3A_398 = arith.constant 0 : i32
        %dma_wait3A_399 = tpu.memref_slice %arg9[%dma_wait3A_397, %dma_wait3A_398] : memref<10240x64xf32, #tpu.memory_space<vmem_shared>> -> memref<128x64xf32, #tpu.memory_space<vmem_shared>>
        tpu.wait_dma2 semaphore(%arg13 : memref<!tpu.dma_semaphore, #tpu.memory_space<semaphore_mem>>) src(%dma_wait3A_399 : memref<128x64xf32, #tpu.memory_space<vmem_shared>>) dst(%dma_wait3A_396 : memref<128x64xf32, #tpu.memory_space<vmem>>)
        %dma_start3A_400 = arith.constant 2 : i32
        %dma_start3A_401 = arith.constant 0 : i32
        %dma_start3A_402 = arith.constant 0 : i32
        %dma_start3A_403 = arith.constant 0 : i32
        %dma_start3A_404 = tpu.memref_slice %arg8[%dma_start3A_400, %dma_start3A_402, %dma_start3A_403] : memref<4x128x64xf32, #tpu.memory_space<vmem>> -> memref<1x128x64xf32, #tpu.memory_space<vmem>>
        %dma_start3A_405 = tpu.memref_squeeze %dma_start3A_404 : memref<1x128x64xf32, #tpu.memory_space<vmem>> -> memref<128x64xf32, #tpu.memory_space<vmem>>
        %dma_start3A_406 = arith.constant 0 : i32
        %dma_start3A_407 = arith.constant 0 : i32
        %dma_start3A_408 = tpu.memref_slice %arg7[%dma_start3A_401, %dma_start3A_406, %dma_start3A_407] : memref<2x20x128xi32, #tpu.memory_space<vmem>> -> memref<1x20x128xi32, #tpu.memory_space<vmem>>
        %dma_start3A_409 = tpu.memref_squeeze %dma_start3A_408 : memref<1x20x128xi32, #tpu.memory_space<vmem>> -> memref<20x128xi32, #tpu.memory_space<vmem>>
        %dma_start3A_410 = arith.constant 0 : i32
        %dma_start3A_411 = tpu.memref_slice %dma_start3A_409[%add3A_384, %dma_start3A_410] : memref<20x128xi32, #tpu.memory_space<vmem>> -> memref<1x128xi32, #tpu.memory_space<vmem>>
        %dma_start3A_412 = tpu.memref_squeeze %dma_start3A_411 : memref<1x128xi32, #tpu.memory_space<vmem>> -> memref<128xi32, #tpu.memory_space<vmem>>
        %dma_start3A_413 = arith.constant 0 : i32
        %dma_start3A_414 = arith.constant 0 : i32
        %dma_start3A_415 = tpu.memref_slice %arg10[%dma_start3A_413, %dma_start3A_414] : memref<10240x64xf32, #tpu.memory_space<vmem_shared>> -> memref<10240x64xf32, #tpu.memory_space<vmem_shared>>
        tpu.enqueue_indirect_dma source(%dma_start3A_405 : memref<128x64xf32, #tpu.memory_space<vmem>>) target(%dma_start3A_415 : memref<10240x64xf32, #tpu.memory_space<vmem_shared>>) offsets(%dma_start3A_412 : memref<128xi32, #tpu.memory_space<vmem>>) semaphore(%arg17 : memref<!tpu.dma_semaphore, #tpu.memory_space<semaphore_mem>>) {add = true}
        %dma_wait3A_416 = arith.constant 0 : i32
        %dma_wait3A_417 = arith.constant 0 : i32
        %dma_wait3A_418 = arith.constant 0 : i32
        %dma_wait3A_419 = tpu.memref_slice %arg8[%dma_wait3A_416, %dma_wait3A_417, %dma_wait3A_418] : memref<4x128x64xf32, #tpu.memory_space<vmem>> -> memref<1x128x64xf32, #tpu.memory_space<vmem>>
        %dma_wait3A_420 = tpu.memref_squeeze %dma_wait3A_419 : memref<1x128x64xf32, #tpu.memory_space<vmem>> -> memref<128x64xf32, #tpu.memory_space<vmem>>
        %dma_wait3A_421 = arith.constant 0 : i32
        %dma_wait3A_422 = arith.constant 0 : i32
        %dma_wait3A_423 = tpu.memref_slice %arg10[%dma_wait3A_421, %dma_wait3A_422] : memref<10240x64xf32, #tpu.memory_space<vmem_shared>> -> memref<128x64xf32, #tpu.memory_space<vmem_shared>>
        %dma_wait3A_424 = arith.constant 0 : i32
        %dma_wait3A_425 = arith.constant 0 : i32
        %dma_wait3A_426 = tpu.memref_slice %arg10[%dma_wait3A_424, %dma_wait3A_425] : memref<10240x64xf32, #tpu.memory_space<vmem_shared>> -> memref<128x64xf32, #tpu.memory_space<vmem_shared>>
        %dma_wait3A_427 = arith.constant 0 : i32
        %dma_wait3A_428 = arith.constant 0 : i32
        %dma_wait3A_429 = tpu.memref_slice %arg8[%dma_wait3A_416, %dma_wait3A_427, %dma_wait3A_428] : memref<4x128x64xf32, #tpu.memory_space<vmem>> -> memref<1x128x64xf32, #tpu.memory_space<vmem>>
        %dma_wait3A_430 = tpu.memref_squeeze %dma_wait3A_429 : memref<1x128x64xf32, #tpu.memory_space<vmem>> -> memref<128x64xf32, #tpu.memory_space<vmem>>
        tpu.wait_dma2 semaphore(%arg15 : memref<!tpu.dma_semaphore, #tpu.memory_space<semaphore_mem>>) src(%dma_wait3A_430 : memref<128x64xf32, #tpu.memory_space<vmem>>) dst(%dma_wait3A_426 : memref<128x64xf32, #tpu.memory_space<vmem_shared>>)
        %add3A_431 = arith.constant 2 : i32
        %add3A_432 = arith.addi %add3A_384, %add3A_431 : i32
        %lt3A_433 = arith.constant 20 : i32
        %lt3A_434 = arith.cmpi slt, %add3A_432, %lt3A_433 : i32
        %convert_element_type3A_435 = arith.extui %lt3A_434 : i1 to i32
        %cond3A_436 = arith.constant 0 : i32
        %cond3A_437 = arith.cmpi ne, %convert_element_type3A_435, %cond3A_436 : i32
        scf.if %cond3A_437 {
          %add3A_493 = arith.constant 2 : i32
          %add3A_494 = arith.addi %add3A_384, %add3A_493 : i32
          %dma_start3A_495 = arith.constant 0 : i32
          %dma_start3A_496 = arith.constant 0 : i32
          %dma_start3A_497 = arith.constant 0 : i32
          %dma_start3A_498 = arith.constant 0 : i32
          %dma_start3A_499 = tpu.memref_slice %arg8[%dma_start3A_496, %dma_start3A_497, %dma_start3A_498] : memref<4x128x64xf32, #tpu.memory_space<vmem>> -> memref<1x128x64xf32, #tpu.memory_space<vmem>>
          %dma_start3A_500 = tpu.memref_squeeze %dma_start3A_499 : memref<1x128x64xf32, #tpu.memory_space<vmem>> -> memref<128x64xf32, #tpu.memory_space<vmem>>
          %dma_start3A_501 = arith.constant 0 : i32
          %dma_start3A_502 = arith.constant 0 : i32
          %dma_start3A_503 = tpu.memref_slice %arg6[%dma_start3A_495, %dma_start3A_501, %dma_start3A_502] : memref<2x20x128xi32, #tpu.memory_space<vmem>> -> memref<1x20x128xi32, #tpu.memory_space<vmem>>
          %dma_start3A_504 = tpu.memref_squeeze %dma_start3A_503 : memref<1x20x128xi32, #tpu.memory_space<vmem>> -> memref<20x128xi32, #tpu.memory_space<vmem>>
          %dma_start3A_505 = arith.constant 0 : i32
          %dma_start3A_506 = tpu.memref_slice %dma_start3A_504[%add3A_494, %dma_start3A_505] : memref<20x128xi32, #tpu.memory_space<vmem>> -> memref<1x128xi32, #tpu.memory_space<vmem>>
          %dma_start3A_507 = tpu.memref_squeeze %dma_start3A_506 : memref<1x128xi32, #tpu.memory_space<vmem>> -> memref<128xi32, #tpu.memory_space<vmem>>
          %dma_start3A_508 = arith.constant 0 : i32
          %dma_start3A_509 = arith.constant 0 : i32
          %dma_start3A_510 = tpu.memref_slice %arg9[%dma_start3A_508, %dma_start3A_509] : memref<10240x64xf32, #tpu.memory_space<vmem_shared>> -> memref<10240x64xf32, #tpu.memory_space<vmem_shared>>
          tpu.enqueue_indirect_dma source(%dma_start3A_510 : memref<10240x64xf32, #tpu.memory_space<vmem_shared>>) target(%dma_start3A_500 : memref<128x64xf32, #tpu.memory_space<vmem>>) offsets(%dma_start3A_507 : memref<128xi32, #tpu.memory_space<vmem>>) semaphore(%arg11 : memref<!tpu.dma_semaphore, #tpu.memory_space<semaphore_mem>>)
        } else {
        }
        %add3A_438 = arith.constant 3 : i32
        %add3A_439 = arith.addi %mul3A_293, %add3A_438 : i32
        %dma_wait3A_440 = arith.constant 3 : i32
        %dma_wait3A_441 = arith.constant 0 : i32
        %dma_wait3A_442 = arith.constant 0 : i32
        %dma_wait3A_443 = tpu.memref_slice %arg8[%dma_wait3A_440, %dma_wait3A_441, %dma_wait3A_442] : memref<4x128x64xf32, #tpu.memory_space<vmem>> -> memref<1x128x64xf32, #tpu.memory_space<vmem>>
        %dma_wait3A_444 = tpu.memref_squeeze %dma_wait3A_443 : memref<1x128x64xf32, #tpu.memory_space<vmem>> -> memref<128x64xf32, #tpu.memory_space<vmem>>
        %dma_wait3A_445 = arith.constant 0 : i32
        %dma_wait3A_446 = arith.constant 0 : i32
        %dma_wait3A_447 = tpu.memref_slice %arg9[%dma_wait3A_445, %dma_wait3A_446] : memref<10240x64xf32, #tpu.memory_space<vmem_shared>> -> memref<128x64xf32, #tpu.memory_space<vmem_shared>>
        %dma_wait3A_448 = arith.constant 0 : i32
        %dma_wait3A_449 = arith.constant 0 : i32
        %dma_wait3A_450 = tpu.memref_slice %arg8[%dma_wait3A_440, %dma_wait3A_448, %dma_wait3A_449] : memref<4x128x64xf32, #tpu.memory_space<vmem>> -> memref<1x128x64xf32, #tpu.memory_space<vmem>>
        %dma_wait3A_451 = tpu.memref_squeeze %dma_wait3A_450 : memref<1x128x64xf32, #tpu.memory_space<vmem>> -> memref<128x64xf32, #tpu.memory_space<vmem>>
        %dma_wait3A_452 = arith.constant 0 : i32
        %dma_wait3A_453 = arith.constant 0 : i32
        %dma_wait3A_454 = tpu.memref_slice %arg9[%dma_wait3A_452, %dma_wait3A_453] : memref<10240x64xf32, #tpu.memory_space<vmem_shared>> -> memref<128x64xf32, #tpu.memory_space<vmem_shared>>
        tpu.wait_dma2 semaphore(%arg14 : memref<!tpu.dma_semaphore, #tpu.memory_space<semaphore_mem>>) src(%dma_wait3A_454 : memref<128x64xf32, #tpu.memory_space<vmem_shared>>) dst(%dma_wait3A_451 : memref<128x64xf32, #tpu.memory_space<vmem>>)
        %dma_start3A_455 = arith.constant 3 : i32
        %dma_start3A_456 = arith.constant 0 : i32
        %dma_start3A_457 = arith.constant 0 : i32
        %dma_start3A_458 = arith.constant 0 : i32
        %dma_start3A_459 = tpu.memref_slice %arg8[%dma_start3A_455, %dma_start3A_457, %dma_start3A_458] : memref<4x128x64xf32, #tpu.memory_space<vmem>> -> memref<1x128x64xf32, #tpu.memory_space<vmem>>
        %dma_start3A_460 = tpu.memref_squeeze %dma_start3A_459 : memref<1x128x64xf32, #tpu.memory_space<vmem>> -> memref<128x64xf32, #tpu.memory_space<vmem>>
        %dma_start3A_461 = arith.constant 0 : i32
        %dma_start3A_462 = arith.constant 0 : i32
        %dma_start3A_463 = tpu.memref_slice %arg7[%dma_start3A_456, %dma_start3A_461, %dma_start3A_462] : memref<2x20x128xi32, #tpu.memory_space<vmem>> -> memref<1x20x128xi32, #tpu.memory_space<vmem>>
        %dma_start3A_464 = tpu.memref_squeeze %dma_start3A_463 : memref<1x20x128xi32, #tpu.memory_space<vmem>> -> memref<20x128xi32, #tpu.memory_space<vmem>>
        %dma_start3A_465 = arith.constant 0 : i32
        %dma_start3A_466 = tpu.memref_slice %dma_start3A_464[%add3A_439, %dma_start3A_465] : memref<20x128xi32, #tpu.memory_space<vmem>> -> memref<1x128xi32, #tpu.memory_space<vmem>>
        %dma_start3A_467 = tpu.memref_squeeze %dma_start3A_466 : memref<1x128xi32, #tpu.memory_space<vmem>> -> memref<128xi32, #tpu.memory_space<vmem>>
        %dma_start3A_468 = arith.constant 0 : i32
        %dma_start3A_469 = arith.constant 0 : i32
        %dma_start3A_470 = tpu.memref_slice %arg10[%dma_start3A_468, %dma_start3A_469] : memref<10240x64xf32, #tpu.memory_space<vmem_shared>> -> memref<10240x64xf32, #tpu.memory_space<vmem_shared>>
        tpu.enqueue_indirect_dma source(%dma_start3A_460 : memref<128x64xf32, #tpu.memory_space<vmem>>) target(%dma_start3A_470 : memref<10240x64xf32, #tpu.memory_space<vmem_shared>>) offsets(%dma_start3A_467 : memref<128xi32, #tpu.memory_space<vmem>>) semaphore(%arg18 : memref<!tpu.dma_semaphore, #tpu.memory_space<semaphore_mem>>) {add = true}
        %dma_wait3A_471 = arith.constant 1 : i32
        %dma_wait3A_472 = arith.constant 0 : i32
        %dma_wait3A_473 = arith.constant 0 : i32
        %dma_wait3A_474 = tpu.memref_slice %arg8[%dma_wait3A_471, %dma_wait3A_472, %dma_wait3A_473] : memref<4x128x64xf32, #tpu.memory_space<vmem>> -> memref<1x128x64xf32, #tpu.memory_space<vmem>>
        %dma_wait3A_475 = tpu.memref_squeeze %dma_wait3A_474 : memref<1x128x64xf32, #tpu.memory_space<vmem>> -> memref<128x64xf32, #tpu.memory_space<vmem>>
        %dma_wait3A_476 = arith.constant 0 : i32
        %dma_wait3A_477 = arith.constant 0 : i32
        %dma_wait3A_478 = tpu.memref_slice %arg10[%dma_wait3A_476, %dma_wait3A_477] : memref<10240x64xf32, #tpu.memory_space<vmem_shared>> -> memref<128x64xf32, #tpu.memory_space<vmem_shared>>
        %dma_wait3A_479 = arith.constant 0 : i32
        %dma_wait3A_480 = arith.constant 0 : i32
        %dma_wait3A_481 = tpu.memref_slice %arg10[%dma_wait3A_479, %dma_wait3A_480] : memref<10240x64xf32, #tpu.memory_space<vmem_shared>> -> memref<128x64xf32, #tpu.memory_space<vmem_shared>>
        %dma_wait3A_482 = arith.constant 0 : i32
        %dma_wait3A_483 = arith.constant 0 : i32
        %dma_wait3A_484 = tpu.memref_slice %arg8[%dma_wait3A_471, %dma_wait3A_482, %dma_wait3A_483] : memref<4x128x64xf32, #tpu.memory_space<vmem>> -> memref<1x128x64xf32, #tpu.memory_space<vmem>>
        %dma_wait3A_485 = tpu.memref_squeeze %dma_wait3A_484 : memref<1x128x64xf32, #tpu.memory_space<vmem>> -> memref<128x64xf32, #tpu.memory_space<vmem>>
        tpu.wait_dma2 semaphore(%arg16 : memref<!tpu.dma_semaphore, #tpu.memory_space<semaphore_mem>>) src(%dma_wait3A_485 : memref<128x64xf32, #tpu.memory_space<vmem>>) dst(%dma_wait3A_481 : memref<128x64xf32, #tpu.memory_space<vmem_shared>>)
        %add3A_486 = arith.constant 2 : i32
        %add3A_487 = arith.addi %add3A_439, %add3A_486 : i32
        %lt3A_488 = arith.constant 20 : i32
        %lt3A_489 = arith.cmpi slt, %add3A_487, %lt3A_488 : i32
        %convert_element_type3A_490 = arith.extui %lt3A_489 : i1 to i32
        %cond3A_491 = arith.constant 0 : i32
        %cond3A_492 = arith.cmpi ne, %convert_element_type3A_490, %cond3A_491 : i32
        scf.if %cond3A_492 {
          %add3A_493 = arith.constant 2 : i32
          %add3A_494 = arith.addi %add3A_439, %add3A_493 : i32
          %dma_start3A_495 = arith.constant 0 : i32
          %dma_start3A_496 = arith.constant 1 : i32
          %dma_start3A_497 = arith.constant 0 : i32
          %dma_start3A_498 = arith.constant 0 : i32
          %dma_start3A_499 = tpu.memref_slice %arg8[%dma_start3A_496, %dma_start3A_497, %dma_start3A_498] : memref<4x128x64xf32, #tpu.memory_space<vmem>> -> memref<1x128x64xf32, #tpu.memory_space<vmem>>
          %dma_start3A_500 = tpu.memref_squeeze %dma_start3A_499 : memref<1x128x64xf32, #tpu.memory_space<vmem>> -> memref<128x64xf32, #tpu.memory_space<vmem>>
          %dma_start3A_501 = arith.constant 0 : i32
          %dma_start3A_502 = arith.constant 0 : i32
          %dma_start3A_503 = tpu.memref_slice %arg6[%dma_start3A_495, %dma_start3A_501, %dma_start3A_502] : memref<2x20x128xi32, #tpu.memory_space<vmem>> -> memref<1x20x128xi32, #tpu.memory_space<vmem>>
          %dma_start3A_504 = tpu.memref_squeeze %dma_start3A_503 : memref<1x20x128xi32, #tpu.memory_space<vmem>> -> memref<20x128xi32, #tpu.memory_space<vmem>>
          %dma_start3A_505 = arith.constant 0 : i32
          %dma_start3A_506 = tpu.memref_slice %dma_start3A_504[%add3A_494, %dma_start3A_505] : memref<20x128xi32, #tpu.memory_space<vmem>> -> memref<1x128xi32, #tpu.memory_space<vmem>>
          %dma_start3A_507 = tpu.memref_squeeze %dma_start3A_506 : memref<1x128xi32, #tpu.memory_space<vmem>> -> memref<128xi32, #tpu.memory_space<vmem>>
          %dma_start3A_508 = arith.constant 0 : i32
          %dma_start3A_509 = arith.constant 0 : i32
          %dma_start3A_510 = tpu.memref_slice %arg9[%dma_start3A_508, %dma_start3A_509] : memref<10240x64xf32, #tpu.memory_space<vmem_shared>> -> memref<10240x64xf32, #tpu.memory_space<vmem_shared>>
          tpu.enqueue_indirect_dma source(%dma_start3A_510 : memref<10240x64xf32, #tpu.memory_space<vmem_shared>>) target(%dma_start3A_500 : memref<128x64xf32, #tpu.memory_space<vmem>>) offsets(%dma_start3A_507 : memref<128xi32, #tpu.memory_space<vmem>>) semaphore(%arg12 : memref<!tpu.dma_semaphore, #tpu.memory_space<semaphore_mem>>)
        } else {
        }
      }
      %scan3A_142 = arith.constant 5 : i32
      %dma_wait3A_143 = arith.constant 2 : i32
      %dma_wait3A_144 = arith.constant 0 : i32
      %dma_wait3A_145 = arith.constant 0 : i32
      %dma_wait3A_146 = tpu.memref_slice %arg8[%dma_wait3A_143, %dma_wait3A_144, %dma_wait3A_145] : memref<4x128x64xf32, #tpu.memory_space<vmem>> -> memref<1x128x64xf32, #tpu.memory_space<vmem>>
      %dma_wait3A_147 = tpu.memref_squeeze %dma_wait3A_146 : memref<1x128x64xf32, #tpu.memory_space<vmem>> -> memref<128x64xf32, #tpu.memory_space<vmem>>
      %dma_wait3A_148 = arith.constant 0 : i32
      %dma_wait3A_149 = arith.constant 0 : i32
      %dma_wait3A_150 = tpu.memref_slice %arg10[%dma_wait3A_148, %dma_wait3A_149] : memref<10240x64xf32, #tpu.memory_space<vmem_shared>> -> memref<128x64xf32, #tpu.memory_space<vmem_shared>>
      %dma_wait3A_151 = arith.constant 0 : i32
      %dma_wait3A_152 = arith.constant 0 : i32
      %dma_wait3A_153 = tpu.memref_slice %arg10[%dma_wait3A_151, %dma_wait3A_152] : memref<10240x64xf32, #tpu.memory_space<vmem_shared>> -> memref<128x64xf32, #tpu.memory_space<vmem_shared>>
      %dma_wait3A_154 = arith.constant 0 : i32
      %dma_wait3A_155 = arith.constant 0 : i32
      %dma_wait3A_156 = tpu.memref_slice %arg8[%dma_wait3A_143, %dma_wait3A_154, %dma_wait3A_155] : memref<4x128x64xf32, #tpu.memory_space<vmem>> -> memref<1x128x64xf32, #tpu.memory_space<vmem>>
      %dma_wait3A_157 = tpu.memref_squeeze %dma_wait3A_156 : memref<1x128x64xf32, #tpu.memory_space<vmem>> -> memref<128x64xf32, #tpu.memory_space<vmem>>
      tpu.wait_dma2 semaphore(%arg17 : memref<!tpu.dma_semaphore, #tpu.memory_space<semaphore_mem>>) src(%dma_wait3A_157 : memref<128x64xf32, #tpu.memory_space<vmem>>) dst(%dma_wait3A_153 : memref<128x64xf32, #tpu.memory_space<vmem_shared>>)
      %dma_wait3A_158 = arith.constant 3 : i32
      %dma_wait3A_159 = arith.constant 0 : i32
      %dma_wait3A_160 = arith.constant 0 : i32
      %dma_wait3A_161 = tpu.memref_slice %arg8[%dma_wait3A_158, %dma_wait3A_159, %dma_wait3A_160] : memref<4x128x64xf32, #tpu.memory_space<vmem>> -> memref<1x128x64xf32, #tpu.memory_space<vmem>>
      %dma_wait3A_162 = tpu.memref_squeeze %dma_wait3A_161 : memref<1x128x64xf32, #tpu.memory_space<vmem>> -> memref<128x64xf32, #tpu.memory_space<vmem>>
      %dma_wait3A_163 = arith.constant 0 : i32
      %dma_wait3A_164 = arith.constant 0 : i32
      %dma_wait3A_165 = tpu.memref_slice %arg10[%dma_wait3A_163, %dma_wait3A_164] : memref<10240x64xf32, #tpu.memory_space<vmem_shared>> -> memref<128x64xf32, #tpu.memory_space<vmem_shared>>
      %dma_wait3A_166 = arith.constant 0 : i32
      %dma_wait3A_167 = arith.constant 0 : i32
      %dma_wait3A_168 = tpu.memref_slice %arg10[%dma_wait3A_166, %dma_wait3A_167] : memref<10240x64xf32, #tpu.memory_space<vmem_shared>> -> memref<128x64xf32, #tpu.memory_space<vmem_shared>>
      %dma_wait3A_169 = arith.constant 0 : i32
      %dma_wait3A_170 = arith.constant 0 : i32
      %dma_wait3A_171 = tpu.memref_slice %arg8[%dma_wait3A_158, %dma_wait3A_169, %dma_wait3A_170] : memref<4x128x64xf32, #tpu.memory_space<vmem>> -> memref<1x128x64xf32, #tpu.memory_space<vmem>>
      %dma_wait3A_172 = tpu.memref_squeeze %dma_wait3A_171 : memref<1x128x64xf32, #tpu.memory_space<vmem>> -> memref<128x64xf32, #tpu.memory_space<vmem>>
      tpu.wait_dma2 semaphore(%arg18 : memref<!tpu.dma_semaphore, #tpu.memory_space<semaphore_mem>>) src(%dma_wait3A_172 : memref<128x64xf32, #tpu.memory_space<vmem>>) dst(%dma_wait3A_168 : memref<128x64xf32, #tpu.memory_space<vmem_shared>>)
      %add3A_173 = arith.constant 2 : i32
      %add3A_174 = arith.addi %add3A_74, %add3A_173 : i32
      %lt3A = arith.constant 8 : i32
      %lt3A_175 = arith.cmpi slt, %add3A_174, %lt3A : i32
      %convert_element_type3A = arith.extui %lt3A_175 : i1 to i32
      %cond3A = arith.constant 0 : i32
      %cond3A_176 = arith.cmpi ne, %convert_element_type3A, %cond3A : i32
      scf.if %cond3A_176 {
        %add3A_287 = arith.constant 2 : i32
        %add3A_288 = arith.addi %add3A_74, %add3A_287 : i32
        %mul3A_289 = arith.constant 20 : i32
        %mul3A_290 = arith.muli %add3A_288, %mul3A_289 : i32
        %add3A_291 = arith.addi %mul3A_2, %mul3A_290 : i32
        %dma_start3A_292 = arith.constant 0 : i32
        %dma_start3A_293 = arith.constant 0 : i32
        %dma_start3A_294 = arith.constant 0 : i32
        %dma_start3A_295 = tpu.memref_slice %arg6[%dma_start3A_292, %dma_start3A_293, %dma_start3A_294] : memref<2x20x128xi32, #tpu.memory_space<vmem>> -> memref<1x20x128xi32, #tpu.memory_space<vmem>>
        %dma_start3A_296 = tpu.memref_squeeze %dma_start3A_295 : memref<1x20x128xi32, #tpu.memory_space<vmem>> -> memref<20x128xi32, #tpu.memory_space<vmem>>
        %dma_start3A_297 = arith.constant 0 : i32
        %dma_start3A_298 = tpu.memref_slice %arg3[%add3A_291, %dma_start3A_297] : memref<2560x128xi32, #tpu.memory_space<hbm>> -> memref<20x128xi32, #tpu.memory_space<hbm>>
        %dma_start3A_299 = arith.constant 0 : i32
        %dma_start3A_300 = arith.constant 0 : i32
        %dma_start3A_301 = tpu.memref_slice %arg6[%dma_start3A_292, %dma_start3A_299, %dma_start3A_300] : memref<2x20x128xi32, #tpu.memory_space<vmem>> -> memref<1x20x128xi32, #tpu.memory_space<vmem>>
        %dma_start3A_302 = tpu.memref_squeeze %dma_start3A_301 : memref<1x20x128xi32, #tpu.memory_space<vmem>> -> memref<20x128xi32, #tpu.memory_space<vmem>>
        %dma_start3A_303 = arith.constant 0 : i32
        %dma_start3A_304 = tpu.memref_slice %arg3[%add3A_291, %dma_start3A_303] : memref<2560x128xi32, #tpu.memory_space<hbm>> -> memref<20x128xi32, #tpu.memory_space<hbm>>
        tpu.enqueue_dma source(%dma_start3A_304 : memref<20x128xi32, #tpu.memory_space<hbm>>) target(%dma_start3A_302 : memref<20x128xi32, #tpu.memory_space<vmem>>) target_semaphore(%arg19 : memref<!tpu.dma_semaphore, #tpu.memory_space<semaphore_mem>>)
        %mul3A_305 = arith.constant 20 : i32
        %mul3A_306 = arith.muli %add3A_288, %mul3A_305 : i32
        %add3A_307 = arith.addi %mul3A_2, %mul3A_306 : i32
        %dma_start3A_308 = arith.constant 0 : i32
        %dma_start3A_309 = arith.constant 0 : i32
        %dma_start3A_310 = arith.constant 0 : i32
        %dma_start3A_311 = tpu.memref_slice %arg7[%dma_start3A_308, %dma_start3A_309, %dma_start3A_310] : memref<2x20x128xi32, #tpu.memory_space<vmem>> -> memref<1x20x128xi32, #tpu.memory_space<vmem>>
        %dma_start3A_312 = tpu.memref_squeeze %dma_start3A_311 : memref<1x20x128xi32, #tpu.memory_space<vmem>> -> memref<20x128xi32, #tpu.memory_space<vmem>>
        %dma_start3A_313 = arith.constant 0 : i32
        %dma_start3A_314 = tpu.memref_slice %arg4[%add3A_307, %dma_start3A_313] : memref<2560x128xi32, #tpu.memory_space<hbm>> -> memref<20x128xi32, #tpu.memory_space<hbm>>
        %dma_start3A_315 = arith.constant 0 : i32
        %dma_start3A_316 = arith.constant 0 : i32
        %dma_start3A_317 = tpu.memref_slice %arg7[%dma_start3A_308, %dma_start3A_315, %dma_start3A_316] : memref<2x20x128xi32, #tpu.memory_space<vmem>> -> memref<1x20x128xi32, #tpu.memory_space<vmem>>
        %dma_start3A_318 = tpu.memref_squeeze %dma_start3A_317 : memref<1x20x128xi32, #tpu.memory_space<vmem>> -> memref<20x128xi32, #tpu.memory_space<vmem>>
        %dma_start3A_319 = arith.constant 0 : i32
        %dma_start3A_320 = tpu.memref_slice %arg4[%add3A_307, %dma_start3A_319] : memref<2560x128xi32, #tpu.memory_space<hbm>> -> memref<20x128xi32, #tpu.memory_space<hbm>>
        tpu.enqueue_dma source(%dma_start3A_320 : memref<20x128xi32, #tpu.memory_space<hbm>>) target(%dma_start3A_318 : memref<20x128xi32, #tpu.memory_space<vmem>>) target_semaphore(%arg19 : memref<!tpu.dma_semaphore, #tpu.memory_space<semaphore_mem>>)
      } else {
      }
      %mul3A_177 = arith.constant 2 : i32
      %mul3A_178 = arith.muli %mul3A_177, %add3A_70 : i32
      %add3A_179 = arith.constant 1 : i32
      %add3A_180 = arith.addi %mul3A_178, %add3A_179 : i32
      %dma_wait3A_181 = arith.constant 1 : i32
      %dma_wait3A_182 = arith.constant 0 : i32
      %dma_wait3A_183 = arith.constant 0 : i32
      %dma_wait3A_184 = tpu.memref_slice %arg6[%dma_wait3A_181, %dma_wait3A_182, %dma_wait3A_183] : memref<2x20x128xi32, #tpu.memory_space<vmem>> -> memref<1x20x128xi32, #tpu.memory_space<vmem>>
      %dma_wait3A_185 = tpu.memref_squeeze %dma_wait3A_184 : memref<1x20x128xi32, #tpu.memory_space<vmem>> -> memref<20x128xi32, #tpu.memory_space<vmem>>
      %dma_wait3A_186 = arith.constant 0 : i32
      %dma_wait3A_187 = arith.constant 0 : i32
      %dma_wait3A_188 = tpu.memref_slice %arg3[%dma_wait3A_186, %dma_wait3A_187] : memref<2560x128xi32, #tpu.memory_space<hbm>> -> memref<20x128xi32, #tpu.memory_space<hbm>>
      %dma_wait3A_189 = arith.constant 0 : i32
      %dma_wait3A_190 = arith.constant 0 : i32
      %dma_wait3A_191 = tpu.memref_slice %arg6[%dma_wait3A_181, %dma_wait3A_189, %dma_wait3A_190] : memref<2x20x128xi32, #tpu.memory_space<vmem>> -> memref<1x20x128xi32, #tpu.memory_space<vmem>>
      %dma_wait3A_192 = tpu.memref_squeeze %dma_wait3A_191 : memref<1x20x128xi32, #tpu.memory_space<vmem>> -> memref<20x128xi32, #tpu.memory_space<vmem>>
      %dma_wait3A_193 = arith.constant 0 : i32
      %dma_wait3A_194 = arith.constant 0 : i32
      %dma_wait3A_195 = tpu.memref_slice %arg3[%dma_wait3A_193, %dma_wait3A_194] : memref<2560x128xi32, #tpu.memory_space<hbm>> -> memref<20x128xi32, #tpu.memory_space<hbm>>
      tpu.wait_dma2 semaphore(%arg20 : memref<!tpu.dma_semaphore, #tpu.memory_space<semaphore_mem>>) src(%dma_wait3A_195 : memref<20x128xi32, #tpu.memory_space<hbm>>) dst(%dma_wait3A_192 : memref<20x128xi32, #tpu.memory_space<vmem>>)
      %dma_wait3A_196 = arith.constant 1 : i32
      %dma_wait3A_197 = arith.constant 0 : i32
      %dma_wait3A_198 = arith.constant 0 : i32
      %dma_wait3A_199 = tpu.memref_slice %arg7[%dma_wait3A_196, %dma_wait3A_197, %dma_wait3A_198] : memref<2x20x128xi32, #tpu.memory_space<vmem>> -> memref<1x20x128xi32, #tpu.memory_space<vmem>>
      %dma_wait3A_200 = tpu.memref_squeeze %dma_wait3A_199 : memref<1x20x128xi32, #tpu.memory_space<vmem>> -> memref<20x128xi32, #tpu.memory_space<vmem>>
      %dma_wait3A_201 = arith.constant 0 : i32
      %dma_wait3A_202 = arith.constant 0 : i32
      %dma_wait3A_203 = tpu.memref_slice %arg3[%dma_wait3A_201, %dma_wait3A_202] : memref<2560x128xi32, #tpu.memory_space<hbm>> -> memref<20x128xi32, #tpu.memory_space<hbm>>
      %dma_wait3A_204 = arith.constant 0 : i32
      %dma_wait3A_205 = arith.constant 0 : i32
      %dma_wait3A_206 = tpu.memref_slice %arg7[%dma_wait3A_196, %dma_wait3A_204, %dma_wait3A_205] : memref<2x20x128xi32, #tpu.memory_space<vmem>> -> memref<1x20x128xi32, #tpu.memory_space<vmem>>
      %dma_wait3A_207 = tpu.memref_squeeze %dma_wait3A_206 : memref<1x20x128xi32, #tpu.memory_space<vmem>> -> memref<20x128xi32, #tpu.memory_space<vmem>>
      %dma_wait3A_208 = arith.constant 0 : i32
      %dma_wait3A_209 = arith.constant 0 : i32
      %dma_wait3A_210 = tpu.memref_slice %arg3[%dma_wait3A_208, %dma_wait3A_209] : memref<2560x128xi32, #tpu.memory_space<hbm>> -> memref<20x128xi32, #tpu.memory_space<hbm>>
      tpu.wait_dma2 semaphore(%arg20 : memref<!tpu.dma_semaphore, #tpu.memory_space<semaphore_mem>>) src(%dma_wait3A_210 : memref<20x128xi32, #tpu.memory_space<hbm>>) dst(%dma_wait3A_207 : memref<20x128xi32, #tpu.memory_space<vmem>>)
      %dma_start3A_211 = arith.constant 1 : i32
      %dma_start3A_212 = arith.constant 0 : i32
      %dma_start3A_213 = arith.constant 0 : i32
      %dma_start3A_214 = arith.constant 0 : i32
      %dma_start3A_215 = arith.constant 0 : i32
      %dma_start3A_216 = tpu.memref_slice %arg8[%dma_start3A_213, %dma_start3A_214, %dma_start3A_215] : memref<4x128x64xf32, #tpu.memory_space<vmem>> -> memref<1x128x64xf32, #tpu.memory_space<vmem>>
      %dma_start3A_217 = tpu.memref_squeeze %dma_start3A_216 : memref<1x128x64xf32, #tpu.memory_space<vmem>> -> memref<128x64xf32, #tpu.memory_space<vmem>>
      %dma_start3A_218 = arith.constant 0 : i32
      %dma_start3A_219 = arith.constant 0 : i32
      %dma_start3A_220 = tpu.memref_slice %arg6[%dma_start3A_211, %dma_start3A_218, %dma_start3A_219] : memref<2x20x128xi32, #tpu.memory_space<vmem>> -> memref<1x20x128xi32, #tpu.memory_space<vmem>>
      %dma_start3A_221 = tpu.memref_squeeze %dma_start3A_220 : memref<1x20x128xi32, #tpu.memory_space<vmem>> -> memref<20x128xi32, #tpu.memory_space<vmem>>
      %dma_start3A_222 = arith.constant 0 : i32
      %dma_start3A_223 = tpu.memref_slice %dma_start3A_221[%dma_start3A_212, %dma_start3A_222] : memref<20x128xi32, #tpu.memory_space<vmem>> -> memref<1x128xi32, #tpu.memory_space<vmem>>
      %dma_start3A_224 = tpu.memref_squeeze %dma_start3A_223 : memref<1x128xi32, #tpu.memory_space<vmem>> -> memref<128xi32, #tpu.memory_space<vmem>>
      %dma_start3A_225 = arith.constant 0 : i32
      %dma_start3A_226 = arith.constant 0 : i32
      %dma_start3A_227 = tpu.memref_slice %arg9[%dma_start3A_225, %dma_start3A_226] : memref<10240x64xf32, #tpu.memory_space<vmem_shared>> -> memref<10240x64xf32, #tpu.memory_space<vmem_shared>>
      tpu.enqueue_indirect_dma source(%dma_start3A_227 : memref<10240x64xf32, #tpu.memory_space<vmem_shared>>) target(%dma_start3A_217 : memref<128x64xf32, #tpu.memory_space<vmem>>) offsets(%dma_start3A_224 : memref<128xi32, #tpu.memory_space<vmem>>) semaphore(%arg11 : memref<!tpu.dma_semaphore, #tpu.memory_space<semaphore_mem>>)
      %dma_start3A_228 = arith.constant 1 : i32
      %dma_start3A_229 = arith.constant 1 : i32
      %dma_start3A_230 = arith.constant 1 : i32
      %dma_start3A_231 = arith.constant 0 : i32
      %dma_start3A_232 = arith.constant 0 : i32
      %dma_start3A_233 = tpu.memref_slice %arg8[%dma_start3A_230, %dma_start3A_231, %dma_start3A_232] : memref<4x128x64xf32, #tpu.memory_space<vmem>> -> memref<1x128x64xf32, #tpu.memory_space<vmem>>
      %dma_start3A_234 = tpu.memref_squeeze %dma_start3A_233 : memref<1x128x64xf32, #tpu.memory_space<vmem>> -> memref<128x64xf32, #tpu.memory_space<vmem>>
      %dma_start3A_235 = arith.constant 0 : i32
      %dma_start3A_236 = arith.constant 0 : i32
      %dma_start3A_237 = tpu.memref_slice %arg6[%dma_start3A_228, %dma_start3A_235, %dma_start3A_236] : memref<2x20x128xi32, #tpu.memory_space<vmem>> -> memref<1x20x128xi32, #tpu.memory_space<vmem>>
      %dma_start3A_238 = tpu.memref_squeeze %dma_start3A_237 : memref<1x20x128xi32, #tpu.memory_space<vmem>> -> memref<20x128xi32, #tpu.memory_space<vmem>>
      %dma_start3A_239 = arith.constant 0 : i32
      %dma_start3A_240 = tpu.memref_slice %dma_start3A_238[%dma_start3A_229, %dma_start3A_239] : memref<20x128xi32, #tpu.memory_space<vmem>> -> memref<1x128xi32, #tpu.memory_space<vmem>>
      %dma_start3A_241 = tpu.memref_squeeze %dma_start3A_240 : memref<1x128xi32, #tpu.memory_space<vmem>> -> memref<128xi32, #tpu.memory_space<vmem>>
      %dma_start3A_242 = arith.constant 0 : i32
      %dma_start3A_243 = arith.constant 0 : i32
      %dma_start3A_244 = tpu.memref_slice %arg9[%dma_start3A_242, %dma_start3A_243] : memref<10240x64xf32, #tpu.memory_space<vmem_shared>> -> memref<10240x64xf32, #tpu.memory_space<vmem_shared>>
      tpu.enqueue_indirect_dma source(%dma_start3A_244 : memref<10240x64xf32, #tpu.memory_space<vmem_shared>>) target(%dma_start3A_234 : memref<128x64xf32, #tpu.memory_space<vmem>>) offsets(%dma_start3A_241 : memref<128xi32, #tpu.memory_space<vmem>>) semaphore(%arg12 : memref<!tpu.dma_semaphore, #tpu.memory_space<semaphore_mem>>)
      %scan3A_245 = arith.constant 0 : i32
      %scan3A_246 = arith.constant 5 : i32
      %scan3A_247 = arith.addi %scan3A_245, %scan3A_246 : i32
      %scan3A_248 = arith.constant 1 : i32
      scf.for %scan3A_287 = %scan3A_245 to %scan3A_247 step %scan3A_248  : i32 {
        %mul3A_288 = arith.constant 1 : i32
        %mul3A_289 = arith.muli %scan3A_287, %mul3A_288 : i32
        %add3A_290 = arith.constant 0 : i32
        %add3A_291 = arith.addi %add3A_290, %mul3A_289 : i32
        %mul3A_292 = arith.constant 4 : i32
        %mul3A_293 = arith.muli %add3A_291, %mul3A_292 : i32
        %add3A_294 = arith.constant 0 : i32
        %add3A_295 = arith.addi %mul3A_293, %add3A_294 : i32
        %dma_wait3A_296 = arith.constant 0 : i32
        %dma_wait3A_297 = arith.constant 0 : i32
        %dma_wait3A_298 = arith.constant 0 : i32
        %dma_wait3A_299 = tpu.memref_slice %arg8[%dma_wait3A_296, %dma_wait3A_297, %dma_wait3A_298] : memref<4x128x64xf32, #tpu.memory_space<vmem>> -> memref<1x128x64xf32, #tpu.memory_space<vmem>>
        %dma_wait3A_300 = tpu.memref_squeeze %dma_wait3A_299 : memref<1x128x64xf32, #tpu.memory_space<vmem>> -> memref<128x64xf32, #tpu.memory_space<vmem>>
        %dma_wait3A_301 = arith.constant 0 : i32
        %dma_wait3A_302 = arith.constant 0 : i32
        %dma_wait3A_303 = tpu.memref_slice %arg9[%dma_wait3A_301, %dma_wait3A_302] : memref<10240x64xf32, #tpu.memory_space<vmem_shared>> -> memref<128x64xf32, #tpu.memory_space<vmem_shared>>
        %dma_wait3A_304 = arith.constant 0 : i32
        %dma_wait3A_305 = arith.constant 0 : i32
        %dma_wait3A_306 = tpu.memref_slice %arg8[%dma_wait3A_296, %dma_wait3A_304, %dma_wait3A_305] : memref<4x128x64xf32, #tpu.memory_space<vmem>> -> memref<1x128x64xf32, #tpu.memory_space<vmem>>
        %dma_wait3A_307 = tpu.memref_squeeze %dma_wait3A_306 : memref<1x128x64xf32, #tpu.memory_space<vmem>> -> memref<128x64xf32, #tpu.memory_space<vmem>>
        %dma_wait3A_308 = arith.constant 0 : i32
        %dma_wait3A_309 = arith.constant 0 : i32
        %dma_wait3A_310 = tpu.memref_slice %arg9[%dma_wait3A_308, %dma_wait3A_309] : memref<10240x64xf32, #tpu.memory_space<vmem_shared>> -> memref<128x64xf32, #tpu.memory_space<vmem_shared>>
        tpu.wait_dma2 semaphore(%arg11 : memref<!tpu.dma_semaphore, #tpu.memory_space<semaphore_mem>>) src(%dma_wait3A_310 : memref<128x64xf32, #tpu.memory_space<vmem_shared>>) dst(%dma_wait3A_307 : memref<128x64xf32, #tpu.memory_space<vmem>>)
        %dma_start3A_311 = arith.constant 0 : i32
        %dma_start3A_312 = arith.constant 1 : i32
        %dma_start3A_313 = arith.constant 0 : i32
        %dma_start3A_314 = arith.constant 0 : i32
        %dma_start3A_315 = tpu.memref_slice %arg8[%dma_start3A_311, %dma_start3A_313, %dma_start3A_314] : memref<4x128x64xf32, #tpu.memory_space<vmem>> -> memref<1x128x64xf32, #tpu.memory_space<vmem>>
        %dma_start3A_316 = tpu.memref_squeeze %dma_start3A_315 : memref<1x128x64xf32, #tpu.memory_space<vmem>> -> memref<128x64xf32, #tpu.memory_space<vmem>>
        %dma_start3A_317 = arith.constant 0 : i32
        %dma_start3A_318 = arith.constant 0 : i32
        %dma_start3A_319 = tpu.memref_slice %arg7[%dma_start3A_312, %dma_start3A_317, %dma_start3A_318] : memref<2x20x128xi32, #tpu.memory_space<vmem>> -> memref<1x20x128xi32, #tpu.memory_space<vmem>>
        %dma_start3A_320 = tpu.memref_squeeze %dma_start3A_319 : memref<1x20x128xi32, #tpu.memory_space<vmem>> -> memref<20x128xi32, #tpu.memory_space<vmem>>
        %dma_start3A_321 = arith.constant 0 : i32
        %dma_start3A_322 = tpu.memref_slice %dma_start3A_320[%add3A_295, %dma_start3A_321] : memref<20x128xi32, #tpu.memory_space<vmem>> -> memref<1x128xi32, #tpu.memory_space<vmem>>
        %dma_start3A_323 = tpu.memref_squeeze %dma_start3A_322 : memref<1x128xi32, #tpu.memory_space<vmem>> -> memref<128xi32, #tpu.memory_space<vmem>>
        %dma_start3A_324 = arith.constant 0 : i32
        %dma_start3A_325 = arith.constant 0 : i32
        %dma_start3A_326 = tpu.memref_slice %arg10[%dma_start3A_324, %dma_start3A_325] : memref<10240x64xf32, #tpu.memory_space<vmem_shared>> -> memref<10240x64xf32, #tpu.memory_space<vmem_shared>>
        tpu.enqueue_indirect_dma source(%dma_start3A_316 : memref<128x64xf32, #tpu.memory_space<vmem>>) target(%dma_start3A_326 : memref<10240x64xf32, #tpu.memory_space<vmem_shared>>) offsets(%dma_start3A_323 : memref<128xi32, #tpu.memory_space<vmem>>) semaphore(%arg15 : memref<!tpu.dma_semaphore, #tpu.memory_space<semaphore_mem>>) {add = true}
        %gt3A = arith.constant 0 : i32
        %gt3A_327 = arith.cmpi sgt, %mul3A_293, %gt3A : i32
        %convert_element_type3A_328 = arith.extui %gt3A_327 : i1 to i32
        %cond3A_329 = arith.constant 0 : i32
        %cond3A_330 = arith.cmpi ne, %convert_element_type3A_328, %cond3A_329 : i32
        scf.if %cond3A_330 {
          %dma_wait3A_493 = arith.constant 2 : i32
          %dma_wait3A_494 = arith.constant 0 : i32
          %dma_wait3A_495 = arith.constant 0 : i32
          %dma_wait3A_496 = tpu.memref_slice %arg8[%dma_wait3A_493, %dma_wait3A_494, %dma_wait3A_495] : memref<4x128x64xf32, #tpu.memory_space<vmem>> -> memref<1x128x64xf32, #tpu.memory_space<vmem>>
          %dma_wait3A_497 = tpu.memref_squeeze %dma_wait3A_496 : memref<1x128x64xf32, #tpu.memory_space<vmem>> -> memref<128x64xf32, #tpu.memory_space<vmem>>
          %dma_wait3A_498 = arith.constant 0 : i32
          %dma_wait3A_499 = arith.constant 0 : i32
          %dma_wait3A_500 = tpu.memref_slice %arg10[%dma_wait3A_498, %dma_wait3A_499] : memref<10240x64xf32, #tpu.memory_space<vmem_shared>> -> memref<128x64xf32, #tpu.memory_space<vmem_shared>>
          %dma_wait3A_501 = arith.constant 0 : i32
          %dma_wait3A_502 = arith.constant 0 : i32
          %dma_wait3A_503 = tpu.memref_slice %arg10[%dma_wait3A_501, %dma_wait3A_502] : memref<10240x64xf32, #tpu.memory_space<vmem_shared>> -> memref<128x64xf32, #tpu.memory_space<vmem_shared>>
          %dma_wait3A_504 = arith.constant 0 : i32
          %dma_wait3A_505 = arith.constant 0 : i32
          %dma_wait3A_506 = tpu.memref_slice %arg8[%dma_wait3A_493, %dma_wait3A_504, %dma_wait3A_505] : memref<4x128x64xf32, #tpu.memory_space<vmem>> -> memref<1x128x64xf32, #tpu.memory_space<vmem>>
          %dma_wait3A_507 = tpu.memref_squeeze %dma_wait3A_506 : memref<1x128x64xf32, #tpu.memory_space<vmem>> -> memref<128x64xf32, #tpu.memory_space<vmem>>
          tpu.wait_dma2 semaphore(%arg17 : memref<!tpu.dma_semaphore, #tpu.memory_space<semaphore_mem>>) src(%dma_wait3A_507 : memref<128x64xf32, #tpu.memory_space<vmem>>) dst(%dma_wait3A_503 : memref<128x64xf32, #tpu.memory_space<vmem_shared>>)
        } else {
        }
        %add3A_331 = arith.constant 2 : i32
        %add3A_332 = arith.addi %add3A_295, %add3A_331 : i32
        %lt3A_333 = arith.constant 20 : i32
        %lt3A_334 = arith.cmpi slt, %add3A_332, %lt3A_333 : i32
        %convert_element_type3A_335 = arith.extui %lt3A_334 : i1 to i32
        %cond3A_336 = arith.constant 0 : i32
        %cond3A_337 = arith.cmpi ne, %convert_element_type3A_335, %cond3A_336 : i32
        scf.if %cond3A_337 {
          %add3A_493 = arith.constant 2 : i32
          %add3A_494 = arith.addi %add3A_295, %add3A_493 : i32
          %dma_start3A_495 = arith.constant 1 : i32
          %dma_start3A_496 = arith.constant 2 : i32
          %dma_start3A_497 = arith.constant 0 : i32
          %dma_start3A_498 = arith.constant 0 : i32
          %dma_start3A_499 = tpu.memref_slice %arg8[%dma_start3A_496, %dma_start3A_497, %dma_start3A_498] : memref<4x128x64xf32, #tpu.memory_space<vmem>> -> memref<1x128x64xf32, #tpu.memory_space<vmem>>
          %dma_start3A_500 = tpu.memref_squeeze %dma_start3A_499 : memref<1x128x64xf32, #tpu.memory_space<vmem>> -> memref<128x64xf32, #tpu.memory_space<vmem>>
          %dma_start3A_501 = arith.constant 0 : i32
          %dma_start3A_502 = arith.constant 0 : i32
          %dma_start3A_503 = tpu.memref_slice %arg6[%dma_start3A_495, %dma_start3A_501, %dma_start3A_502] : memref<2x20x128xi32, #tpu.memory_space<vmem>> -> memref<1x20x128xi32, #tpu.memory_space<vmem>>
          %dma_start3A_504 = tpu.memref_squeeze %dma_start3A_503 : memref<1x20x128xi32, #tpu.memory_space<vmem>> -> memref<20x128xi32, #tpu.memory_space<vmem>>
          %dma_start3A_505 = arith.constant 0 : i32
          %dma_start3A_506 = tpu.memref_slice %dma_start3A_504[%add3A_494, %dma_start3A_505] : memref<20x128xi32, #tpu.memory_space<vmem>> -> memref<1x128xi32, #tpu.memory_space<vmem>>
          %dma_start3A_507 = tpu.memref_squeeze %dma_start3A_506 : memref<1x128xi32, #tpu.memory_space<vmem>> -> memref<128xi32, #tpu.memory_space<vmem>>
          %dma_start3A_508 = arith.constant 0 : i32
          %dma_start3A_509 = arith.constant 0 : i32
          %dma_start3A_510 = tpu.memref_slice %arg9[%dma_start3A_508, %dma_start3A_509] : memref<10240x64xf32, #tpu.memory_space<vmem_shared>> -> memref<10240x64xf32, #tpu.memory_space<vmem_shared>>
          tpu.enqueue_indirect_dma source(%dma_start3A_510 : memref<10240x64xf32, #tpu.memory_space<vmem_shared>>) target(%dma_start3A_500 : memref<128x64xf32, #tpu.memory_space<vmem>>) offsets(%dma_start3A_507 : memref<128xi32, #tpu.memory_space<vmem>>) semaphore(%arg13 : memref<!tpu.dma_semaphore, #tpu.memory_space<semaphore_mem>>)
        } else {
        }
        %add3A_338 = arith.constant 1 : i32
        %add3A_339 = arith.addi %mul3A_293, %add3A_338 : i32
        %dma_wait3A_340 = arith.constant 1 : i32
        %dma_wait3A_341 = arith.constant 0 : i32
        %dma_wait3A_342 = arith.constant 0 : i32
        %dma_wait3A_343 = tpu.memref_slice %arg8[%dma_wait3A_340, %dma_wait3A_341, %dma_wait3A_342] : memref<4x128x64xf32, #tpu.memory_space<vmem>> -> memref<1x128x64xf32, #tpu.memory_space<vmem>>
        %dma_wait3A_344 = tpu.memref_squeeze %dma_wait3A_343 : memref<1x128x64xf32, #tpu.memory_space<vmem>> -> memref<128x64xf32, #tpu.memory_space<vmem>>
        %dma_wait3A_345 = arith.constant 0 : i32
        %dma_wait3A_346 = arith.constant 0 : i32
        %dma_wait3A_347 = tpu.memref_slice %arg9[%dma_wait3A_345, %dma_wait3A_346] : memref<10240x64xf32, #tpu.memory_space<vmem_shared>> -> memref<128x64xf32, #tpu.memory_space<vmem_shared>>
        %dma_wait3A_348 = arith.constant 0 : i32
        %dma_wait3A_349 = arith.constant 0 : i32
        %dma_wait3A_350 = tpu.memref_slice %arg8[%dma_wait3A_340, %dma_wait3A_348, %dma_wait3A_349] : memref<4x128x64xf32, #tpu.memory_space<vmem>> -> memref<1x128x64xf32, #tpu.memory_space<vmem>>
        %dma_wait3A_351 = tpu.memref_squeeze %dma_wait3A_350 : memref<1x128x64xf32, #tpu.memory_space<vmem>> -> memref<128x64xf32, #tpu.memory_space<vmem>>
        %dma_wait3A_352 = arith.constant 0 : i32
        %dma_wait3A_353 = arith.constant 0 : i32
        %dma_wait3A_354 = tpu.memref_slice %arg9[%dma_wait3A_352, %dma_wait3A_353] : memref<10240x64xf32, #tpu.memory_space<vmem_shared>> -> memref<128x64xf32, #tpu.memory_space<vmem_shared>>
        tpu.wait_dma2 semaphore(%arg12 : memref<!tpu.dma_semaphore, #tpu.memory_space<semaphore_mem>>) src(%dma_wait3A_354 : memref<128x64xf32, #tpu.memory_space<vmem_shared>>) dst(%dma_wait3A_351 : memref<128x64xf32, #tpu.memory_space<vmem>>)
        %dma_start3A_355 = arith.constant 1 : i32
        %dma_start3A_356 = arith.constant 1 : i32
        %dma_start3A_357 = arith.constant 0 : i32
        %dma_start3A_358 = arith.constant 0 : i32
        %dma_start3A_359 = tpu.memref_slice %arg8[%dma_start3A_355, %dma_start3A_357, %dma_start3A_358] : memref<4x128x64xf32, #tpu.memory_space<vmem>> -> memref<1x128x64xf32, #tpu.memory_space<vmem>>
        %dma_start3A_360 = tpu.memref_squeeze %dma_start3A_359 : memref<1x128x64xf32, #tpu.memory_space<vmem>> -> memref<128x64xf32, #tpu.memory_space<vmem>>
        %dma_start3A_361 = arith.constant 0 : i32
        %dma_start3A_362 = arith.constant 0 : i32
        %dma_start3A_363 = tpu.memref_slice %arg7[%dma_start3A_356, %dma_start3A_361, %dma_start3A_362] : memref<2x20x128xi32, #tpu.memory_space<vmem>> -> memref<1x20x128xi32, #tpu.memory_space<vmem>>
        %dma_start3A_364 = tpu.memref_squeeze %dma_start3A_363 : memref<1x20x128xi32, #tpu.memory_space<vmem>> -> memref<20x128xi32, #tpu.memory_space<vmem>>
        %dma_start3A_365 = arith.constant 0 : i32
        %dma_start3A_366 = tpu.memref_slice %dma_start3A_364[%add3A_339, %dma_start3A_365] : memref<20x128xi32, #tpu.memory_space<vmem>> -> memref<1x128xi32, #tpu.memory_space<vmem>>
        %dma_start3A_367 = tpu.memref_squeeze %dma_start3A_366 : memref<1x128xi32, #tpu.memory_space<vmem>> -> memref<128xi32, #tpu.memory_space<vmem>>
        %dma_start3A_368 = arith.constant 0 : i32
        %dma_start3A_369 = arith.constant 0 : i32
        %dma_start3A_370 = tpu.memref_slice %arg10[%dma_start3A_368, %dma_start3A_369] : memref<10240x64xf32, #tpu.memory_space<vmem_shared>> -> memref<10240x64xf32, #tpu.memory_space<vmem_shared>>
        tpu.enqueue_indirect_dma source(%dma_start3A_360 : memref<128x64xf32, #tpu.memory_space<vmem>>) target(%dma_start3A_370 : memref<10240x64xf32, #tpu.memory_space<vmem_shared>>) offsets(%dma_start3A_367 : memref<128xi32, #tpu.memory_space<vmem>>) semaphore(%arg16 : memref<!tpu.dma_semaphore, #tpu.memory_space<semaphore_mem>>) {add = true}
        %gt3A_371 = arith.constant 0 : i32
        %gt3A_372 = arith.cmpi sgt, %mul3A_293, %gt3A_371 : i32
        %convert_element_type3A_373 = arith.extui %gt3A_372 : i1 to i32
        %cond3A_374 = arith.constant 0 : i32
        %cond3A_375 = arith.cmpi ne, %convert_element_type3A_373, %cond3A_374 : i32
        scf.if %cond3A_375 {
          %dma_wait3A_493 = arith.constant 3 : i32
          %dma_wait3A_494 = arith.constant 0 : i32
          %dma_wait3A_495 = arith.constant 0 : i32
          %dma_wait3A_496 = tpu.memref_slice %arg8[%dma_wait3A_493, %dma_wait3A_494, %dma_wait3A_495] : memref<4x128x64xf32, #tpu.memory_space<vmem>> -> memref<1x128x64xf32, #tpu.memory_space<vmem>>
          %dma_wait3A_497 = tpu.memref_squeeze %dma_wait3A_496 : memref<1x128x64xf32, #tpu.memory_space<vmem>> -> memref<128x64xf32, #tpu.memory_space<vmem>>
          %dma_wait3A_498 = arith.constant 0 : i32
          %dma_wait3A_499 = arith.constant 0 : i32
          %dma_wait3A_500 = tpu.memref_slice %arg10[%dma_wait3A_498, %dma_wait3A_499] : memref<10240x64xf32, #tpu.memory_space<vmem_shared>> -> memref<128x64xf32, #tpu.memory_space<vmem_shared>>
          %dma_wait3A_501 = arith.constant 0 : i32
          %dma_wait3A_502 = arith.constant 0 : i32
          %dma_wait3A_503 = tpu.memref_slice %arg10[%dma_wait3A_501, %dma_wait3A_502] : memref<10240x64xf32, #tpu.memory_space<vmem_shared>> -> memref<128x64xf32, #tpu.memory_space<vmem_shared>>
          %dma_wait3A_504 = arith.constant 0 : i32
          %dma_wait3A_505 = arith.constant 0 : i32
          %dma_wait3A_506 = tpu.memref_slice %arg8[%dma_wait3A_493, %dma_wait3A_504, %dma_wait3A_505] : memref<4x128x64xf32, #tpu.memory_space<vmem>> -> memref<1x128x64xf32, #tpu.memory_space<vmem>>
          %dma_wait3A_507 = tpu.memref_squeeze %dma_wait3A_506 : memref<1x128x64xf32, #tpu.memory_space<vmem>> -> memref<128x64xf32, #tpu.memory_space<vmem>>
          tpu.wait_dma2 semaphore(%arg18 : memref<!tpu.dma_semaphore, #tpu.memory_space<semaphore_mem>>) src(%dma_wait3A_507 : memref<128x64xf32, #tpu.memory_space<vmem>>) dst(%dma_wait3A_503 : memref<128x64xf32, #tpu.memory_space<vmem_shared>>)
        } else {
        }
        %add3A_376 = arith.constant 2 : i32
        %add3A_377 = arith.addi %add3A_339, %add3A_376 : i32
        %lt3A_378 = arith.constant 20 : i32
        %lt3A_379 = arith.cmpi slt, %add3A_377, %lt3A_378 : i32
        %convert_element_type3A_380 = arith.extui %lt3A_379 : i1 to i32
        %cond3A_381 = arith.constant 0 : i32
        %cond3A_382 = arith.cmpi ne, %convert_element_type3A_380, %cond3A_381 : i32
        scf.if %cond3A_382 {
          %add3A_493 = arith.constant 2 : i32
          %add3A_494 = arith.addi %add3A_339, %add3A_493 : i32
          %dma_start3A_495 = arith.constant 1 : i32
          %dma_start3A_496 = arith.constant 3 : i32
          %dma_start3A_497 = arith.constant 0 : i32
          %dma_start3A_498 = arith.constant 0 : i32
          %dma_start3A_499 = tpu.memref_slice %arg8[%dma_start3A_496, %dma_start3A_497, %dma_start3A_498] : memref<4x128x64xf32, #tpu.memory_space<vmem>> -> memref<1x128x64xf32, #tpu.memory_space<vmem>>
          %dma_start3A_500 = tpu.memref_squeeze %dma_start3A_499 : memref<1x128x64xf32, #tpu.memory_space<vmem>> -> memref<128x64xf32, #tpu.memory_space<vmem>>
          %dma_start3A_501 = arith.constant 0 : i32
          %dma_start3A_502 = arith.constant 0 : i32
          %dma_start3A_503 = tpu.memref_slice %arg6[%dma_start3A_495, %dma_start3A_501, %dma_start3A_502] : memref<2x20x128xi32, #tpu.memory_space<vmem>> -> memref<1x20x128xi32, #tpu.memory_space<vmem>>
          %dma_start3A_504 = tpu.memref_squeeze %dma_start3A_503 : memref<1x20x128xi32, #tpu.memory_space<vmem>> -> memref<20x128xi32, #tpu.memory_space<vmem>>
          %dma_start3A_505 = arith.constant 0 : i32
          %dma_start3A_506 = tpu.memref_slice %dma_start3A_504[%add3A_494, %dma_start3A_505] : memref<20x128xi32, #tpu.memory_space<vmem>> -> memref<1x128xi32, #tpu.memory_space<vmem>>
          %dma_start3A_507 = tpu.memref_squeeze %dma_start3A_506 : memref<1x128xi32, #tpu.memory_space<vmem>> -> memref<128xi32, #tpu.memory_space<vmem>>
          %dma_start3A_508 = arith.constant 0 : i32
          %dma_start3A_509 = arith.constant 0 : i32
          %dma_start3A_510 = tpu.memref_slice %arg9[%dma_start3A_508, %dma_start3A_509] : memref<10240x64xf32, #tpu.memory_space<vmem_shared>> -> memref<10240x64xf32, #tpu.memory_space<vmem_shared>>
          tpu.enqueue_indirect_dma source(%dma_start3A_510 : memref<10240x64xf32, #tpu.memory_space<vmem_shared>>) target(%dma_start3A_500 : memref<128x64xf32, #tpu.memory_space<vmem>>) offsets(%dma_start3A_507 : memref<128xi32, #tpu.memory_space<vmem>>) semaphore(%arg14 : memref<!tpu.dma_semaphore, #tpu.memory_space<semaphore_mem>>)
        } else {
        }
        %add3A_383 = arith.constant 2 : i32
        %add3A_384 = arith.addi %mul3A_293, %add3A_383 : i32
        %dma_wait3A_385 = arith.constant 2 : i32
        %dma_wait3A_386 = arith.constant 0 : i32
        %dma_wait3A_387 = arith.constant 0 : i32
        %dma_wait3A_388 = tpu.memref_slice %arg8[%dma_wait3A_385, %dma_wait3A_386, %dma_wait3A_387] : memref<4x128x64xf32, #tpu.memory_space<vmem>> -> memref<1x128x64xf32, #tpu.memory_space<vmem>>
        %dma_wait3A_389 = tpu.memref_squeeze %dma_wait3A_388 : memref<1x128x64xf32, #tpu.memory_space<vmem>> -> memref<128x64xf32, #tpu.memory_space<vmem>>
        %dma_wait3A_390 = arith.constant 0 : i32
        %dma_wait3A_391 = arith.constant 0 : i32
        %dma_wait3A_392 = tpu.memref_slice %arg9[%dma_wait3A_390, %dma_wait3A_391] : memref<10240x64xf32, #tpu.memory_space<vmem_shared>> -> memref<128x64xf32, #tpu.memory_space<vmem_shared>>
        %dma_wait3A_393 = arith.constant 0 : i32
        %dma_wait3A_394 = arith.constant 0 : i32
        %dma_wait3A_395 = tpu.memref_slice %arg8[%dma_wait3A_385, %dma_wait3A_393, %dma_wait3A_394] : memref<4x128x64xf32, #tpu.memory_space<vmem>> -> memref<1x128x64xf32, #tpu.memory_space<vmem>>
        %dma_wait3A_396 = tpu.memref_squeeze %dma_wait3A_395 : memref<1x128x64xf32, #tpu.memory_space<vmem>> -> memref<128x64xf32, #tpu.memory_space<vmem>>
        %dma_wait3A_397 = arith.constant 0 : i32
        %dma_wait3A_398 = arith.constant 0 : i32
        %dma_wait3A_399 = tpu.memref_slice %arg9[%dma_wait3A_397, %dma_wait3A_398] : memref<10240x64xf32, #tpu.memory_space<vmem_shared>> -> memref<128x64xf32, #tpu.memory_space<vmem_shared>>
        tpu.wait_dma2 semaphore(%arg13 : memref<!tpu.dma_semaphore, #tpu.memory_space<semaphore_mem>>) src(%dma_wait3A_399 : memref<128x64xf32, #tpu.memory_space<vmem_shared>>) dst(%dma_wait3A_396 : memref<128x64xf32, #tpu.memory_space<vmem>>)
        %dma_start3A_400 = arith.constant 2 : i32
        %dma_start3A_401 = arith.constant 1 : i32
        %dma_start3A_402 = arith.constant 0 : i32
        %dma_start3A_403 = arith.constant 0 : i32
        %dma_start3A_404 = tpu.memref_slice %arg8[%dma_start3A_400, %dma_start3A_402, %dma_start3A_403] : memref<4x128x64xf32, #tpu.memory_space<vmem>> -> memref<1x128x64xf32, #tpu.memory_space<vmem>>
        %dma_start3A_405 = tpu.memref_squeeze %dma_start3A_404 : memref<1x128x64xf32, #tpu.memory_space<vmem>> -> memref<128x64xf32, #tpu.memory_space<vmem>>
        %dma_start3A_406 = arith.constant 0 : i32
        %dma_start3A_407 = arith.constant 0 : i32
        %dma_start3A_408 = tpu.memref_slice %arg7[%dma_start3A_401, %dma_start3A_406, %dma_start3A_407] : memref<2x20x128xi32, #tpu.memory_space<vmem>> -> memref<1x20x128xi32, #tpu.memory_space<vmem>>
        %dma_start3A_409 = tpu.memref_squeeze %dma_start3A_408 : memref<1x20x128xi32, #tpu.memory_space<vmem>> -> memref<20x128xi32, #tpu.memory_space<vmem>>
        %dma_start3A_410 = arith.constant 0 : i32
        %dma_start3A_411 = tpu.memref_slice %dma_start3A_409[%add3A_384, %dma_start3A_410] : memref<20x128xi32, #tpu.memory_space<vmem>> -> memref<1x128xi32, #tpu.memory_space<vmem>>
        %dma_start3A_412 = tpu.memref_squeeze %dma_start3A_411 : memref<1x128xi32, #tpu.memory_space<vmem>> -> memref<128xi32, #tpu.memory_space<vmem>>
        %dma_start3A_413 = arith.constant 0 : i32
        %dma_start3A_414 = arith.constant 0 : i32
        %dma_start3A_415 = tpu.memref_slice %arg10[%dma_start3A_413, %dma_start3A_414] : memref<10240x64xf32, #tpu.memory_space<vmem_shared>> -> memref<10240x64xf32, #tpu.memory_space<vmem_shared>>
        tpu.enqueue_indirect_dma source(%dma_start3A_405 : memref<128x64xf32, #tpu.memory_space<vmem>>) target(%dma_start3A_415 : memref<10240x64xf32, #tpu.memory_space<vmem_shared>>) offsets(%dma_start3A_412 : memref<128xi32, #tpu.memory_space<vmem>>) semaphore(%arg17 : memref<!tpu.dma_semaphore, #tpu.memory_space<semaphore_mem>>) {add = true}
        %dma_wait3A_416 = arith.constant 0 : i32
        %dma_wait3A_417 = arith.constant 0 : i32
        %dma_wait3A_418 = arith.constant 0 : i32
        %dma_wait3A_419 = tpu.memref_slice %arg8[%dma_wait3A_416, %dma_wait3A_417, %dma_wait3A_418] : memref<4x128x64xf32, #tpu.memory_space<vmem>> -> memref<1x128x64xf32, #tpu.memory_space<vmem>>
        %dma_wait3A_420 = tpu.memref_squeeze %dma_wait3A_419 : memref<1x128x64xf32, #tpu.memory_space<vmem>> -> memref<128x64xf32, #tpu.memory_space<vmem>>
        %dma_wait3A_421 = arith.constant 0 : i32
        %dma_wait3A_422 = arith.constant 0 : i32
        %dma_wait3A_423 = tpu.memref_slice %arg10[%dma_wait3A_421, %dma_wait3A_422] : memref<10240x64xf32, #tpu.memory_space<vmem_shared>> -> memref<128x64xf32, #tpu.memory_space<vmem_shared>>
        %dma_wait3A_424 = arith.constant 0 : i32
        %dma_wait3A_425 = arith.constant 0 : i32
        %dma_wait3A_426 = tpu.memref_slice %arg10[%dma_wait3A_424, %dma_wait3A_425] : memref<10240x64xf32, #tpu.memory_space<vmem_shared>> -> memref<128x64xf32, #tpu.memory_space<vmem_shared>>
        %dma_wait3A_427 = arith.constant 0 : i32
        %dma_wait3A_428 = arith.constant 0 : i32
        %dma_wait3A_429 = tpu.memref_slice %arg8[%dma_wait3A_416, %dma_wait3A_427, %dma_wait3A_428] : memref<4x128x64xf32, #tpu.memory_space<vmem>> -> memref<1x128x64xf32, #tpu.memory_space<vmem>>
        %dma_wait3A_430 = tpu.memref_squeeze %dma_wait3A_429 : memref<1x128x64xf32, #tpu.memory_space<vmem>> -> memref<128x64xf32, #tpu.memory_space<vmem>>
        tpu.wait_dma2 semaphore(%arg15 : memref<!tpu.dma_semaphore, #tpu.memory_space<semaphore_mem>>) src(%dma_wait3A_430 : memref<128x64xf32, #tpu.memory_space<vmem>>) dst(%dma_wait3A_426 : memref<128x64xf32, #tpu.memory_space<vmem_shared>>)
        %add3A_431 = arith.constant 2 : i32
        %add3A_432 = arith.addi %add3A_384, %add3A_431 : i32
        %lt3A_433 = arith.constant 20 : i32
        %lt3A_434 = arith.cmpi slt, %add3A_432, %lt3A_433 : i32
        %convert_element_type3A_435 = arith.extui %lt3A_434 : i1 to i32
        %cond3A_436 = arith.constant 0 : i32
        %cond3A_437 = arith.cmpi ne, %convert_element_type3A_435, %cond3A_436 : i32
        scf.if %cond3A_437 {
          %add3A_493 = arith.constant 2 : i32
          %add3A_494 = arith.addi %add3A_384, %add3A_493 : i32
          %dma_start3A_495 = arith.constant 1 : i32
          %dma_start3A_496 = arith.constant 0 : i32
          %dma_start3A_497 = arith.constant 0 : i32
          %dma_start3A_498 = arith.constant 0 : i32
          %dma_start3A_499 = tpu.memref_slice %arg8[%dma_start3A_496, %dma_start3A_497, %dma_start3A_498] : memref<4x128x64xf32, #tpu.memory_space<vmem>> -> memref<1x128x64xf32, #tpu.memory_space<vmem>>
          %dma_start3A_500 = tpu.memref_squeeze %dma_start3A_499 : memref<1x128x64xf32, #tpu.memory_space<vmem>> -> memref<128x64xf32, #tpu.memory_space<vmem>>
          %dma_start3A_501 = arith.constant 0 : i32
          %dma_start3A_502 = arith.constant 0 : i32
          %dma_start3A_503 = tpu.memref_slice %arg6[%dma_start3A_495, %dma_start3A_501, %dma_start3A_502] : memref<2x20x128xi32, #tpu.memory_space<vmem>> -> memref<1x20x128xi32, #tpu.memory_space<vmem>>
          %dma_start3A_504 = tpu.memref_squeeze %dma_start3A_503 : memref<1x20x128xi32, #tpu.memory_space<vmem>> -> memref<20x128xi32, #tpu.memory_space<vmem>>
          %dma_start3A_505 = arith.constant 0 : i32
          %dma_start3A_506 = tpu.memref_slice %dma_start3A_504[%add3A_494, %dma_start3A_505] : memref<20x128xi32, #tpu.memory_space<vmem>> -> memref<1x128xi32, #tpu.memory_space<vmem>>
          %dma_start3A_507 = tpu.memref_squeeze %dma_start3A_506 : memref<1x128xi32, #tpu.memory_space<vmem>> -> memref<128xi32, #tpu.memory_space<vmem>>
          %dma_start3A_508 = arith.constant 0 : i32
          %dma_start3A_509 = arith.constant 0 : i32
          %dma_start3A_510 = tpu.memref_slice %arg9[%dma_start3A_508, %dma_start3A_509] : memref<10240x64xf32, #tpu.memory_space<vmem_shared>> -> memref<10240x64xf32, #tpu.memory_space<vmem_shared>>
          tpu.enqueue_indirect_dma source(%dma_start3A_510 : memref<10240x64xf32, #tpu.memory_space<vmem_shared>>) target(%dma_start3A_500 : memref<128x64xf32, #tpu.memory_space<vmem>>) offsets(%dma_start3A_507 : memref<128xi32, #tpu.memory_space<vmem>>) semaphore(%arg11 : memref<!tpu.dma_semaphore, #tpu.memory_space<semaphore_mem>>)
        } else {
        }
        %add3A_438 = arith.constant 3 : i32
        %add3A_439 = arith.addi %mul3A_293, %add3A_438 : i32
        %dma_wait3A_440 = arith.constant 3 : i32
        %dma_wait3A_441 = arith.constant 0 : i32
        %dma_wait3A_442 = arith.constant 0 : i32
        %dma_wait3A_443 = tpu.memref_slice %arg8[%dma_wait3A_440, %dma_wait3A_441, %dma_wait3A_442] : memref<4x128x64xf32, #tpu.memory_space<vmem>> -> memref<1x128x64xf32, #tpu.memory_space<vmem>>
        %dma_wait3A_444 = tpu.memref_squeeze %dma_wait3A_443 : memref<1x128x64xf32, #tpu.memory_space<vmem>> -> memref<128x64xf32, #tpu.memory_space<vmem>>
        %dma_wait3A_445 = arith.constant 0 : i32
        %dma_wait3A_446 = arith.constant 0 : i32
        %dma_wait3A_447 = tpu.memref_slice %arg9[%dma_wait3A_445, %dma_wait3A_446] : memref<10240x64xf32, #tpu.memory_space<vmem_shared>> -> memref<128x64xf32, #tpu.memory_space<vmem_shared>>
        %dma_wait3A_448 = arith.constant 0 : i32
        %dma_wait3A_449 = arith.constant 0 : i32
        %dma_wait3A_450 = tpu.memref_slice %arg8[%dma_wait3A_440, %dma_wait3A_448, %dma_wait3A_449] : memref<4x128x64xf32, #tpu.memory_space<vmem>> -> memref<1x128x64xf32, #tpu.memory_space<vmem>>
        %dma_wait3A_451 = tpu.memref_squeeze %dma_wait3A_450 : memref<1x128x64xf32, #tpu.memory_space<vmem>> -> memref<128x64xf32, #tpu.memory_space<vmem>>
        %dma_wait3A_452 = arith.constant 0 : i32
        %dma_wait3A_453 = arith.constant 0 : i32
        %dma_wait3A_454 = tpu.memref_slice %arg9[%dma_wait3A_452, %dma_wait3A_453] : memref<10240x64xf32, #tpu.memory_space<vmem_shared>> -> memref<128x64xf32, #tpu.memory_space<vmem_shared>>
        tpu.wait_dma2 semaphore(%arg14 : memref<!tpu.dma_semaphore, #tpu.memory_space<semaphore_mem>>) src(%dma_wait3A_454 : memref<128x64xf32, #tpu.memory_space<vmem_shared>>) dst(%dma_wait3A_451 : memref<128x64xf32, #tpu.memory_space<vmem>>)
        %dma_start3A_455 = arith.constant 3 : i32
        %dma_start3A_456 = arith.constant 1 : i32
        %dma_start3A_457 = arith.constant 0 : i32
        %dma_start3A_458 = arith.constant 0 : i32
        %dma_start3A_459 = tpu.memref_slice %arg8[%dma_start3A_455, %dma_start3A_457, %dma_start3A_458] : memref<4x128x64xf32, #tpu.memory_space<vmem>> -> memref<1x128x64xf32, #tpu.memory_space<vmem>>
        %dma_start3A_460 = tpu.memref_squeeze %dma_start3A_459 : memref<1x128x64xf32, #tpu.memory_space<vmem>> -> memref<128x64xf32, #tpu.memory_space<vmem>>
        %dma_start3A_461 = arith.constant 0 : i32
        %dma_start3A_462 = arith.constant 0 : i32
        %dma_start3A_463 = tpu.memref_slice %arg7[%dma_start3A_456, %dma_start3A_461, %dma_start3A_462] : memref<2x20x128xi32, #tpu.memory_space<vmem>> -> memref<1x20x128xi32, #tpu.memory_space<vmem>>
        %dma_start3A_464 = tpu.memref_squeeze %dma_start3A_463 : memref<1x20x128xi32, #tpu.memory_space<vmem>> -> memref<20x128xi32, #tpu.memory_space<vmem>>
        %dma_start3A_465 = arith.constant 0 : i32
        %dma_start3A_466 = tpu.memref_slice %dma_start3A_464[%add3A_439, %dma_start3A_465] : memref<20x128xi32, #tpu.memory_space<vmem>> -> memref<1x128xi32, #tpu.memory_space<vmem>>
        %dma_start3A_467 = tpu.memref_squeeze %dma_start3A_466 : memref<1x128xi32, #tpu.memory_space<vmem>> -> memref<128xi32, #tpu.memory_space<vmem>>
        %dma_start3A_468 = arith.constant 0 : i32
        %dma_start3A_469 = arith.constant 0 : i32
        %dma_start3A_470 = tpu.memref_slice %arg10[%dma_start3A_468, %dma_start3A_469] : memref<10240x64xf32, #tpu.memory_space<vmem_shared>> -> memref<10240x64xf32, #tpu.memory_space<vmem_shared>>
        tpu.enqueue_indirect_dma source(%dma_start3A_460 : memref<128x64xf32, #tpu.memory_space<vmem>>) target(%dma_start3A_470 : memref<10240x64xf32, #tpu.memory_space<vmem_shared>>) offsets(%dma_start3A_467 : memref<128xi32, #tpu.memory_space<vmem>>) semaphore(%arg18 : memref<!tpu.dma_semaphore, #tpu.memory_space<semaphore_mem>>) {add = true}
        %dma_wait3A_471 = arith.constant 1 : i32
        %dma_wait3A_472 = arith.constant 0 : i32
        %dma_wait3A_473 = arith.constant 0 : i32
        %dma_wait3A_474 = tpu.memref_slice %arg8[%dma_wait3A_471, %dma_wait3A_472, %dma_wait3A_473] : memref<4x128x64xf32, #tpu.memory_space<vmem>> -> memref<1x128x64xf32, #tpu.memory_space<vmem>>
        %dma_wait3A_475 = tpu.memref_squeeze %dma_wait3A_474 : memref<1x128x64xf32, #tpu.memory_space<vmem>> -> memref<128x64xf32, #tpu.memory_space<vmem>>
        %dma_wait3A_476 = arith.constant 0 : i32
        %dma_wait3A_477 = arith.constant 0 : i32
        %dma_wait3A_478 = tpu.memref_slice %arg10[%dma_wait3A_476, %dma_wait3A_477] : memref<10240x64xf32, #tpu.memory_space<vmem_shared>> -> memref<128x64xf32, #tpu.memory_space<vmem_shared>>
        %dma_wait3A_479 = arith.constant 0 : i32
        %dma_wait3A_480 = arith.constant 0 : i32
        %dma_wait3A_481 = tpu.memref_slice %arg10[%dma_wait3A_479, %dma_wait3A_480] : memref<10240x64xf32, #tpu.memory_space<vmem_shared>> -> memref<128x64xf32, #tpu.memory_space<vmem_shared>>
        %dma_wait3A_482 = arith.constant 0 : i32
        %dma_wait3A_483 = arith.constant 0 : i32
        %dma_wait3A_484 = tpu.memref_slice %arg8[%dma_wait3A_471, %dma_wait3A_482, %dma_wait3A_483] : memref<4x128x64xf32, #tpu.memory_space<vmem>> -> memref<1x128x64xf32, #tpu.memory_space<vmem>>
        %dma_wait3A_485 = tpu.memref_squeeze %dma_wait3A_484 : memref<1x128x64xf32, #tpu.memory_space<vmem>> -> memref<128x64xf32, #tpu.memory_space<vmem>>
        tpu.wait_dma2 semaphore(%arg16 : memref<!tpu.dma_semaphore, #tpu.memory_space<semaphore_mem>>) src(%dma_wait3A_485 : memref<128x64xf32, #tpu.memory_space<vmem>>) dst(%dma_wait3A_481 : memref<128x64xf32, #tpu.memory_space<vmem_shared>>)
        %add3A_486 = arith.constant 2 : i32
        %add3A_487 = arith.addi %add3A_439, %add3A_486 : i32
        %lt3A_488 = arith.constant 20 : i32
        %lt3A_489 = arith.cmpi slt, %add3A_487, %lt3A_488 : i32
        %convert_element_type3A_490 = arith.extui %lt3A_489 : i1 to i32
        %cond3A_491 = arith.constant 0 : i32
        %cond3A_492 = arith.cmpi ne, %convert_element_type3A_490, %cond3A_491 : i32
        scf.if %cond3A_492 {
          %add3A_493 = arith.constant 2 : i32
          %add3A_494 = arith.addi %add3A_439, %add3A_493 : i32
          %dma_start3A_495 = arith.constant 1 : i32
          %dma_start3A_496 = arith.constant 1 : i32
          %dma_start3A_497 = arith.constant 0 : i32
          %dma_start3A_498 = arith.constant 0 : i32
          %dma_start3A_499 = tpu.memref_slice %arg8[%dma_start3A_496, %dma_start3A_497, %dma_start3A_498] : memref<4x128x64xf32, #tpu.memory_space<vmem>> -> memref<1x128x64xf32, #tpu.memory_space<vmem>>
          %dma_start3A_500 = tpu.memref_squeeze %dma_start3A_499 : memref<1x128x64xf32, #tpu.memory_space<vmem>> -> memref<128x64xf32, #tpu.memory_space<vmem>>
          %dma_start3A_501 = arith.constant 0 : i32
          %dma_start3A_502 = arith.constant 0 : i32
          %dma_start3A_503 = tpu.memref_slice %arg6[%dma_start3A_495, %dma_start3A_501, %dma_start3A_502] : memref<2x20x128xi32, #tpu.memory_space<vmem>> -> memref<1x20x128xi32, #tpu.memory_space<vmem>>
          %dma_start3A_504 = tpu.memref_squeeze %dma_start3A_503 : memref<1x20x128xi32, #tpu.memory_space<vmem>> -> memref<20x128xi32, #tpu.memory_space<vmem>>
          %dma_start3A_505 = arith.constant 0 : i32
          %dma_start3A_506 = tpu.memref_slice %dma_start3A_504[%add3A_494, %dma_start3A_505] : memref<20x128xi32, #tpu.memory_space<vmem>> -> memref<1x128xi32, #tpu.memory_space<vmem>>
          %dma_start3A_507 = tpu.memref_squeeze %dma_start3A_506 : memref<1x128xi32, #tpu.memory_space<vmem>> -> memref<128xi32, #tpu.memory_space<vmem>>
          %dma_start3A_508 = arith.constant 0 : i32
          %dma_start3A_509 = arith.constant 0 : i32
          %dma_start3A_510 = tpu.memref_slice %arg9[%dma_start3A_508, %dma_start3A_509] : memref<10240x64xf32, #tpu.memory_space<vmem_shared>> -> memref<10240x64xf32, #tpu.memory_space<vmem_shared>>
          tpu.enqueue_indirect_dma source(%dma_start3A_510 : memref<10240x64xf32, #tpu.memory_space<vmem_shared>>) target(%dma_start3A_500 : memref<128x64xf32, #tpu.memory_space<vmem>>) offsets(%dma_start3A_507 : memref<128xi32, #tpu.memory_space<vmem>>) semaphore(%arg12 : memref<!tpu.dma_semaphore, #tpu.memory_space<semaphore_mem>>)
        } else {
        }
      }
      %scan3A_249 = arith.constant 5 : i32
      %dma_wait3A_250 = arith.constant 2 : i32
      %dma_wait3A_251 = arith.constant 0 : i32
      %dma_wait3A_252 = arith.constant 0 : i32
      %dma_wait3A_253 = tpu.memref_slice %arg8[%dma_wait3A_250, %dma_wait3A_251, %dma_wait3A_252] : memref<4x128x64xf32, #tpu.memory_space<vmem>> -> memref<1x128x64xf32, #tpu.memory_space<vmem>>
      %dma_wait3A_254 = tpu.memref_squeeze %dma_wait3A_253 : memref<1x128x64xf32, #tpu.memory_space<vmem>> -> memref<128x64xf32, #tpu.memory_space<vmem>>
      %dma_wait3A_255 = arith.constant 0 : i32
      %dma_wait3A_256 = arith.constant 0 : i32
      %dma_wait3A_257 = tpu.memref_slice %arg10[%dma_wait3A_255, %dma_wait3A_256] : memref<10240x64xf32, #tpu.memory_space<vmem_shared>> -> memref<128x64xf32, #tpu.memory_space<vmem_shared>>
      %dma_wait3A_258 = arith.constant 0 : i32
      %dma_wait3A_259 = arith.constant 0 : i32
      %dma_wait3A_260 = tpu.memref_slice %arg10[%dma_wait3A_258, %dma_wait3A_259] : memref<10240x64xf32, #tpu.memory_space<vmem_shared>> -> memref<128x64xf32, #tpu.memory_space<vmem_shared>>
      %dma_wait3A_261 = arith.constant 0 : i32
      %dma_wait3A_262 = arith.constant 0 : i32
      %dma_wait3A_263 = tpu.memref_slice %arg8[%dma_wait3A_250, %dma_wait3A_261, %dma_wait3A_262] : memref<4x128x64xf32, #tpu.memory_space<vmem>> -> memref<1x128x64xf32, #tpu.memory_space<vmem>>
      %dma_wait3A_264 = tpu.memref_squeeze %dma_wait3A_263 : memref<1x128x64xf32, #tpu.memory_space<vmem>> -> memref<128x64xf32, #tpu.memory_space<vmem>>
      tpu.wait_dma2 semaphore(%arg17 : memref<!tpu.dma_semaphore, #tpu.memory_space<semaphore_mem>>) src(%dma_wait3A_264 : memref<128x64xf32, #tpu.memory_space<vmem>>) dst(%dma_wait3A_260 : memref<128x64xf32, #tpu.memory_space<vmem_shared>>)
      %dma_wait3A_265 = arith.constant 3 : i32
      %dma_wait3A_266 = arith.constant 0 : i32
      %dma_wait3A_267 = arith.constant 0 : i32
      %dma_wait3A_268 = tpu.memref_slice %arg8[%dma_wait3A_265, %dma_wait3A_266, %dma_wait3A_267] : memref<4x128x64xf32, #tpu.memory_space<vmem>> -> memref<1x128x64xf32, #tpu.memory_space<vmem>>
      %dma_wait3A_269 = tpu.memref_squeeze %dma_wait3A_268 : memref<1x128x64xf32, #tpu.memory_space<vmem>> -> memref<128x64xf32, #tpu.memory_space<vmem>>
      %dma_wait3A_270 = arith.constant 0 : i32
      %dma_wait3A_271 = arith.constant 0 : i32
      %dma_wait3A_272 = tpu.memref_slice %arg10[%dma_wait3A_270, %dma_wait3A_271] : memref<10240x64xf32, #tpu.memory_space<vmem_shared>> -> memref<128x64xf32, #tpu.memory_space<vmem_shared>>
      %dma_wait3A_273 = arith.constant 0 : i32
      %dma_wait3A_274 = arith.constant 0 : i32
      %dma_wait3A_275 = tpu.memref_slice %arg10[%dma_wait3A_273, %dma_wait3A_274] : memref<10240x64xf32, #tpu.memory_space<vmem_shared>> -> memref<128x64xf32, #tpu.memory_space<vmem_shared>>
      %dma_wait3A_276 = arith.constant 0 : i32
      %dma_wait3A_277 = arith.constant 0 : i32
      %dma_wait3A_278 = tpu.memref_slice %arg8[%dma_wait3A_265, %dma_wait3A_276, %dma_wait3A_277] : memref<4x128x64xf32, #tpu.memory_space<vmem>> -> memref<1x128x64xf32, #tpu.memory_space<vmem>>
      %dma_wait3A_279 = tpu.memref_squeeze %dma_wait3A_278 : memref<1x128x64xf32, #tpu.memory_space<vmem>> -> memref<128x64xf32, #tpu.memory_space<vmem>>
      tpu.wait_dma2 semaphore(%arg18 : memref<!tpu.dma_semaphore, #tpu.memory_space<semaphore_mem>>) src(%dma_wait3A_279 : memref<128x64xf32, #tpu.memory_space<vmem>>) dst(%dma_wait3A_275 : memref<128x64xf32, #tpu.memory_space<vmem_shared>>)
      %add3A_280 = arith.constant 2 : i32
      %add3A_281 = arith.addi %add3A_180, %add3A_280 : i32
      %lt3A_282 = arith.constant 8 : i32
      %lt3A_283 = arith.cmpi slt, %add3A_281, %lt3A_282 : i32
      %convert_element_type3A_284 = arith.extui %lt3A_283 : i1 to i32
      %cond3A_285 = arith.constant 0 : i32
      %cond3A_286 = arith.cmpi ne, %convert_element_type3A_284, %cond3A_285 : i32
      scf.if %cond3A_286 {
        %add3A_287 = arith.constant 2 : i32
        %add3A_288 = arith.addi %add3A_180, %add3A_287 : i32
        %mul3A_289 = arith.constant 20 : i32
        %mul3A_290 = arith.muli %add3A_288, %mul3A_289 : i32
        %add3A_291 = arith.addi %mul3A_2, %mul3A_290 : i32
        %dma_start3A_292 = arith.constant 1 : i32
        %dma_start3A_293 = arith.constant 0 : i32
        %dma_start3A_294 = arith.constant 0 : i32
        %dma_start3A_295 = tpu.memref_slice %arg6[%dma_start3A_292, %dma_start3A_293, %dma_start3A_294] : memref<2x20x128xi32, #tpu.memory_space<vmem>> -> memref<1x20x128xi32, #tpu.memory_space<vmem>>
        %dma_start3A_296 = tpu.memref_squeeze %dma_start3A_295 : memref<1x20x128xi32, #tpu.memory_space<vmem>> -> memref<20x128xi32, #tpu.memory_space<vmem>>
        %dma_start3A_297 = arith.constant 0 : i32
        %dma_start3A_298 = tpu.memref_slice %arg3[%add3A_291, %dma_start3A_297] : memref<2560x128xi32, #tpu.memory_space<hbm>> -> memref<20x128xi32, #tpu.memory_space<hbm>>
        %dma_start3A_299 = arith.constant 0 : i32
        %dma_start3A_300 = arith.constant 0 : i32
        %dma_start3A_301 = tpu.memref_slice %arg6[%dma_start3A_292, %dma_start3A_299, %dma_start3A_300] : memref<2x20x128xi32, #tpu.memory_space<vmem>> -> memref<1x20x128xi32, #tpu.memory_space<vmem>>
        %dma_start3A_302 = tpu.memref_squeeze %dma_start3A_301 : memref<1x20x128xi32, #tpu.memory_space<vmem>> -> memref<20x128xi32, #tpu.memory_space<vmem>>
        %dma_start3A_303 = arith.constant 0 : i32
        %dma_start3A_304 = tpu.memref_slice %arg3[%add3A_291, %dma_start3A_303] : memref<2560x128xi32, #tpu.memory_space<hbm>> -> memref<20x128xi32, #tpu.memory_space<hbm>>
        tpu.enqueue_dma source(%dma_start3A_304 : memref<20x128xi32, #tpu.memory_space<hbm>>) target(%dma_start3A_302 : memref<20x128xi32, #tpu.memory_space<vmem>>) target_semaphore(%arg20 : memref<!tpu.dma_semaphore, #tpu.memory_space<semaphore_mem>>)
        %mul3A_305 = arith.constant 20 : i32
        %mul3A_306 = arith.muli %add3A_288, %mul3A_305 : i32
        %add3A_307 = arith.addi %mul3A_2, %mul3A_306 : i32
        %dma_start3A_308 = arith.constant 1 : i32
        %dma_start3A_309 = arith.constant 0 : i32
        %dma_start3A_310 = arith.constant 0 : i32
        %dma_start3A_311 = tpu.memref_slice %arg7[%dma_start3A_308, %dma_start3A_309, %dma_start3A_310] : memref<2x20x128xi32, #tpu.memory_space<vmem>> -> memref<1x20x128xi32, #tpu.memory_space<vmem>>
        %dma_start3A_312 = tpu.memref_squeeze %dma_start3A_311 : memref<1x20x128xi32, #tpu.memory_space<vmem>> -> memref<20x128xi32, #tpu.memory_space<vmem>>
        %dma_start3A_313 = arith.constant 0 : i32
        %dma_start3A_314 = tpu.memref_slice %arg4[%add3A_307, %dma_start3A_313] : memref<2560x128xi32, #tpu.memory_space<hbm>> -> memref<20x128xi32, #tpu.memory_space<hbm>>
        %dma_start3A_315 = arith.constant 0 : i32
        %dma_start3A_316 = arith.constant 0 : i32
        %dma_start3A_317 = tpu.memref_slice %arg7[%dma_start3A_308, %dma_start3A_315, %dma_start3A_316] : memref<2x20x128xi32, #tpu.memory_space<vmem>> -> memref<1x20x128xi32, #tpu.memory_space<vmem>>
        %dma_start3A_318 = tpu.memref_squeeze %dma_start3A_317 : memref<1x20x128xi32, #tpu.memory_space<vmem>> -> memref<20x128xi32, #tpu.memory_space<vmem>>
        %dma_start3A_319 = arith.constant 0 : i32
        %dma_start3A_320 = tpu.memref_slice %arg4[%add3A_307, %dma_start3A_319] : memref<2560x128xi32, #tpu.memory_space<hbm>> -> memref<20x128xi32, #tpu.memory_space<hbm>>
        tpu.enqueue_dma source(%dma_start3A_320 : memref<20x128xi32, #tpu.memory_space<hbm>>) target(%dma_start3A_318 : memref<20x128xi32, #tpu.memory_space<vmem>>) target_semaphore(%arg20 : memref<!tpu.dma_semaphore, #tpu.memory_space<semaphore_mem>>)
      } else {
      }
    }
    %scan3A_64 = arith.constant 4 : i32
    %barrier3A_65 = arith.constant 0 : index
    tpu.barrier barrier_id(%barrier3A_65)
    "tpu.region"() ({
      %run_scoped3A = tpu.sem_alloc : memref<!tpu.dma_semaphore, #tpu.memory_space<semaphore_mem>>
      %dma_start3A_66 = arith.constant 0 : i32
      %dma_start3A_67 = tpu.memref_slice %arg5[%arg0, %mul3A_0, %dma_start3A_66] : memref<2x10240x64xf32, #tpu.memory_space<hbm>> -> memref<1x640x64xf32, #tpu.memory_space<hbm>>
      %dma_start3A_68 = tpu.memref_squeeze %dma_start3A_67 : memref<1x640x64xf32, #tpu.memory_space<hbm>> -> memref<640x64xf32, #tpu.memory_space<hbm>>
      %dma_start3A_69 = arith.constant 0 : i32
      %dma_start3A_70 = tpu.memref_slice %arg10[%mul3A_0, %dma_start3A_69] : memref<10240x64xf32, #tpu.memory_space<vmem_shared>> -> memref<640x64xf32, #tpu.memory_space<vmem_shared>>
      tpu.enqueue_dma source(%dma_start3A_70 : memref<640x64xf32, #tpu.memory_space<vmem_shared>>) target(%dma_start3A_68 : memref<640x64xf32, #tpu.memory_space<hbm>>) target_semaphore(%run_scoped3A : memref<!tpu.dma_semaphore, #tpu.memory_space<semaphore_mem>>)
      %dma_wait3A = arith.constant 0 : i32
      %dma_wait3A_71 = tpu.memref_slice %arg5[%arg0, %mul3A_0, %dma_wait3A] : memref<2x10240x64xf32, #tpu.memory_space<hbm>> -> memref<1x640x64xf32, #tpu.memory_space<hbm>>
      %dma_wait3A_72 = tpu.memref_squeeze %dma_wait3A_71 : memref<1x640x64xf32, #tpu.memory_space<hbm>> -> memref<640x64xf32, #tpu.memory_space<hbm>>
      %dma_wait3A_73 = arith.constant 0 : i32
      %dma_wait3A_74 = tpu.memref_slice %arg10[%mul3A_0, %dma_wait3A_73] : memref<10240x64xf32, #tpu.memory_space<vmem_shared>> -> memref<640x64xf32, #tpu.memory_space<vmem_shared>>
      tpu.wait_dma2 semaphore(%run_scoped3A : memref<!tpu.dma_semaphore, #tpu.memory_space<semaphore_mem>>) src(%dma_wait3A_74 : memref<640x64xf32, #tpu.memory_space<vmem_shared>>) dst(%dma_wait3A_72 : memref<640x64xf32, #tpu.memory_space<hbm>>)
      tpu.yield
    }) : () -> ()
    return
  }
}

module attributes {stable_mosaic.version = 14 : i64} {
  func.func @body(%arg0: i32, %arg1: memref<512x16xf32, #tpu.memory_space<vmem>>, %arg2: memref<512x16xf32, #tpu.memory_space<vmem>>, %arg3: memref<512x128xf32, #tpu.memory_space<vmem>>, %arg4: memref<2x512x64xf32, #tpu.memory_space<vmem>>, %arg5: memref<512x16xf32, #tpu.memory_space<vmem>>) attributes {dimension_semantics = [#tpu.dimension_semantics<arbitrary>], iteration_bounds = array<i64: 20>, scalar_prefetch = 0 : i64, scratch_operands = 0 : i64, tpu.core_type = #tpu.core_type<tc>, window_params = [{transform_indices = @transform_0, window_bounds = array<i64: 512, 16>}, {transform_indices = @transform_1, window_bounds = array<i64: 512, 16>}, {transform_indices = @transform_2, window_bounds = array<i64: 512, 128>}, {transform_indices = @transform_3, window_bounds = array<i64: 2, 512, 64>}, {transform_indices = @transform_4, window_bounds = array<i64: 512, 16>}]} {
    %get3A = arith.constant 0 : index
    %get3A_0 = arith.constant 0 : index
    %get3A_1 = vector.load %arg1[%get3A, %get3A_0] : memref<512x16xf32, #tpu.memory_space<vmem>>, vector<512x1xf32>
    %get3A_2 = arith.constant 0 : index
    %get3A_3 = arith.constant 0 : index
    %get3A_4 = vector.load %arg2[%get3A_2, %get3A_3] : memref<512x16xf32, #tpu.memory_space<vmem>>, vector<512x1xf32>
    %add3A = arith.addf %get3A_1, %get3A_4 : vector<512x1xf32>
    %add3A_5 = arith.constant 1.000000e+00 : f32
    %add3A_6 = vector.broadcast %add3A_5 : f32 to vector<512x1xf32>
    %add3A_7 = arith.addf %add3A, %add3A_6 : vector<512x1xf32>
    %rsqrt3A = math.rsqrt %add3A_7 : vector<512x1xf32>
    %iota3A = tpu.iota {dimensions = array<i32: 0>} : vector<512x1xi32>
    %mul3A = arith.constant 512 : i32
    %mul3A_8 = arith.muli %arg0, %mul3A : i32
    %add3A_9 = vector.broadcast %mul3A_8 : i32 to vector<512x1xi32>
    %add3A_10 = arith.addi %iota3A, %add3A_9 : vector<512x1xi32>
    %lt3A = arith.constant 10000 : i32
    %lt3A_11 = vector.broadcast %lt3A : i32 to vector<512x1xi32>
    %lt3A_12 = arith.cmpi slt, %add3A_10, %lt3A_11 : vector<512x1xi32>
    %jit3A = arith.constant 0.000000e+00 : f32
    %broadcast_in_dim3A = vector.broadcast %jit3A : f32 to vector<512x1xf32>
    %select_n3A = arith.select %lt3A_12, %rsqrt3A, %broadcast_in_dim3A : vector<512x1xi1>, vector<512x1xf32>
    %broadcast_in_dim3A_13 = vector.shape_cast %select_n3A : vector<512x1xf32> to vector<512x1xf32>
    %broadcast_in_dim3A_14 = vector.broadcast %broadcast_in_dim3A_13 : vector<512x1xf32> to vector<512x128xf32>
    %broadcast_in_dim3A_15 = vector.shape_cast %select_n3A : vector<512x1xf32> to vector<512x1xf32>
    %broadcast_in_dim3A_16 = vector.broadcast %broadcast_in_dim3A_15 : vector<512x1xf32> to vector<512x16xf32>
    %swap3A = arith.constant 0 : index
    %swap3A_17 = arith.constant 0 : index
    %swap3A_18 = vector.load %arg5[%swap3A, %swap3A_17] : memref<512x16xf32, #tpu.memory_space<vmem>>, vector<512x16xf32>
    tpu.vector_store %arg5[%swap3A, %swap3A_17], %broadcast_in_dim3A_16 {strides = array<i32>} : memref<512x16xf32, #tpu.memory_space<vmem>>, vector<512x16xf32>,
    %get3A_19 = arith.constant 0 : index
    %get3A_20 = arith.constant 0 : index
    %get3A_21 = vector.load %arg3[%get3A_19, %get3A_20] : memref<512x128xf32, #tpu.memory_space<vmem>>, vector<512x128xf32>
    %mul3A_22 = arith.mulf %get3A_21, %broadcast_in_dim3A_14 : vector<512x128xf32>
    %slice3A = vector.extract_strided_slice %mul3A_22 {offsets = [0, 0], sizes = [512, 64], strides = [1, 1]} : vector<512x128xf32> to vector<512x64xf32>
    %swap3A_23 = arith.constant 0 : index
    %swap3A_24 = arith.constant 0 : index
    %swap3A_25 = arith.constant 0 : index
    %swap3A_26 = vector.load %arg4[%swap3A_23, %swap3A_24, %swap3A_25] : memref<2x512x64xf32, #tpu.memory_space<vmem>>, vector<1x512x64xf32>
    %swap3A_27 = vector.shape_cast %swap3A_26 : vector<1x512x64xf32> to vector<512x64xf32>
    %swap3A_28 = vector.shape_cast %slice3A : vector<512x64xf32> to vector<1x512x64xf32>
    tpu.vector_store %arg4[%swap3A_23, %swap3A_24, %swap3A_25], %swap3A_28 {strides = array<i32>} : memref<2x512x64xf32, #tpu.memory_space<vmem>>, vector<1x512x64xf32>,
    %slice3A_29 = vector.extract_strided_slice %mul3A_22 {offsets = [0, 64], sizes = [512, 64], strides = [1, 1]} : vector<512x128xf32> to vector<512x64xf32>
    %swap3A_30 = arith.constant 1 : index
    %swap3A_31 = arith.constant 0 : index
    %swap3A_32 = arith.constant 0 : index
    %swap3A_33 = vector.load %arg4[%swap3A_30, %swap3A_31, %swap3A_32] : memref<2x512x64xf32, #tpu.memory_space<vmem>>, vector<1x512x64xf32>
    %swap3A_34 = vector.shape_cast %swap3A_33 : vector<1x512x64xf32> to vector<512x64xf32>
    %swap3A_35 = vector.shape_cast %slice3A_29 : vector<512x64xf32> to vector<1x512x64xf32>
    tpu.vector_store %arg4[%swap3A_30, %swap3A_31, %swap3A_32], %swap3A_35 {strides = array<i32>} : memref<2x512x64xf32, #tpu.memory_space<vmem>>, vector<1x512x64xf32>,
    return
  }
  func.func @transform_0(%arg0: i32) -> (i32, i32) {
    %c0_i32 = arith.constant 0 : i32
    %c0_i32_0 = arith.constant 0 : i32
    return %arg0, %c0_i32 : i32, i32
  }
  func.func @transform_1(%arg0: i32) -> (i32, i32) {
    %c0_i32 = arith.constant 0 : i32
    %c0_i32_0 = arith.constant 0 : i32
    return %arg0, %c0_i32 : i32, i32
  }
  func.func @transform_2(%arg0: i32) -> (i32, i32) {
    %c0_i32 = arith.constant 0 : i32
    %c0_i32_0 = arith.constant 0 : i32
    return %arg0, %c0_i32 : i32, i32
  }
  func.func @transform_3(%arg0: i32) -> (i32, i32, i32) {
    %c0_i32 = arith.constant 0 : i32
    %c0_i32_0 = arith.constant 0 : i32
    %c0_i32_1 = arith.constant 0 : i32
    return %c0_i32, %arg0, %c0_i32_0 : i32, i32, i32
  }
  func.func @transform_4(%arg0: i32) -> (i32, i32) {
    %c0_i32 = arith.constant 0 : i32
    %c0_i32_0 = arith.constant 0 : i32
    return %arg0, %c0_i32 : i32, i32
  }
}

module attributes {stable_mosaic.version = 14 : i64} {
  func.func @body(%arg0: i32, %arg1: memref<2x512x64xf32, #tpu.memory_space<vmem>>, %arg2: memref<512x16xf32, #tpu.memory_space<vmem>>, %arg3: memref<128x256xf32, #tpu.memory_space<vmem>>, %arg4: memref<1x256xf32, #tpu.memory_space<vmem>>, %arg5: memref<256x40xf32, #tpu.memory_space<vmem>>, %arg6: memref<512x40xf32, #tpu.memory_space<vmem>>) attributes {dimension_semantics = [#tpu.dimension_semantics<arbitrary>], iteration_bounds = array<i64: 20>, scalar_prefetch = 0 : i64, scratch_operands = 0 : i64, tpu.core_type = #tpu.core_type<tc>, window_params = [{transform_indices = @transform_0, window_bounds = array<i64: 2, 512, 64>}, {transform_indices = @transform_1, window_bounds = array<i64: 512, 16>}, {pipeline_mode = #tpu.pipeline_mode<synchronous>, transform_indices = @transform_2, window_bounds = array<i64: 128, 256>}, {pipeline_mode = #tpu.pipeline_mode<synchronous>, transform_indices = @transform_3, window_bounds = array<i64: 1, 256>}, {pipeline_mode = #tpu.pipeline_mode<synchronous>, transform_indices = @transform_4, window_bounds = array<i64: 256, 40>}, {transform_indices = @transform_5, window_bounds = array<i64: 512, 40>}]} {
    %get3A = arith.constant 0 : index
    %get3A_0 = arith.constant 0 : index
    %get3A_1 = vector.load %arg2[%get3A, %get3A_0] : memref<512x16xf32, #tpu.memory_space<vmem>>, vector<512x1xf32>
    %get3A_2 = arith.constant 0 : index
    %get3A_3 = arith.constant 0 : index
    %get3A_4 = arith.constant 0 : index
    %get3A_5 = vector.load %arg1[%get3A_2, %get3A_3, %get3A_4] : memref<2x512x64xf32, #tpu.memory_space<vmem>>, vector<1x512x64xf32>
    %get3A_6 = vector.shape_cast %get3A_5 : vector<1x512x64xf32> to vector<512x64xf32>
    %get3A_7 = arith.constant 1 : index
    %get3A_8 = arith.constant 0 : index
    %get3A_9 = arith.constant 0 : index
    %get3A_10 = vector.load %arg1[%get3A_7, %get3A_8, %get3A_9] : memref<2x512x64xf32, #tpu.memory_space<vmem>>, vector<1x512x64xf32>
    %get3A_11 = vector.shape_cast %get3A_10 : vector<1x512x64xf32> to vector<512x64xf32>
    %concatenate3A = tpu.concatenate %get3A_6, %get3A_11 in 1 : vector<512x64xf32>, vector<512x64xf32> -> vector<512x128xf32>
    %broadcast_in_dim3A = vector.shape_cast %get3A_1 : vector<512x1xf32> to vector<512x1xf32>
    %broadcast_in_dim3A_12 = vector.broadcast %broadcast_in_dim3A : vector<512x1xf32> to vector<512x128xf32>
    %mul3A = arith.mulf %broadcast_in_dim3A_12, %concatenate3A : vector<512x128xf32>
    %get3A_13 = arith.constant 0 : index
    %get3A_14 = arith.constant 0 : index
    %get3A_15 = vector.load %arg3[%get3A_13, %get3A_14] : memref<128x256xf32, #tpu.memory_space<vmem>>, vector<128x256xf32>
    %dot_general3A = arith.constant dense<0.000000e+00> : vector<512x256xf32>
    %dot_general3A_16 = tpu.matmul %mul3A, %get3A_15, %dot_general3A {dimension_numbers = #tpu.dot_dimension_numbers<[1], [0], [0], [1], [0, 0, 1, 1], [], []>, transpose_lhs_hint = false} : vector<512x128xf32>, vector<128x256xf32>, vector<512x256xf32> -> vector<512x256xf32>
    %get3A_17 = arith.constant 0 : index
    %get3A_18 = arith.constant 0 : index
    %get3A_19 = vector.load %arg4[%get3A_17, %get3A_18] : memref<1x256xf32, #tpu.memory_space<vmem>>, vector<1x256xf32>
    %add3A = vector.broadcast %get3A_19 : vector<1x256xf32> to vector<512x256xf32>
    %add3A_20 = arith.addf %dot_general3A_16, %add3A : vector<512x256xf32>
    %max3A = arith.constant 0.000000e+00 : f32
    %max3A_21 = vector.broadcast %max3A : f32 to vector<512x256xf32>
    %max3A_22 = arith.maximumf %add3A_20, %max3A_21 : vector<512x256xf32>
    %get3A_23 = arith.constant 0 : index
    %get3A_24 = arith.constant 0 : index
    %get3A_25 = vector.load %arg5[%get3A_23, %get3A_24] : memref<256x40xf32, #tpu.memory_space<vmem>>, vector<256x40xf32>
    %dot_general3A_26 = arith.constant dense<0.000000e+00> : vector<512x40xf32>
    %dot_general3A_27 = tpu.matmul %max3A_22, %get3A_25, %dot_general3A_26 {dimension_numbers = #tpu.dot_dimension_numbers<[1], [0], [0], [1], [0, 0, 1, 1], [], []>, transpose_lhs_hint = false} : vector<512x256xf32>, vector<256x40xf32>, vector<512x40xf32> -> vector<512x40xf32>
    %broadcast_in_dim3A_28 = vector.shape_cast %get3A_1 : vector<512x1xf32> to vector<512x1xf32>
    %broadcast_in_dim3A_29 = vector.broadcast %broadcast_in_dim3A_28 : vector<512x1xf32> to vector<512x40xf32>
    %mul3A_30 = arith.mulf %broadcast_in_dim3A_29, %dot_general3A_27 : vector<512x40xf32>
    %swap3A = arith.constant 0 : index
    %swap3A_31 = arith.constant 0 : index
    %swap3A_32 = vector.load %arg6[%swap3A, %swap3A_31] : memref<512x40xf32, #tpu.memory_space<vmem>>, vector<512x40xf32>
    tpu.vector_store %arg6[%swap3A, %swap3A_31], %mul3A_30 {strides = array<i32>} : memref<512x40xf32, #tpu.memory_space<vmem>>, vector<512x40xf32>,
    return
  }
  func.func @transform_0(%arg0: i32) -> (i32, i32, i32) {
    %c0_i32 = arith.constant 0 : i32
    %c0_i32_0 = arith.constant 0 : i32
    %c0_i32_1 = arith.constant 0 : i32
    return %c0_i32, %arg0, %c0_i32_0 : i32, i32, i32
  }
  func.func @transform_1(%arg0: i32) -> (i32, i32) {
    %c0_i32 = arith.constant 0 : i32
    %c0_i32_0 = arith.constant 0 : i32
    return %arg0, %c0_i32 : i32, i32
  }
  func.func @transform_2(%arg0: i32) -> (i32, i32) {
    %c0_i32 = arith.constant 0 : i32
    %c0_i32_0 = arith.constant 0 : i32
    %c0_i32_1 = arith.constant 0 : i32
    return %c0_i32, %c0_i32_0 : i32, i32
  }
  func.func @transform_3(%arg0: i32) -> (i32, i32) {
    %c0_i32 = arith.constant 0 : i32
    %c0_i32_0 = arith.constant 0 : i32
    %c0_i32_1 = arith.constant 0 : i32
    return %c0_i32, %c0_i32_0 : i32, i32
  }
  func.func @transform_4(%arg0: i32) -> (i32, i32) {
    %c0_i32 = arith.constant 0 : i32
    %c0_i32_0 = arith.constant 0 : i32
    %c0_i32_1 = arith.constant 0 : i32
    return %c0_i32, %c0_i32_0 : i32, i32
  }
  func.func @transform_5(%arg0: i32) -> (i32, i32) {
    %c0_i32 = arith.constant 0 : i32
    %c0_i32_0 = arith.constant 0 : i32
    return %arg0, %c0_i32 : i32, i32
  }
}

module attributes {stable_mosaic.version = 14 : i64} {
  func.func @body(%arg0: i32, %arg1: memref<512x40xf32, #tpu.memory_space<vmem>>, %arg2: memref<512x40xf32, #tpu.memory_space<vmem>>, %arg3: memref<512x16xf32, #tpu.memory_space<vmem>>, %arg4: memref<1x40xf32, #tpu.memory_space<vmem>>, %arg5: memref<512x40xf32, #tpu.memory_space<vmem>>) attributes {dimension_semantics = [#tpu.dimension_semantics<arbitrary>], iteration_bounds = array<i64: 20>, scalar_prefetch = 0 : i64, scratch_operands = 0 : i64, tpu.core_type = #tpu.core_type<tc>, window_params = [{transform_indices = @transform_0, window_bounds = array<i64: 512, 40>}, {transform_indices = @transform_1, window_bounds = array<i64: 512, 40>}, {transform_indices = @transform_2, window_bounds = array<i64: 512, 16>}, {pipeline_mode = #tpu.pipeline_mode<synchronous>, transform_indices = @transform_3, window_bounds = array<i64: 1, 40>}, {transform_indices = @transform_4, window_bounds = array<i64: 512, 40>}]} {
    %get3A = arith.constant 0 : index
    %get3A_0 = arith.constant 0 : index
    %get3A_1 = vector.load %arg3[%get3A, %get3A_0] : memref<512x16xf32, #tpu.memory_space<vmem>>, vector<512x1xf32>
    %broadcast_in_dim3A = vector.shape_cast %get3A_1 : vector<512x1xf32> to vector<512x1xf32>
    %broadcast_in_dim3A_2 = vector.broadcast %broadcast_in_dim3A : vector<512x1xf32> to vector<512x40xf32>
    %get3A_3 = arith.constant 0 : index
    %get3A_4 = arith.constant 0 : index
    %get3A_5 = vector.load %arg1[%get3A_3, %get3A_4] : memref<512x40xf32, #tpu.memory_space<vmem>>, vector<512x40xf32>
    %get3A_6 = arith.constant 0 : index
    %get3A_7 = arith.constant 0 : index
    %get3A_8 = vector.load %arg2[%get3A_6, %get3A_7] : memref<512x40xf32, #tpu.memory_space<vmem>>, vector<512x40xf32>
    %add3A = arith.addf %get3A_5, %get3A_8 : vector<512x40xf32>
    %mul3A = arith.mulf %broadcast_in_dim3A_2, %add3A : vector<512x40xf32>
    %get3A_9 = arith.constant 0 : index
    %get3A_10 = arith.constant 0 : index
    %get3A_11 = vector.load %arg4[%get3A_9, %get3A_10] : memref<1x40xf32, #tpu.memory_space<vmem>>, vector<1x40xf32>
    %add3A_12 = vector.broadcast %get3A_11 : vector<1x40xf32> to vector<512x40xf32>
    %add3A_13 = arith.addf %mul3A, %add3A_12 : vector<512x40xf32>
    %reduce_max3A = arith.constant dense<0xFF800000> : vector<512xf32>
    %reduce_max3A_14 = vector.multi_reduction <maximumf>, %add3A_13, %reduce_max3A [1] : vector<512x40xf32> to vector<512xf32>
    %broadcast_in_dim3A_15 = vector.shape_cast %reduce_max3A_14 : vector<512xf32> to vector<512x1xf32>
    %sub3A = vector.broadcast %broadcast_in_dim3A_15 : vector<512x1xf32> to vector<512x40xf32>
    %sub3A_16 = arith.subf %add3A_13, %sub3A : vector<512x40xf32>
    %exp3A = math.exp %sub3A_16 : vector<512x40xf32>
    %reduce_sum3A = arith.constant dense<0.000000e+00> : vector<512xf32>
    %reduce_sum3A_17 = vector.multi_reduction <add>, %exp3A, %reduce_sum3A [1] : vector<512x40xf32> to vector<512xf32>
    %broadcast_in_dim3A_18 = vector.shape_cast %reduce_sum3A_17 : vector<512xf32> to vector<512x1xf32>
    %log3A = math.log %broadcast_in_dim3A_18 : vector<512x1xf32>
    %sub3A_19 = vector.broadcast %log3A : vector<512x1xf32> to vector<512x40xf32>
    %sub3A_20 = arith.subf %sub3A_16, %sub3A_19 : vector<512x40xf32>
    %swap3A = arith.constant 0 : index
    %swap3A_21 = arith.constant 0 : index
    %swap3A_22 = vector.load %arg5[%swap3A, %swap3A_21] : memref<512x40xf32, #tpu.memory_space<vmem>>, vector<512x40xf32>
    tpu.vector_store %arg5[%swap3A, %swap3A_21], %sub3A_20 {strides = array<i32>} : memref<512x40xf32, #tpu.memory_space<vmem>>, vector<512x40xf32>,
    return
  }
  func.func @transform_0(%arg0: i32) -> (i32, i32) {
    %c0_i32 = arith.constant 0 : i32
    %c0_i32_0 = arith.constant 0 : i32
    return %arg0, %c0_i32 : i32, i32
  }
  func.func @transform_1(%arg0: i32) -> (i32, i32) {
    %c0_i32 = arith.constant 0 : i32
    %c0_i32_0 = arith.constant 0 : i32
    return %arg0, %c0_i32 : i32, i32
  }
  func.func @transform_2(%arg0: i32) -> (i32, i32) {
    %c0_i32 = arith.constant 0 : i32
    %c0_i32_0 = arith.constant 0 : i32
    return %arg0, %c0_i32 : i32, i32
  }
  func.func @transform_3(%arg0: i32) -> (i32, i32) {
    %c0_i32 = arith.constant 0 : i32
    %c0_i32_0 = arith.constant 0 : i32
    %c0_i32_1 = arith.constant 0 : i32
    return %c0_i32, %c0_i32_0 : i32, i32
  }
  func.func @transform_4(%arg0: i32) -> (i32, i32) {
    %c0_i32 = arith.constant 0 : i32
    %c0_i32_0 = arith.constant 0 : i32
    return %arg0, %c0_i32 : i32, i32
  }
}

</mosaic_0001>

<sc_bundles>
// kernel: kernel.11.cloned.1.call-start
scs
__scs_entry_jumppad:
0x0: {  	(pc) =	sbr.rel $0x88, $3  }
0x1: {  	(tag) =	ssettag $0x0;
	lr =	simm.s32 $0x1  }
0x2: {  	[smem:$0x3F9B] =	sst lr;
	_ =	strace $0xD0000000  }
0x3: {  	_ = 	snop  }
0x4: {  	_ = 	snop  }
0x5: {  	_ = 	snop  }
0x6: {  	_ = 	snop  }
0x7: {  	_ = 	snop  }
__scs_overlays_trampoline_lowered:
0x8: {  	[smem:$0x3FAA] =	sst s0  }
0x9: {  	[smem:$0x3FAB] =	sst s1  }
0xa: {  	[smem:$0x3FAC] =	sst s2  }
0xb: {  	[smem:$0x3FAD] =	sst s3  }
0xc: {  	[smem:$0x3FAE] =	sst s4  }
0xd: {  	[smem:$0x3FAF] =	sst s5  }
0xe: {  	[smem:$0x3FB0] =	sst s6  }
0xf: {  	[smem:$0x3FB1] =	sst s7  }
0x10: {  	[smem:$0x3FB2] =	sst s8  }
0x11: {  	[smem:$0x3FB3] =	sst s9;
	s0 =	simm.s32 @!p0 $0x0  }
0x12: {  	s1 =	sld [smem:$0x3F99];
	s0 =	simm.s32 @p0 $0x1  }
0x13: {  	[smem:$0x3FB4] =	sst s0;
	s0 =	simm.s32 @!p1 $0x0  }
0x14: {  	s2 =	sld [smem:$0x3F98];
	s0 =	simm.s32 @p1 $0x1  }
0x15: {  	[smem:$0x3FB5] =	sst s0;
	s0 =	simm.s32 @!p2 $0x0  }
0x16: {  	s3 =	sld [smem:$0x3FDB];
	s0 =	simm.s32 @p2 $0x1  }
0x17: {  	s4 =	simm.s32 $0x1BF5;
	[smem:$0x3FB7] =	sst s0  }
0x18: {  	s0 =	sld [smem:$0x3F9A];
	_ =	swait.ge [sflag:s4], $0x0  }
0x19: {  	s7 =	sld [smem:$0x3F9B]  }
0x1a: {  	s8 =	sadd.s32 $0xFFFFE003, lr  }
0x1b: {  	s9 =	sadd.s32 $0xFFFFFEF7, lr;
	s5 =	simm.s32 $0xFFFFFFFF;
	p2 =	slt.u32 s8, $0xFFFFF086  }
0x1c: {  	p1 =	slt.u32 s9, $0xF7A;
	s5 =	simm.s32 @!p2 $0x0  }
0x1d: {  	s5 =	simm.s32 @p1 $0x1;
	p0 =	seq.s32 s7, s2  }
0x1e: {  	s7 =	smul.u32 @!p0 $0xF7A, s2;
	p2 =	seq.s32 @!p0 s5, $0x0  }
0x1f: {  	s9 =	smul.u32 $0xF7A, s1;
	s8 =	simm.s32 @!p0 $0x1BF5;
	p2 =	por !p2, p0  }
0x20: {  	[sflag:s8] =	ssyncset.s32 @!p0 $0xFFFFF086;
	s6 =	sadd.s32 @!p0 s3, s7;
	s7 =	simm.s32 @!p0 $0x108  }
0x21: {  	s3 =	sadd.s32 s3, s9;
	s6 =	sadd.s32 @!p0 $0x88, s6;
	s7 =	simm.s32 @p2 $0x1082  }
0x22: {  	[simem:s7], [sflag:s8] =	dma.local @!p0 [hbm:s6], $0xF7A  }
0x23: {  	s9 =	sor.u32 $0xD0000000, s2;
	s6 =	simm.s32 $0x108;
	_ =	swait.ge @!p0 [sflag:s8], $0x0  }
0x24: {  	s3 =	sadd.s32 $0x88, s3;
	s6 =	simm.s32 @!p1 $0x1082;
	[sflag:s4] =	ssyncset.s32 $0xFFFFF086  }
0x25: {  	[simem:s6], [sflag:s4] =	dma.local [hbm:s3], $0xF7A  }
0x26: {  	[smem:$0x3F9B] =	sst s1;
	(tag) =	ssettag s2;
	_ =	strace s9  }
0x27: {  	s1 =	sld [smem:$0x3FAB]  }
0x28: {  	s2 =	sld [smem:$0x3FAC]  }
0x29: {  	s4 =	sld [smem:$0x3FAE]  }
0x2a: {  	p0 =	seq.s32 s5, $0x0;
	s5 =	sld [smem:$0x3FAF]  }
0x2b: {  	s6 =	sld [smem:$0x3FB0]  }
0x2c: {  	s7 =	sld [smem:$0x3FB1]  }
0x2d: {  	s3 =	simm.s32 $0x108;
	s8 =	sld [smem:$0x3FB2]  }
0x2e: {  	s3 =	simm.s32 @!p0 $0x1082;
	s9 =	sld [smem:$0x3FB3]  }
0x2f: {  	lr =	sadd.s32 s0, s3;
	s0 =	sld [smem:$0x3FAA]  }
0x30: {  	s3 =	sld [smem:$0x3FAD]  }
0x31: {  	[smem:$0x3FB6] =	sst s10  }
0x32: {  	s10 =	sld [smem:$0x3FB4];
	_ =	sdelay $0x3  }
0x33: {  	p0 =	seq.s32 s10, $0x1;
	s10 =	sld [smem:$0x3FB6];
	_ =	sdelay $0x3  }
0x34: {  	[smem:$0x3FB6] =	sst s10  }
0x35: {  	s10 =	sld [smem:$0x3FB5];
	_ =	sdelay $0x3  }
0x36: {  	p1 =	seq.s32 s10, $0x1;
	s10 =	sld [smem:$0x3FB6];
	_ =	sdelay $0x3  }
0x37: {  	[smem:$0x3FB6] =	sst s10  }
0x38: {  	s10 =	sld [smem:$0x3FB7]  }
0x39: {  	_ = 	snop;
	(pc) =	sbr.ind lr, $3  }
0x3a: {  	_ = 	snop  }
0x3b: {  	_ = 	snop  }
0x3c: {  	p2 =	seq.s32 s10, $0x1;
	s10 =	sld [smem:$0x3FB6]  }
0x3d: {  	_ =	shalt  }
0x3e: {  	_ =	shalt  }
0x3f: {  	_ =	shalt  }
0x40: {  	_ =	shalt  }
0x41: {  	_ =	shalt  }
0x42: {  	_ =	shalt  }
0x43: {  	_ =	shalt  }
0x44: {  	_ =	shalt  }
0x45: {  	_ =	shalt  }
0x46: {  	_ =	shalt  }
0x47: {  	_ =	shalt  }
0x48: {  	_ =	shalt  }
0x49: {  	_ =	shalt  }
0x4a: {  	_ =	shalt  }
0x4b: {  	_ =	shalt  }
0x4c: {  	_ =	shalt  }
0x4d: {  	_ =	shalt  }
0x4e: {  	_ =	shalt  }
0x4f: {  	_ =	shalt  }
0x50: {  	_ =	shalt  }
0x51: {  	_ =	shalt  }
0x52: {  	_ =	shalt  }
0x53: {  	_ =	shalt  }
0x54: {  	_ =	shalt  }
0x55: {  	_ =	shalt  }
0x56: {  	_ =	shalt  }
0x57: {  	_ =	shalt  }
0x58: {  	_ =	shalt  }
0x59: {  	_ =	shalt  }
0x5a: {  	_ =	shalt  }
0x5b: {  	_ =	shalt  }
0x5c: {  	_ =	shalt  }
0x5d: {  	_ =	shalt  }
0x5e: {  	_ =	shalt  }
0x5f: {  	_ =	shalt  }
0x60: {  	_ =	shalt  }
0x61: {  	_ =	shalt  }
0x62: {  	_ =	shalt  }
0x63: {  	_ =	shalt  }
0x64: {  	_ =	shalt  }
0x65: {  	_ =	shalt  }
0x66: {  	_ =	shalt  }
0x67: {  	_ =	shalt  }
0x68: {  	_ =	shalt  }
0x69: {  	_ =	shalt  }
0x6a: {  	_ =	shalt  }
0x6b: {  	_ =	shalt  }
0x6c: {  	_ =	shalt  }
0x6d: {  	_ =	shalt  }
0x6e: {  	_ =	shalt  }
0x6f: {  	_ =	shalt  }
0x70: {  	_ =	shalt  }
0x71: {  	_ =	shalt  }
0x72: {  	_ =	shalt  }
0x73: {  	_ =	shalt  }
0x74: {  	_ =	shalt  }
0x75: {  	_ =	shalt  }
0x76: {  	_ =	shalt  }
0x77: {  	_ =	shalt  }
0x78: {  	_ =	shalt  }
0x79: {  	_ =	shalt  }
0x7a: {  	_ =	shalt  }
0x7b: {  	_ =	shalt  }
0x7c: {  	_ =	shalt  }
0x7d: {  	_ =	shalt  }
0x7e: {  	_ =	shalt  }
0x7f: {  	_ =	shalt  }
0x80: {  	_ =	shalt  }
0x81: {  	_ =	shalt  }
0x82: {  	_ =	shalt  }
0x83: {  	_ =	shalt  }
0x84: {  	_ =	shalt  }
0x85: {  	_ =	shalt  }
0x86: {  	_ =	shalt  }
0x87: {  	_ =	shalt  }
.Lfunc_end0:
.L_simem_size_0:
called_computation.1_lowered:
.L_overlay_start_0:
0x88: {  	s2 =	sld [smem:$0x3FD9]  }
0x89: {  	s3 =	sld [smem:$0x3FFE];
	_ =	sdelay $0x1  }
0x8a: {  	s1 =	srdreg.scid  }
0x8b: {  	s0 =	sand.u32 $0x1, s1  }
0x8c: {  	s17 =	sshll.u32 s0, $0xA;
	s2 =	sadd.s32 s3, s2  }
0x8d: {  	s2 =	sadd.s32 s2, s17  }
0x8e: {  	[smem:$0x3FC2] =	sst s2  }
0x8f: {  	_ = 	snop  }
0x90: {  	s2 =	sld [smem:$0x3FD0];
	(tm) =	ssettm $0x1  }
0x91: {  	s18 =	sld [smem:$0x3FFB];
	_ =	sdelay $0x3  }
0x92: {  	_ =	strace s18  }
0x93: {  	s3 =	sld [smem:$0x3FFC];
	_ =	sdelay $0x3  }
0x94: {  	_ =	strace s3  }
0x95: {  	s3 =	sld [smem:$0x3FFD];
	_ =	sdelay $0x3  }
0x96: {  	_ =	strace s3  }
0x97: {  	_ =	strace $0x8FFFFFFF  }
0x98: {  	s19 =	sld [smem:$0x3FDB];
	_ =	sdelay $0x1  }
0x99: {  	s4 =	simm.s32 $_scs_section_size  }
0x9a: {  	s5 =	simm.s32 $_size__tile_overlayer_lowered;
	s6 =	simm.s32 $_tile_overlayer_lowered  }
0x9b: {  	s22 =	simm.s32 $0x1BFF;
	s21 =	sshll.u32 s6, $0x1;
	s3 =	sadd.s32 s4, s19  }
0x9c: {  	s7 =	simm.s32 $0x0;
	s20 =	sshll.u32 s5, $0x1;
	s5 =	sadd.s32 s21, s3  }
0x9d: {  	[timem:s7], [sflag:s22] =	dma.local [hbm:s5], s20  }
0x9e: {  	_ =	swait.ge [sflag:s22], s20  }
0x9f: {  	s4 =	ssub.s32 $0x0, s20;
	[sflag:s22] =	ssyncset.done $0x0  }
0xa0: {  	[sflag:s22] =	ssyncadd.s32 s4;
	_ =	sdelay $0x1  }
0xa1: {  	s23 =	simm.s32 $0x1B8B  }
0xa2: {  	_ =	swait.ge [sflag:s23], $0x1  }
0xa3: {  	[sflag:s23] =	ssyncset.done $0x0  }
0xa4: {  	s25 =	simm.s32 $0x1B8E;
	s24 =	sld [smem:$0x3FFE];
	[sflag:s23] =	ssyncadd.s32 $0xFFFFFFFF  }
0xa5: {  	s26 =	simm.s32 $execute0_lowered;
	[smem:$0x3FD2] =	sst s25  }
0xa6: {  	s5 =	sshll.u32 s26, $0x1;
	_ =	strace $0x80000049;
	[dreg:$0x1] =	wrdreg $0xFFFFFFFF  }
0xa7: {  	s28 =	simm.s32 $_size_execute0_lowered;
	s3 =	sadd.s32 s3, s5;
	[dreg:$0x0] =	wrdreg $0x0  }
0xa8: {  	s5 =	sshll.u32 s28, $0x1;
	[dreg:$0x2] =	wrdreg s3  }
0xa9: {  	[dreg:$0x3] =	wrdreg s5  }
0xaa: {  	[dreg:$0x4] =	wrdreg $0xC0  }
0xab: {  	_ =	task [dreg:s7], $0x5FFFF  }
0xac: {  	[dreg:$0x1] =	wrdreg $0xFFFFFFFF  }
0xad: {  	[dreg:$0x0] =	wrdreg $0x60  }
0xae: {  	[dreg:$0x2] =	wrdreg s24  }
0xaf: {  	[dreg:$0x3] =	wrdreg s2  }
0xb0: {  	[dreg:$0x4] =	wrdreg $0x148000  }
0xb1: {  	[dreg:$0x5] =	wrdreg $0xA8000  }
0xb2: {  	[dreg:$0x6] =	wrdreg $0x9  }
0xb3: {  	_ =	task.clear_ibuf [dreg:s7], $0x7FFFF;
	_ =	strace $0x90000049  }
0xb4: {  	s29 =	simm.s32 $0x9;
	_ =	strace $0x8000004B  }
0xb5: {  	_ =	swait.ge [sflag:s29], $0x1  }
0xb6: {  	[sflag:s29] =	ssyncadd.s32 $0xFFFFFFFF  }
0xb7: {  	_ =	strace $0x9000004B  }
0xb8: {  	_ =	sfence  }
0xb9: {  	s30 =	sld [smem:$0x0];
	_ =	sdelay $0x2  }
0xba: {  	s31 =	sshll.u32 s1, $0xD;
	s1 =	sshrl.u32 s1, $0x2  }
0xbb: {  	s3 =	sand.u32 $0x4000, s31;
	s1 =	sadd.s32 s1, s30  }
0xbc: {  	s0 =	sor.u32 s3, s0;
	s1 =	sshll.u32 s1, $0x11  }
0xbd: {  	s0 =	sor.u32 s1, s0  }
0xbe: {  	s0 =	sadd.s32 $0x8F2B, s0  }
0xbf: {  	[sflag:s0] =	ssyncadd.remote.s32 $0x1  }
0xc0: {  	_ =	sfence.sel $0xFFFF  }
0xc1: {  	[dreg:$0x0] =	wrdreg $0xFFFFFFFF;
	(pc) =	sbr.abs _section_cstart, $3  }
0xc2: {  	[dreg:$0x1] =	wrdreg $0xFFFFFFFF  }
0xc3: {  	_ =	task.clear_ibuf [dreg:s7], $0x2FFFF;
	_ =	strace $0x9FFFFFFF  }
0xc4: {  	(tm) =	ssettm $0x7FFFFFFF  }
0xc5: {  	_ =	shalt  }
tec
execute0_lowered:
.L_overlay_start_1:
0x0: {  	(tag) =	ssettag $0x1  }
0x1: {  	s0 =	rddreg [dreg:$0x0]  }
0x2: {  	s1 =	rddreg [dreg:$0x1];
	s3 =	srdreg.scid  }
0x3: {  	s8 =	stileid.u32;
	s2 =	rddreg [dreg:$0x2]  }
0x4: {  	s4 =	simm.s32 $0x0;
	s29 =	simm.s32 $0xB;
	s17 =	simm.s32 $0xA00  }
0x5: {  	s18 =	simm.s32 $0x1E00;
	s19 =	simm.s32 $0x9;
	s20 =	simm.s32 $0x80  }
0x6: {  	s21 =	simm.s32 $0x2800;
	s30 =	simm.s32 $0x8800;
	s31 =	simm.s32 $0x3  }
0x7: {  	s12 =	simm.s32 $0x6;
	s13 =	simm.s32 $0x7;
	s15 =	simm.s32 $0x1380  }
0x8: {  	s14 =	simm.s32 $0x2780;
	s5 =	sand.u32 $0x1, s3;
	s6 =	smul.u32 $0xA000, s8  }
0x9: {  	s3 =	rddreg [dreg:$0x3];
	s23 =	sshll.u32 s8, $0x6;
	s8 =	smul.u32 $0xA00, s8  }
0xa: {  	[smem:$0x7FF] =	sst s4;
	s9 =	sadd.s32 $0x10C00, s0;
	s7 =	smul.u32 $0xA0000, s5  }
0xb: {  	_ =	strace $0x8000004A;
	s5 =	ssub.s32 $0x2, s5;
	s16 =	sor.u32 $0x1C0B, s23  }
0xc: {  	s23 =	simm.s32 $0x1;
	s22 =	sshrl.u32 s5, $0x1;
	s10 =	sadd.s32 s6, s2  }
0xd: {  	s24 =	sor.u32 $0x140, s8;
	[dreg:$0x6] =	wrdreg s16;
	s7 =	sadd.s32 s6, s7  }
0xe: {  	s5 =	ssub.s32 s5, s22;
	s6 =	sadd.s32 s6, s3;
	s28 =	sshrl.u32 s10, $0x3  }
0xf: {  	s22 =	simm.s32 $0x4800;
	s10 =	simm.s32 $0x4;
	s7 =	sshrl.u32 s7, $0x3  }
0x10: {  	s25 =	smax.u32 s5, $0x1;
	s26 =	sshrl.u32 s6, $0x3;
	s5 =	simm.s32 $0xA  }
0x11: {  	s6 =	simm.s32 $0x2700;
	[dreg:$0xb] =	wrdreg s28;
	s0 =	sadd.s32 s7, s0  }
0x12: {  	s7 =	sadd.s32 s9, s8;
	s8 =	sadd.s32 s1, s8;
	[dreg:$0xa] =	wrdreg s25  }
0x13: {  	s9 =	sadd.s32 s9, s24;
	s1 =	sadd.s32 s1, s24;
	[dreg:$0xc] =	wrdreg s26  }
.Ltmp0:
0x14: {  	s25 =	simm.s32 $0x6800;
	[dreg:$0x7] =	wrdreg s9;
	(pc) =	sbr.rel .LBB2_1-.Ltmp0, $4  }
0x15: {  	s26 =	simm.s32 $0x2;
	s11 =	sadd.s32 $0x6AC00, s0;
	[dreg:$0x8] =	wrdreg s1  }
0x16: {  	s24 =	simm.s32 $0x8;
	s0 =	sadd.s32 $0x1AC00, s0;
	[dreg:$0x5] =	wrdreg s11  }
0x17: {  	s9 =	simm.s32 $0x1300;
	s1 =	simm.s32 $0x0;
	[dreg:$0x9] =	wrdreg s0  }
0x18: {  	s0 =	simm.s32 $0x5;
	s11 =	simm.s32 $0x2680;
	[dreg:$0xd] =	wrdreg s1  }
.LBB2_4:
0x19: {  	[bflag:$0x0] =	sbarrier.arrive $0xFFFF  }
0x1a: {  	s16 =	rddreg [dreg:$0x6]  }
0x1b: {  	s1 =	rddreg [dreg:$0x9]  }
0x1c: {  	s29 =	simm.s32 $0xB;
	s28 =	rddreg [dreg:$0xb]  }
0x1d: {  	[hbm:s1], [sflag:s16] =	dma.local [spmem:s28], $0x1400  }
0x1e: {  	_ =	swait.ge [sflag:s29], $0x1400  }
0x1f: {  	s9 =	rddreg [dreg:$0xd]  }
0x20: {  	s1 =	rddreg [dreg:$0xa];
	s9 =	sadd.s32 $0x1, s9  }
0x21: {  	p0 =	sne.s32 s9, s1  }
.Ltmp1:
0x22: {  	_ = 	snop;
	(pc) =	sbr.rel @!p0 .LBB2_5-.Ltmp1, $3  }
0x23: {  	_ =	sdelay $0x1  }
0x24: {  	[sflag:s29] =	ssyncset.done $0x0  }
0x25: {  	[sflag:s29] =	ssyncadd.s32 $0xFFFFEC00;
	[dreg:$0xd] =	wrdreg s9;
	s9 =	simm.s32 $0x1300  }
.LBB2_1:
0x26: {  	s1 =	rddreg [dreg:$0x5]  }
0x27: {  	[spmem:s28], [sflag:s16] =	dma.local [hbm:s1], $0x1400  }
0x28: {  	_ =	swait.ge [sflag:s29], $0x1400  }
0x29: {  	[sflag:s29] =	ssyncset.done $0x0  }
0x2a: {  	s28 =	rddreg [dreg:$0xc];
	[sflag:s29] =	ssyncadd.s32 $0xFFFFEC00  }
0x2b: {  	[spmem:s28], [sflag:s16] =	dma.local [hbm:s1], $0x1400  }
0x2c: {  	_ =	swait.ge [sflag:s29], $0x1400  }
0x2d: {  	[sflag:s29] =	ssyncset.done $0x0  }
0x2e: {  	[sflag:s29] =	ssyncadd.s32 $0xFFFFEC00  }
0x2f: {  	[tilespmem:s4], [sflag:$0x9] =	stream.linear.gather [hbm4b:s7+s4], $0xA00, $0x38;
	[tilespmem:$0x1E800] =	vst v63  }
0x30: {  	s29 =	simm.s32 $0x1400  }
0x31: {  	[tilespmem:s29], [sflag:$0x9] =	stream.linear.gather [hbm4b:s8+s4], $0xA00, $0x38;
	[tilespmem:$0x1E800] =	vst v63  }
0x32: {  	s16 =	rddreg [dreg:$0x7]  }
0x33: {  	[tilespmem:s17], [sflag:$0xA] =	stream.linear.gather [hbm4b:s16+s4], $0xA00, $0x38;
	[tilespmem:$0x1E800] =	vst v63  }
0x34: {  	s29 =	rddreg [dreg:$0x8]  }
0x35: {  	[tilespmem:s18], [sflag:$0xA] =	stream.linear.gather [hbm4b:s29+s4], $0xA00, $0x38;
	[tilespmem:$0x1E800] =	vst v63  }
0x36: {  	s28 =	simm.s32 $0xFFFFF880;
	[bflag:$0x0] =	sbarrier.arrive $0xFFFF  }
.LBB2_2:
0x37: {  	_ =	swait.ge [sflag:s19], $0xA00  }
0x38: {  	[sflag:s19] =	ssyncset.done $0x0  }
0x39: {  	[sflag:s19] =	ssyncadd.s32 $0xFFFFF600  }
0x3a: {  	_ =	swait.ge [sflag:s19], $0xA00  }
0x3b: {  	[sflag:s19] =	ssyncset.done $0x0  }
0x3c: {  	[sflag:s19] =	ssyncadd.s32 $0xFFFFF600  }
0x3d: {  	[tilespmem:s21], [sflag:$0x1] =	stream.indirect.gather [spmem:s3], $0x40, s4, s20, $0xb8;
	[tilespmem:$0x1E800] =	vst v63  }
0x3e: {  	_ = 	snop  }
0x3f: {  	[tilespmem:s22], [sflag:$0x2] =	stream.indirect.gather [spmem:s3], $0x40, s20, s20, $0xb8;
	[tilespmem:$0x1E800] =	vst v63  }
0x40: {  	_ =	swait.ge [sflag:s23], $0x2000  }
0x41: {  	[sflag:s23] =	ssyncset.done $0x0  }
0x42: {  	s1 =	simm.s32 $0x1400;
	[sflag:s23] =	ssyncadd.s32 $0xFFFFE000  }
0x43: {  	[spmem:s2] =	stream.indirect.scatter.add.f32 [tilespmem:s21], [sflag:$0x5], $0x40, s1, s20, $0xb8;
	[tilespmem:$0x1E800] =	vst v63  }
0x44: {  	s16 =	simm.s32 $0x100  }
0x45: {  	[tilespmem:s25], [sflag:$0x3] =	stream.indirect.gather [spmem:s3], $0x40, s16, s20, $0xb8;
	[tilespmem:$0x1E800] =	vst v63  }
0x46: {  	_ =	swait.ge [sflag:s26], $0x2000  }
0x47: {  	[sflag:s26] =	ssyncset.done $0x0  }
0x48: {  	s29 =	simm.s32 $0x1480;
	[sflag:s26] =	ssyncadd.s32 $0xFFFFE000  }
0x49: {  	[spmem:s2] =	stream.indirect.scatter.add.f32 [tilespmem:s22], [sflag:$0x6], $0x40, s29, s20, $0xb8;
	[tilespmem:$0x1E800] =	vst v63  }
0x4a: {  	s16 =	simm.s32 $0x180  }
0x4b: {  	[tilespmem:s30], [sflag:$0x4] =	stream.indirect.gather [spmem:s3], $0x40, s16, s20, $0xb8;
	[tilespmem:$0x1E800] =	vst v63  }
0x4c: {  	_ =	swait.ge [sflag:s31], $0x2000  }
0x4d: {  	[sflag:s31] =	ssyncset.done $0x0  }
0x4e: {  	s29 =	simm.s32 $0x1500;
	[sflag:s31] =	ssyncadd.s32 $0xFFFFE000  }
0x4f: {  	[spmem:s2] =	stream.indirect.scatter.add.f32 [tilespmem:s25], [sflag:$0x7], $0x40, s29, s20, $0xb8;
	[tilespmem:$0x1E800] =	vst v63  }
0x50: {  	_ =	swait.ge [sflag:s0], $0x2000  }
0x51: {  	[sflag:s0] =	ssyncset.done $0x0  }
0x52: {  	s16 =	simm.s32 $0x200;
	[sflag:s0] =	ssyncadd.s32 $0xFFFFE000  }
0x53: {  	[tilespmem:s21], [sflag:$0x1] =	stream.indirect.gather [spmem:s3], $0x40, s16, s20, $0xb8;
	[tilespmem:$0x1E800] =	vst v63  }
0x54: {  	_ =	swait.ge [sflag:s10], $0x2000  }
0x55: {  	[sflag:s10] =	ssyncset.done $0x0  }
0x56: {  	s29 =	simm.s32 $0x1580;
	[sflag:s10] =	ssyncadd.s32 $0xFFFFE000  }
0x57: {  	[spmem:s2] =	stream.indirect.scatter.add.f32 [tilespmem:s30], [sflag:$0x8], $0x40, s29, s20, $0xb8;
	[tilespmem:$0x1E800] =	vst v63  }
0x58: {  	_ =	swait.ge [sflag:s12], $0x2000  }
0x59: {  	[sflag:s12] =	ssyncset.done $0x0  }
0x5a: {  	s16 =	simm.s32 $0x280;
	[sflag:s12] =	ssyncadd.s32 $0xFFFFE000  }
0x5b: {  	[tilespmem:s22], [sflag:$0x2] =	stream.indirect.gather [spmem:s3], $0x40, s16, s20, $0xb8;
	[tilespmem:$0x1E800] =	vst v63  }
0x5c: {  	_ =	swait.ge [sflag:s23], $0x2000  }
0x5d: {  	[sflag:s23] =	ssyncset.done $0x0  }
0x5e: {  	s29 =	simm.s32 $0x1600;
	[sflag:s23] =	ssyncadd.s32 $0xFFFFE000  }
0x5f: {  	[spmem:s2] =	stream.indirect.scatter.add.f32 [tilespmem:s21], [sflag:$0x5], $0x40, s29, s20, $0xb8;
	[tilespmem:$0x1E800] =	vst v63  }
0x60: {  	_ =	swait.ge [sflag:s13], $0x2000  }
0x61: {  	[sflag:s13] =	ssyncset.done $0x0  }
0x62: {  	s16 =	simm.s32 $0x300;
	[sflag:s13] =	ssyncadd.s32 $0xFFFFE000  }
0x63: {  	[tilespmem:s25], [sflag:$0x3] =	stream.indirect.gather [spmem:s3], $0x40, s16, s20, $0xb8;
	[tilespmem:$0x1E800] =	vst v63  }
0x64: {  	_ =	swait.ge [sflag:s26], $0x2000  }
0x65: {  	[sflag:s26] =	ssyncset.done $0x0  }
0x66: {  	s29 =	simm.s32 $0x1680;
	[sflag:s26] =	ssyncadd.s32 $0xFFFFE000  }
0x67: {  	[spmem:s2] =	stream.indirect.scatter.add.f32 [tilespmem:s22], [sflag:$0x6], $0x40, s29, s20, $0xb8;
	[tilespmem:$0x1E800] =	vst v63  }
0x68: {  	_ =	swait.ge [sflag:s24], $0x2000  }
0x69: {  	[sflag:s24] =	ssyncset.done $0x0  }
0x6a: {  	s16 =	simm.s32 $0x380;
	[sflag:s24] =	ssyncadd.s32 $0xFFFFE000  }
0x6b: {  	[tilespmem:s30], [sflag:$0x4] =	stream.indirect.gather [spmem:s3], $0x40, s16, s20, $0xb8;
	[tilespmem:$0x1E800] =	vst v63  }
0x6c: {  	_ =	swait.ge [sflag:s31], $0x2000  }
0x6d: {  	[sflag:s31] =	ssyncset.done $0x0  }
0x6e: {  	s29 =	simm.s32 $0x1700;
	[sflag:s31] =	ssyncadd.s32 $0xFFFFE000  }
0x6f: {  	[spmem:s2] =	stream.indirect.scatter.add.f32 [tilespmem:s25], [sflag:$0x7], $0x40, s29, s20, $0xb8;
	[tilespmem:$0x1E800] =	vst v63  }
0x70: {  	_ =	swait.ge [sflag:s0], $0x2000  }
0x71: {  	[sflag:s0] =	ssyncset.done $0x0  }
0x72: {  	s16 =	simm.s32 $0x400;
	[sflag:s0] =	ssyncadd.s32 $0xFFFFE000  }
0x73: {  	[tilespmem:s21], [sflag:$0x1] =	stream.indirect.gather [spmem:s3], $0x40, s16, s20, $0xb8;
	[tilespmem:$0x1E800] =	vst v63  }
0x74: {  	_ =	swait.ge [sflag:s10], $0x2000  }
0x75: {  	[sflag:s10] =	ssyncset.done $0x0  }
0x76: {  	s29 =	simm.s32 $0x1780;
	[sflag:s10] =	ssyncadd.s32 $0xFFFFE000  }
0x77: {  	[spmem:s2] =	stream.indirect.scatter.add.f32 [tilespmem:s30], [sflag:$0x8], $0x40, s29, s20, $0xb8;
	[tilespmem:$0x1E800] =	vst v63  }
0x78: {  	_ =	swait.ge [sflag:s12], $0x2000  }
0x79: {  	[sflag:s12] =	ssyncset.done $0x0  }
0x7a: {  	s16 =	simm.s32 $0x480;
	[sflag:s12] =	ssyncadd.s32 $0xFFFFE000  }
0x7b: {  	[tilespmem:s22], [sflag:$0x2] =	stream.indirect.gather [spmem:s3], $0x40, s16, s20, $0xb8;
	[tilespmem:$0x1E800] =	vst v63  }
0x7c: {  	_ =	swait.ge [sflag:s23], $0x2000  }
0x7d: {  	[sflag:s23] =	ssyncset.done $0x0  }
0x7e: {  	s29 =	simm.s32 $0x1800;
	[sflag:s23] =	ssyncadd.s32 $0xFFFFE000  }
0x7f: {  	[spmem:s2] =	stream.indirect.scatter.add.f32 [tilespmem:s21], [sflag:$0x5], $0x40, s29, s20, $0xb8;
	[tilespmem:$0x1E800] =	vst v63  }
0x80: {  	_ =	swait.ge [sflag:s13], $0x2000  }
0x81: {  	[sflag:s13] =	ssyncset.done $0x0  }
0x82: {  	s16 =	simm.s32 $0x500;
	[sflag:s13] =	ssyncadd.s32 $0xFFFFE000  }
0x83: {  	[tilespmem:s25], [sflag:$0x3] =	stream.indirect.gather [spmem:s3], $0x40, s16, s20, $0xb8;
	[tilespmem:$0x1E800] =	vst v63  }
0x84: {  	_ =	swait.ge [sflag:s26], $0x2000  }
0x85: {  	[sflag:s26] =	ssyncset.done $0x0  }
0x86: {  	s29 =	simm.s32 $0x1880;
	[sflag:s26] =	ssyncadd.s32 $0xFFFFE000  }
0x87: {  	[spmem:s2] =	stream.indirect.scatter.add.f32 [tilespmem:s22], [sflag:$0x6], $0x40, s29, s20, $0xb8;
	[tilespmem:$0x1E800] =	vst v63  }
0x88: {  	_ =	swait.ge [sflag:s24], $0x2000  }
0x89: {  	[sflag:s24] =	ssyncset.done $0x0  }
0x8a: {  	s16 =	simm.s32 $0x580;
	[sflag:s24] =	ssyncadd.s32 $0xFFFFE000  }
0x8b: {  	[tilespmem:s30], [sflag:$0x4] =	stream.indirect.gather [spmem:s3], $0x40, s16, s20, $0xb8;
	[tilespmem:$0x1E800] =	vst v63  }
0x8c: {  	_ =	swait.ge [sflag:s31], $0x2000  }
0x8d: {  	[sflag:s31] =	ssyncset.done $0x0  }
0x8e: {  	s29 =	simm.s32 $0x1900;
	[sflag:s31] =	ssyncadd.s32 $0xFFFFE000  }
0x8f: {  	[spmem:s2] =	stream.indirect.scatter.add.f32 [tilespmem:s25], [sflag:$0x7], $0x40, s29, s20, $0xb8;
	[tilespmem:$0x1E800] =	vst v63  }
0x90: {  	_ =	swait.ge [sflag:s0], $0x2000  }
0x91: {  	[sflag:s0] =	ssyncset.done $0x0  }
0x92: {  	s16 =	simm.s32 $0x600;
	[sflag:s0] =	ssyncadd.s32 $0xFFFFE000  }
0x93: {  	[tilespmem:s21], [sflag:$0x1] =	stream.indirect.gather [spmem:s3], $0x40, s16, s20, $0xb8;
	[tilespmem:$0x1E800] =	vst v63  }
0x94: {  	_ =	swait.ge [sflag:s10], $0x2000  }
0x95: {  	[sflag:s10] =	ssyncset.done $0x0  }
0x96: {  	s29 =	simm.s32 $0x1980;
	[sflag:s10] =	ssyncadd.s32 $0xFFFFE000  }
0x97: {  	[spmem:s2] =	stream.indirect.scatter.add.f32 [tilespmem:s30], [sflag:$0x8], $0x40, s29, s20, $0xb8;
	[tilespmem:$0x1E800] =	vst v63  }
0x98: {  	_ =	swait.ge [sflag:s12], $0x2000  }
0x99: {  	[sflag:s12] =	ssyncset.done $0x0  }
0x9a: {  	s16 =	simm.s32 $0x680;
	[sflag:s12] =	ssyncadd.s32 $0xFFFFE000  }
0x9b: {  	[tilespmem:s22], [sflag:$0x2] =	stream.indirect.gather [spmem:s3], $0x40, s16, s20, $0xb8;
	[tilespmem:$0x1E800] =	vst v63  }
0x9c: {  	_ =	swait.ge [sflag:s23], $0x2000  }
0x9d: {  	[sflag:s23] =	ssyncset.done $0x0  }
0x9e: {  	s29 =	simm.s32 $0x1A00;
	[sflag:s23] =	ssyncadd.s32 $0xFFFFE000  }
0x9f: {  	[spmem:s2] =	stream.indirect.scatter.add.f32 [tilespmem:s21], [sflag:$0x5], $0x40, s29, s20, $0xb8;
	[tilespmem:$0x1E800] =	vst v63  }
0xa0: {  	_ =	swait.ge [sflag:s13], $0x2000  }
0xa1: {  	[sflag:s13] =	ssyncset.done $0x0  }
0xa2: {  	s16 =	simm.s32 $0x700;
	[sflag:s13] =	ssyncadd.s32 $0xFFFFE000  }
0xa3: {  	[tilespmem:s25], [sflag:$0x3] =	stream.indirect.gather [spmem:s3], $0x40, s16, s20, $0xb8;
	[tilespmem:$0x1E800] =	vst v63  }
0xa4: {  	_ =	swait.ge [sflag:s26], $0x2000  }
0xa5: {  	[sflag:s26] =	ssyncset.done $0x0  }
0xa6: {  	s29 =	simm.s32 $0x1A80;
	[sflag:s26] =	ssyncadd.s32 $0xFFFFE000  }
0xa7: {  	[spmem:s2] =	stream.indirect.scatter.add.f32 [tilespmem:s22], [sflag:$0x6], $0x40, s29, s20, $0xb8;
	[tilespmem:$0x1E800] =	vst v63  }
0xa8: {  	_ =	swait.ge [sflag:s24], $0x2000  }
0xa9: {  	[sflag:s24] =	ssyncset.done $0x0  }
0xaa: {  	s16 =	simm.s32 $0x780;
	[sflag:s24] =	ssyncadd.s32 $0xFFFFE000  }
0xab: {  	[tilespmem:s30], [sflag:$0x4] =	stream.indirect.gather [spmem:s3], $0x40, s16, s20, $0xb8;
	[tilespmem:$0x1E800] =	vst v63  }
0xac: {  	_ =	swait.ge [sflag:s31], $0x2000  }
0xad: {  	[sflag:s31] =	ssyncset.done $0x0  }
0xae: {  	s29 =	simm.s32 $0x1B00;
	[sflag:s31] =	ssyncadd.s32 $0xFFFFE000  }
0xaf: {  	[spmem:s2] =	stream.indirect.scatter.add.f32 [tilespmem:s25], [sflag:$0x7], $0x40, s29, s20, $0xb8;
	[tilespmem:$0x1E800] =	vst v63  }
0xb0: {  	_ =	swait.ge [sflag:s0], $0x2000  }
0xb1: {  	[sflag:s0] =	ssyncset.done $0x0  }
0xb2: {  	s16 =	simm.s32 $0x800;
	[sflag:s0] =	ssyncadd.s32 $0xFFFFE000  }
0xb3: {  	[tilespmem:s21], [sflag:$0x1] =	stream.indirect.gather [spmem:s3], $0x40, s16, s20, $0xb8;
	[tilespmem:$0x1E800] =	vst v63  }
0xb4: {  	_ =	swait.ge [sflag:s10], $0x2000  }
0xb5: {  	[sflag:s10] =	ssyncset.done $0x0  }
0xb6: {  	s29 =	simm.s32 $0x1B80;
	[sflag:s10] =	ssyncadd.s32 $0xFFFFE000  }
0xb7: {  	[spmem:s2] =	stream.indirect.scatter.add.f32 [tilespmem:s30], [sflag:$0x8], $0x40, s29, s20, $0xb8;
	[tilespmem:$0x1E800] =	vst v63  }
0xb8: {  	_ =	swait.ge [sflag:s12], $0x2000  }
0xb9: {  	[sflag:s12] =	ssyncset.done $0x0  }
0xba: {  	s16 =	simm.s32 $0x880;
	[sflag:s12] =	ssyncadd.s32 $0xFFFFE000  }
0xbb: {  	[tilespmem:s22], [sflag:$0x2] =	stream.indirect.gather [spmem:s3], $0x40, s16, s20, $0xb8;
	[tilespmem:$0x1E800] =	vst v63  }
0xbc: {  	_ =	swait.ge [sflag:s23], $0x2000  }
0xbd: {  	[sflag:s23] =	ssyncset.done $0x0  }
0xbe: {  	s29 =	simm.s32 $0x1C00;
	[sflag:s23] =	ssyncadd.s32 $0xFFFFE000  }
0xbf: {  	[spmem:s2] =	stream.indirect.scatter.add.f32 [tilespmem:s21], [sflag:$0x5], $0x40, s29, s20, $0xb8;
	[tilespmem:$0x1E800] =	vst v63  }
0xc0: {  	_ =	swait.ge [sflag:s13], $0x2000  }
0xc1: {  	[sflag:s13] =	ssyncset.done $0x0  }
0xc2: {  	s16 =	simm.s32 $0x900;
	[sflag:s13] =	ssyncadd.s32 $0xFFFFE000  }
0xc3: {  	[tilespmem:s25], [sflag:$0x3] =	stream.indirect.gather [spmem:s3], $0x40, s16, s20, $0xb8;
	[tilespmem:$0x1E800] =	vst v63  }
0xc4: {  	_ =	swait.ge [sflag:s26], $0x2000  }
0xc5: {  	[sflag:s26] =	ssyncset.done $0x0  }
0xc6: {  	s29 =	simm.s32 $0x1C80;
	[sflag:s26] =	ssyncadd.s32 $0xFFFFE000  }
0xc7: {  	[spmem:s2] =	stream.indirect.scatter.add.f32 [tilespmem:s22], [sflag:$0x6], $0x40, s29, s20, $0xb8;
	[tilespmem:$0x1E800] =	vst v63  }
0xc8: {  	_ =	swait.ge [sflag:s24], $0x2000  }
0xc9: {  	[sflag:s24] =	ssyncset.done $0x0  }
0xca: {  	s16 =	simm.s32 $0x980;
	[sflag:s24] =	ssyncadd.s32 $0xFFFFE000  }
0xcb: {  	[tilespmem:s30], [sflag:$0x4] =	stream.indirect.gather [spmem:s3], $0x40, s16, s20, $0xb8;
	[tilespmem:$0x1E800] =	vst v63  }
0xcc: {  	_ =	swait.ge [sflag:s31], $0x2000  }
0xcd: {  	[sflag:s31] =	ssyncset.done $0x0  }
0xce: {  	s29 =	simm.s32 $0x1D00;
	[sflag:s31] =	ssyncadd.s32 $0xFFFFE000  }
0xcf: {  	[spmem:s2] =	stream.indirect.scatter.add.f32 [tilespmem:s25], [sflag:$0x7], $0x40, s29, s20, $0xb8;
	[tilespmem:$0x1E800] =	vst v63  }
0xd0: {  	_ =	swait.ge [sflag:s0], $0x2000  }
0xd1: {  	[sflag:s0] =	ssyncset.done $0x0  }
0xd2: {  	[sflag:s0] =	ssyncadd.s32 $0xFFFFE000  }
0xd3: {  	_ =	swait.ge [sflag:s10], $0x2000  }
0xd4: {  	[sflag:s10] =	ssyncset.done $0x0  }
0xd5: {  	s16 =	simm.s32 $0x1D80;
	[sflag:s10] =	ssyncadd.s32 $0xFFFFE000  }
0xd6: {  	[spmem:s2] =	stream.indirect.scatter.add.f32 [tilespmem:s30], [sflag:$0x8], $0x40, s16, s20, $0xb8;
	[tilespmem:$0x1E800] =	vst v63  }
0xd7: {  	_ =	swait.ge [sflag:s12], $0x2000  }
0xd8: {  	[sflag:s12] =	ssyncset.done $0x0  }
0xd9: {  	[sflag:s12] =	ssyncadd.s32 $0xFFFFE000  }
0xda: {  	_ =	swait.ge [sflag:s13], $0x2000  }
0xdb: {  	[sflag:s13] =	ssyncset.done $0x0  }
0xdc: {  	[sflag:s13] =	ssyncadd.s32 $0xFFFFE000  }
0xdd: {  	p0 =	seq.s32 s28, $0x0;
	_ =	swait.ge [sflag:s24], $0x2000  }
0xde: {  	s29 =	sadd.s32 @!p0 s28, s7;
	[sflag:s24] =	ssyncset.done $0x0  }
0xdf: {  	s1 =	simm.s32 @!p0 $0x0;
	s29 =	sadd.s32 @!p0 $0xA00, s29;
	[sflag:s24] =	ssyncadd.s32 $0xFFFFE000  }
0xe0: {  	[tilespmem:s1], [sflag:$0x9] =	stream.linear.gather @!p0 [hbm4b:s29+s1], $0xA00, $0x38;
	[tilespmem:$0x1E800] =	vst v63  }
0xe1: {  	s29 =	sadd.s32 @!p0 s28, s8  }
0xe2: {  	s16 =	simm.s32 @!p0 $0x1400;
	s29 =	sadd.s32 @!p0 $0xA00, s29  }
0xe3: {  	[tilespmem:s16], [sflag:$0x9] =	stream.linear.gather @!p0 [hbm4b:s29+s1], $0xA00, $0x38;
	[tilespmem:$0x1E800] =	vst v63  }
0xe4: {  	_ =	swait.ge [sflag:s5], $0xA00  }
0xe5: {  	[sflag:s5] =	ssyncset.done $0x0  }
0xe6: {  	[sflag:s5] =	ssyncadd.s32 $0xFFFFF600  }
0xe7: {  	_ =	swait.ge [sflag:s5], $0xA00  }
0xe8: {  	[sflag:s5] =	ssyncset.done $0x0  }
0xe9: {  	[sflag:s5] =	ssyncadd.s32 $0xFFFFF600  }
0xea: {  	[tilespmem:s21], [sflag:$0x1] =	stream.indirect.gather [spmem:s3], $0x40, s17, s20, $0xb8;
	[tilespmem:$0x1E800] =	vst v63  }
0xeb: {  	s29 =	simm.s32 $0xA80  }
0xec: {  	[tilespmem:s22], [sflag:$0x2] =	stream.indirect.gather [spmem:s3], $0x40, s29, s20, $0xb8;
	[tilespmem:$0x1E800] =	vst v63  }
0xed: {  	_ =	swait.ge [sflag:s23], $0x2000  }
0xee: {  	[sflag:s23] =	ssyncset.done $0x0  }
0xef: {  	[sflag:s23] =	ssyncadd.s32 $0xFFFFE000  }
0xf0: {  	[spmem:s2] =	stream.indirect.scatter.add.f32 [tilespmem:s21], [sflag:$0x5], $0x40, s18, s20, $0xb8;
	[tilespmem:$0x1E800] =	vst v63  }
0xf1: {  	s16 =	simm.s32 $0xB00  }
0xf2: {  	[tilespmem:s25], [sflag:$0x3] =	stream.indirect.gather [spmem:s3], $0x40, s16, s20, $0xb8;
	[tilespmem:$0x1E800] =	vst v63  }
0xf3: {  	_ =	swait.ge [sflag:s26], $0x2000  }
0xf4: {  	[sflag:s26] =	ssyncset.done $0x0  }
0xf5: {  	s29 =	simm.s32 $0x1E80;
	[sflag:s26] =	ssyncadd.s32 $0xFFFFE000  }
0xf6: {  	[spmem:s2] =	stream.indirect.scatter.add.f32 [tilespmem:s22], [sflag:$0x6], $0x40, s29, s20, $0xb8;
	[tilespmem:$0x1E800] =	vst v63  }
0xf7: {  	s16 =	simm.s32 $0xB80  }
0xf8: {  	[tilespmem:s30], [sflag:$0x4] =	stream.indirect.gather [spmem:s3], $0x40, s16, s20, $0xb8;
	[tilespmem:$0x1E800] =	vst v63  }
0xf9: {  	_ =	swait.ge [sflag:s31], $0x2000  }
0xfa: {  	[sflag:s31] =	ssyncset.done $0x0  }
0xfb: {  	s29 =	simm.s32 $0x1F00;
	[sflag:s31] =	ssyncadd.s32 $0xFFFFE000  }
0xfc: {  	[spmem:s2] =	stream.indirect.scatter.add.f32 [tilespmem:s25], [sflag:$0x7], $0x40, s29, s20, $0xb8;
	[tilespmem:$0x1E800] =	vst v63  }
0xfd: {  	_ =	swait.ge [sflag:s0], $0x2000  }
0xfe: {  	[sflag:s0] =	ssyncset.done $0x0  }
0xff: {  	s16 =	simm.s32 $0xC00;
	[sflag:s0] =	ssyncadd.s32 $0xFFFFE000  }
0x100: {  	[tilespmem:s21], [sflag:$0x1] =	stream.indirect.gather [spmem:s3], $0x40, s16, s20, $0xb8;
	[tilespmem:$0x1E800] =	vst v63  }
0x101: {  	_ =	swait.ge [sflag:s10], $0x2000  }
0x102: {  	[sflag:s10] =	ssyncset.done $0x0  }
0x103: {  	s29 =	simm.s32 $0x1F80;
	[sflag:s10] =	ssyncadd.s32 $0xFFFFE000  }
0x104: {  	[spmem:s2] =	stream.indirect.scatter.add.f32 [tilespmem:s30], [sflag:$0x8], $0x40, s29, s20, $0xb8;
	[tilespmem:$0x1E800] =	vst v63  }
0x105: {  	_ =	swait.ge [sflag:s12], $0x2000  }
0x106: {  	[sflag:s12] =	ssyncset.done $0x0  }
0x107: {  	s16 =	simm.s32 $0xC80;
	[sflag:s12] =	ssyncadd.s32 $0xFFFFE000  }
0x108: {  	[tilespmem:s22], [sflag:$0x2] =	stream.indirect.gather [spmem:s3], $0x40, s16, s20, $0xb8;
	[tilespmem:$0x1E800] =	vst v63  }
0x109: {  	_ =	swait.ge [sflag:s23], $0x2000  }
0x10a: {  	[sflag:s23] =	ssyncset.done $0x0  }
0x10b: {  	s29 =	simm.s32 $0x2000;
	[sflag:s23] =	ssyncadd.s32 $0xFFFFE000  }
0x10c: {  	[spmem:s2] =	stream.indirect.scatter.add.f32 [tilespmem:s21], [sflag:$0x5], $0x40, s29, s20, $0xb8;
	[tilespmem:$0x1E800] =	vst v63  }
0x10d: {  	_ =	swait.ge [sflag:s13], $0x2000  }
0x10e: {  	[sflag:s13] =	ssyncset.done $0x0  }
0x10f: {  	s16 =	simm.s32 $0xD00;
	[sflag:s13] =	ssyncadd.s32 $0xFFFFE000  }
0x110: {  	[tilespmem:s25], [sflag:$0x3] =	stream.indirect.gather [spmem:s3], $0x40, s16, s20, $0xb8;
	[tilespmem:$0x1E800] =	vst v63  }
0x111: {  	_ =	swait.ge [sflag:s26], $0x2000  }
0x112: {  	[sflag:s26] =	ssyncset.done $0x0  }
0x113: {  	s29 =	simm.s32 $0x2080;
	[sflag:s26] =	ssyncadd.s32 $0xFFFFE000  }
0x114: {  	[spmem:s2] =	stream.indirect.scatter.add.f32 [tilespmem:s22], [sflag:$0x6], $0x40, s29, s20, $0xb8;
	[tilespmem:$0x1E800] =	vst v63  }
0x115: {  	_ =	swait.ge [sflag:s24], $0x2000  }
0x116: {  	[sflag:s24] =	ssyncset.done $0x0  }
0x117: {  	s16 =	simm.s32 $0xD80;
	[sflag:s24] =	ssyncadd.s32 $0xFFFFE000  }
0x118: {  	[tilespmem:s30], [sflag:$0x4] =	stream.indirect.gather [spmem:s3], $0x40, s16, s20, $0xb8;
	[tilespmem:$0x1E800] =	vst v63  }
0x119: {  	_ =	swait.ge [sflag:s31], $0x2000  }
0x11a: {  	[sflag:s31] =	ssyncset.done $0x0  }
0x11b: {  	s29 =	simm.s32 $0x2100;
	[sflag:s31] =	ssyncadd.s32 $0xFFFFE000  }
0x11c: {  	[spmem:s2] =	stream.indirect.scatter.add.f32 [tilespmem:s25], [sflag:$0x7], $0x40, s29, s20, $0xb8;
	[tilespmem:$0x1E800] =	vst v63  }
0x11d: {  	_ =	swait.ge [sflag:s0], $0x2000  }
0x11e: {  	[sflag:s0] =	ssyncset.done $0x0  }
0x11f: {  	s16 =	simm.s32 $0xE00;
	[sflag:s0] =	ssyncadd.s32 $0xFFFFE000  }
0x120: {  	[tilespmem:s21], [sflag:$0x1] =	stream.indirect.gather [spmem:s3], $0x40, s16, s20, $0xb8;
	[tilespmem:$0x1E800] =	vst v63  }
0x121: {  	_ =	swait.ge [sflag:s10], $0x2000  }
0x122: {  	[sflag:s10] =	ssyncset.done $0x0  }
0x123: {  	s29 =	simm.s32 $0x2180;
	[sflag:s10] =	ssyncadd.s32 $0xFFFFE000  }
0x124: {  	[spmem:s2] =	stream.indirect.scatter.add.f32 [tilespmem:s30], [sflag:$0x8], $0x40, s29, s20, $0xb8;
	[tilespmem:$0x1E800] =	vst v63  }
0x125: {  	_ =	swait.ge [sflag:s12], $0x2000  }
0x126: {  	[sflag:s12] =	ssyncset.done $0x0  }
0x127: {  	s16 =	simm.s32 $0xE80;
	[sflag:s12] =	ssyncadd.s32 $0xFFFFE000  }
0x128: {  	[tilespmem:s22], [sflag:$0x2] =	stream.indirect.gather [spmem:s3], $0x40, s16, s20, $0xb8;
	[tilespmem:$0x1E800] =	vst v63  }
0x129: {  	_ =	swait.ge [sflag:s23], $0x2000  }
0x12a: {  	[sflag:s23] =	ssyncset.done $0x0  }
0x12b: {  	s29 =	simm.s32 $0x2200;
	[sflag:s23] =	ssyncadd.s32 $0xFFFFE000  }
0x12c: {  	[spmem:s2] =	stream.indirect.scatter.add.f32 [tilespmem:s21], [sflag:$0x5], $0x40, s29, s20, $0xb8;
	[tilespmem:$0x1E800] =	vst v63  }
0x12d: {  	_ =	swait.ge [sflag:s13], $0x2000  }
0x12e: {  	[sflag:s13] =	ssyncset.done $0x0  }
0x12f: {  	s16 =	simm.s32 $0xF00;
	[sflag:s13] =	ssyncadd.s32 $0xFFFFE000  }
0x130: {  	[tilespmem:s25], [sflag:$0x3] =	stream.indirect.gather [spmem:s3], $0x40, s16, s20, $0xb8;
	[tilespmem:$0x1E800] =	vst v63  }
0x131: {  	_ =	swait.ge [sflag:s26], $0x2000  }
0x132: {  	[sflag:s26] =	ssyncset.done $0x0  }
0x133: {  	s29 =	simm.s32 $0x2280;
	[sflag:s26] =	ssyncadd.s32 $0xFFFFE000  }
0x134: {  	[spmem:s2] =	stream.indirect.scatter.add.f32 [tilespmem:s22], [sflag:$0x6], $0x40, s29, s20, $0xb8;
	[tilespmem:$0x1E800] =	vst v63  }
0x135: {  	_ =	swait.ge [sflag:s24], $0x2000  }
0x136: {  	[sflag:s24] =	ssyncset.done $0x0  }
0x137: {  	s16 =	simm.s32 $0xF80;
	[sflag:s24] =	ssyncadd.s32 $0xFFFFE000  }
0x138: {  	[tilespmem:s30], [sflag:$0x4] =	stream.indirect.gather [spmem:s3], $0x40, s16, s20, $0xb8;
	[tilespmem:$0x1E800] =	vst v63  }
0x139: {  	_ =	swait.ge [sflag:s31], $0x2000  }
0x13a: {  	[sflag:s31] =	ssyncset.done $0x0  }
0x13b: {  	s29 =	simm.s32 $0x2300;
	[sflag:s31] =	ssyncadd.s32 $0xFFFFE000  }
0x13c: {  	[spmem:s2] =	stream.indirect.scatter.add.f32 [tilespmem:s25], [sflag:$0x7], $0x40, s29, s20, $0xb8;
	[tilespmem:$0x1E800] =	vst v63  }
0x13d: {  	_ =	swait.ge [sflag:s0], $0x2000  }
0x13e: {  	[sflag:s0] =	ssyncset.done $0x0  }
0x13f: {  	s16 =	simm.s32 $0x1000;
	[sflag:s0] =	ssyncadd.s32 $0xFFFFE000  }
0x140: {  	[tilespmem:s21], [sflag:$0x1] =	stream.indirect.gather [spmem:s3], $0x40, s16, s20, $0xb8;
	[tilespmem:$0x1E800] =	vst v63  }
0x141: {  	_ =	swait.ge [sflag:s10], $0x2000  }
0x142: {  	[sflag:s10] =	ssyncset.done $0x0  }
0x143: {  	s29 =	simm.s32 $0x2380;
	[sflag:s10] =	ssyncadd.s32 $0xFFFFE000  }
0x144: {  	[spmem:s2] =	stream.indirect.scatter.add.f32 [tilespmem:s30], [sflag:$0x8], $0x40, s29, s20, $0xb8;
	[tilespmem:$0x1E800] =	vst v63  }
0x145: {  	_ =	swait.ge [sflag:s12], $0x2000  }
0x146: {  	[sflag:s12] =	ssyncset.done $0x0  }
0x147: {  	s16 =	simm.s32 $0x1080;
	[sflag:s12] =	ssyncadd.s32 $0xFFFFE000  }
0x148: {  	[tilespmem:s22], [sflag:$0x2] =	stream.indirect.gather [spmem:s3], $0x40, s16, s20, $0xb8;
	[tilespmem:$0x1E800] =	vst v63  }
0x149: {  	_ =	swait.ge [sflag:s23], $0x2000  }
0x14a: {  	[sflag:s23] =	ssyncset.done $0x0  }
0x14b: {  	s29 =	simm.s32 $0x2400;
	[sflag:s23] =	ssyncadd.s32 $0xFFFFE000  }
0x14c: {  	[spmem:s2] =	stream.indirect.scatter.add.f32 [tilespmem:s21], [sflag:$0x5], $0x40, s29, s20, $0xb8;
	[tilespmem:$0x1E800] =	vst v63  }
0x14d: {  	_ =	swait.ge [sflag:s13], $0x2000  }
0x14e: {  	[sflag:s13] =	ssyncset.done $0x0  }
0x14f: {  	s16 =	simm.s32 $0x1100;
	[sflag:s13] =	ssyncadd.s32 $0xFFFFE000  }
0x150: {  	[tilespmem:s25], [sflag:$0x3] =	stream.indirect.gather [spmem:s3], $0x40, s16, s20, $0xb8;
	[tilespmem:$0x1E800] =	vst v63  }
0x151: {  	_ =	swait.ge [sflag:s26], $0x2000  }
0x152: {  	[sflag:s26] =	ssyncset.done $0x0  }
0x153: {  	s29 =	simm.s32 $0x2480;
	[sflag:s26] =	ssyncadd.s32 $0xFFFFE000  }
0x154: {  	[spmem:s2] =	stream.indirect.scatter.add.f32 [tilespmem:s22], [sflag:$0x6], $0x40, s29, s20, $0xb8;
	[tilespmem:$0x1E800] =	vst v63  }
0x155: {  	_ =	swait.ge [sflag:s24], $0x2000  }
0x156: {  	[sflag:s24] =	ssyncset.done $0x0  }
0x157: {  	s16 =	simm.s32 $0x1180;
	[sflag:s24] =	ssyncadd.s32 $0xFFFFE000  }
0x158: {  	[tilespmem:s30], [sflag:$0x4] =	stream.indirect.gather [spmem:s3], $0x40, s16, s20, $0xb8;
	[tilespmem:$0x1E800] =	vst v63  }
0x159: {  	_ =	swait.ge [sflag:s31], $0x2000  }
0x15a: {  	[sflag:s31] =	ssyncset.done $0x0  }
0x15b: {  	s29 =	simm.s32 $0x2500;
	[sflag:s31] =	ssyncadd.s32 $0xFFFFE000  }
0x15c: {  	[spmem:s2] =	stream.indirect.scatter.add.f32 [tilespmem:s25], [sflag:$0x7], $0x40, s29, s20, $0xb8;
	[tilespmem:$0x1E800] =	vst v63  }
0x15d: {  	_ =	swait.ge [sflag:s0], $0x2000  }
0x15e: {  	[sflag:s0] =	ssyncset.done $0x0  }
0x15f: {  	s16 =	simm.s32 $0x1200;
	[sflag:s0] =	ssyncadd.s32 $0xFFFFE000  }
0x160: {  	[tilespmem:s21], [sflag:$0x1] =	stream.indirect.gather [spmem:s3], $0x40, s16, s20, $0xb8;
	[tilespmem:$0x1E800] =	vst v63  }
0x161: {  	_ =	swait.ge [sflag:s10], $0x2000  }
0x162: {  	[sflag:s10] =	ssyncset.done $0x0  }
0x163: {  	s29 =	simm.s32 $0x2580;
	[sflag:s10] =	ssyncadd.s32 $0xFFFFE000  }
0x164: {  	[spmem:s2] =	stream.indirect.scatter.add.f32 [tilespmem:s30], [sflag:$0x8], $0x40, s29, s20, $0xb8;
	[tilespmem:$0x1E800] =	vst v63  }
0x165: {  	_ =	swait.ge [sflag:s12], $0x2000  }
0x166: {  	[sflag:s12] =	ssyncset.done $0x0  }
0x167: {  	s16 =	simm.s32 $0x1280;
	[sflag:s12] =	ssyncadd.s32 $0xFFFFE000  }
0x168: {  	[tilespmem:s22], [sflag:$0x2] =	stream.indirect.gather [spmem:s3], $0x40, s16, s20, $0xb8;
	[tilespmem:$0x1E800] =	vst v63  }
0x169: {  	_ =	swait.ge [sflag:s23], $0x2000  }
0x16a: {  	[sflag:s23] =	ssyncset.done $0x0  }
0x16b: {  	s29 =	simm.s32 $0x2600;
	[sflag:s23] =	ssyncadd.s32 $0xFFFFE000  }
0x16c: {  	[spmem:s2] =	stream.indirect.scatter.add.f32 [tilespmem:s21], [sflag:$0x5], $0x40, s29, s20, $0xb8;
	[tilespmem:$0x1E800] =	vst v63  }
0x16d: {  	_ =	swait.ge [sflag:s13], $0x2000  }
0x16e: {  	[sflag:s13] =	ssyncset.done $0x0  }
0x16f: {  	[sflag:s13] =	ssyncadd.s32 $0xFFFFE000  }
0x170: {  	[tilespmem:s25], [sflag:$0x3] =	stream.indirect.gather [spmem:s3], $0x40, s9, s20, $0xb8;
	[tilespmem:$0x1E800] =	vst v63  }
0x171: {  	_ =	swait.ge [sflag:s26], $0x2000  }
0x172: {  	[sflag:s26] =	ssyncset.done $0x0  }
0x173: {  	[sflag:s26] =	ssyncadd.s32 $0xFFFFE000  }
0x174: {  	[spmem:s2] =	stream.indirect.scatter.add.f32 [tilespmem:s22], [sflag:$0x6], $0x40, s11, s20, $0xb8;
	[tilespmem:$0x1E800] =	vst v63  }
0x175: {  	_ =	swait.ge [sflag:s24], $0x2000  }
0x176: {  	[sflag:s24] =	ssyncset.done $0x0  }
0x177: {  	[sflag:s24] =	ssyncadd.s32 $0xFFFFE000  }
0x178: {  	[tilespmem:s30], [sflag:$0x4] =	stream.indirect.gather [spmem:s3], $0x40, s15, s20, $0xb8;
	[tilespmem:$0x1E800] =	vst v63  }
0x179: {  	_ =	swait.ge [sflag:s31], $0x2000  }
0x17a: {  	[sflag:s31] =	ssyncset.done $0x0  }
0x17b: {  	[sflag:s31] =	ssyncadd.s32 $0xFFFFE000  }
0x17c: {  	[spmem:s2] =	stream.indirect.scatter.add.f32 [tilespmem:s25], [sflag:$0x7], $0x40, s6, s20, $0xb8;
	[tilespmem:$0x1E800] =	vst v63  }
0x17d: {  	_ =	swait.ge [sflag:s0], $0x2000  }
0x17e: {  	[sflag:s0] =	ssyncset.done $0x0  }
0x17f: {  	[sflag:s0] =	ssyncadd.s32 $0xFFFFE000  }
0x180: {  	_ =	swait.ge [sflag:s10], $0x2000  }
0x181: {  	[sflag:s10] =	ssyncset.done $0x0  }
0x182: {  	[sflag:s10] =	ssyncadd.s32 $0xFFFFE000  }
0x183: {  	[spmem:s2] =	stream.indirect.scatter.add.f32 [tilespmem:s30], [sflag:$0x8], $0x40, s14, s20, $0xb8;
	[tilespmem:$0x1E800] =	vst v63  }
0x184: {  	_ =	swait.ge [sflag:s12], $0x2000  }
0x185: {  	[sflag:s12] =	ssyncset.done $0x0  }
0x186: {  	[sflag:s12] =	ssyncadd.s32 $0xFFFFE000  }
0x187: {  	_ =	swait.ge [sflag:s13], $0x2000  }
.Ltmp2:
0x188: {  	[sflag:s13] =	ssyncset.done $0x0;
	(pc) =	sbr.rel @p0 .LBB2_4-.Ltmp2, $4  }
0x189: {  	[sflag:s13] =	ssyncadd.s32 $0xFFFFE000  }
0x18a: {  	_ =	swait.ge [sflag:s24], $0x2000  }
0x18b: {  	[sflag:s24] =	ssyncset.done $0x0  }
0x18c: {  	[sflag:s24] =	ssyncadd.s32 $0xFFFFE000  }
.Ltmp3:
0x18d: {  	s1 =	sadd.s32 s28, s7;
	(pc) =	sbr.rel .LBB2_2-.Ltmp3, $4  }
0x18e: {  	s29 =	sadd.s32 s28, s8;
	s1 =	sadd.s32 $0xB40, s1  }
0x18f: {  	[tilespmem:s17], [sflag:$0xA] =	stream.linear.gather [hbm4b:s1+s4], $0xA00, $0x38;
	[tilespmem:$0x1E800] =	vst v63  }
0x190: {  	s28 =	sadd.s32 $0x280, s28;
	s1 =	sadd.s32 $0xB40, s29  }
0x191: {  	[tilespmem:s18], [sflag:$0xA] =	stream.linear.gather [hbm4b:s1+s4], $0xA00, $0x38;
	[tilespmem:$0x1E800] =	vst v63  }
.LBB2_5:
0x192: {  	_ =	sfence.sel $0x180000  }
0x193: {  	[bflag:$0x0] =	sbarrier.arrive $0xFFFF  }
0x194: {  	_ =	strace $0x9000004A  }
0x195: {  	s0 =	stileid.u32;
	[bflag:$0x2] =	sbarrier.arrive $0xFFFF  }
0x196: {  	p0 =	sne.s32 s0, $0x0;
	s0 =	rddreg [dreg:$0x4]  }
0x197: {  	s0 =	sadd.s32 @!p0 $0x100000, s0  }
0x198: {  	[sflag:s0] =	ssyncadd.tile.s32 @!p0 $0x1;
	_ =	shalt  }
.Lfunc_end2:
_tile_overlayer_lowered:
.L_overlay_start_2:
0x199: {  	(tag) =	ssettag $0x2  }
0x19a: {  	s0 =	rddreg [dreg:$0x0];
	s2 =	stileid.u32  }
0x19b: {  	s1 =	rddreg [dreg:$0x1];
	p0 =	sne.s32 s2, $0x0  }
0x19c: {  	s3 =	rddreg [dreg:$0x2];
	[bflag:$0x3] =	sbarrier.arrive $0xFFFF;
	s2 =	simm.s32 @!p0 $0x1C0B  }
0x19d: {  	[timem:s3], [sflag:s2] =	dma.local @!p0 [hbm:s0], s1  }
0x19e: {  	s0 =	simm.s32 @!p0 $0xB  }
0x19f: {  	_ =	swait.ge @!p0 [sflag:s0], s1  }
0x1a0: {  	s1 =	ssub.s32 @!p0 $0x0, s1;
	[sflag:s0] =	ssyncset.done @!p0 $0x0  }
0x1a1: {  	[sflag:s0] =	ssyncadd.s32 @!p0 s1  }
0x1a2: {  	[bflag:$0x3] =	sbarrier.arrive $0xFFFF  }
0x1a3: {  	_ =	shalt  }

// kernel: kernel.14.cloned.1.call-start
scs
__scs_entry_jumppad:
0x0: {  	(pc) =	sbr.rel $0x88, $3  }
0x1: {  	(tag) =	ssettag $0x0;
	lr =	simm.s32 $0x1  }
0x2: {  	[smem:$0x3F9B] =	sst lr;
	_ =	strace $0xD0000000  }
0x3: {  	_ = 	snop  }
0x4: {  	_ = 	snop  }
0x5: {  	_ = 	snop  }
0x6: {  	_ = 	snop  }
0x7: {  	_ = 	snop  }
__scs_overlays_trampoline_lowered:
0x8: {  	[smem:$0x3FAA] =	sst s0  }
0x9: {  	[smem:$0x3FAB] =	sst s1  }
0xa: {  	[smem:$0x3FAC] =	sst s2  }
0xb: {  	[smem:$0x3FAD] =	sst s3  }
0xc: {  	[smem:$0x3FAE] =	sst s4  }
0xd: {  	[smem:$0x3FAF] =	sst s5  }
0xe: {  	[smem:$0x3FB0] =	sst s6  }
0xf: {  	[smem:$0x3FB1] =	sst s7  }
0x10: {  	[smem:$0x3FB2] =	sst s8  }
0x11: {  	[smem:$0x3FB3] =	sst s9;
	s0 =	simm.s32 @!p0 $0x0  }
0x12: {  	s1 =	sld [smem:$0x3F99];
	s0 =	simm.s32 @p0 $0x1  }
0x13: {  	[smem:$0x3FB4] =	sst s0;
	s0 =	simm.s32 @!p1 $0x0  }
0x14: {  	s2 =	sld [smem:$0x3F98];
	s0 =	simm.s32 @p1 $0x1  }
0x15: {  	[smem:$0x3FB5] =	sst s0;
	s0 =	simm.s32 @!p2 $0x0  }
0x16: {  	s3 =	sld [smem:$0x3FDB];
	s0 =	simm.s32 @p2 $0x1  }
0x17: {  	s4 =	simm.s32 $0x1BF5;
	[smem:$0x3FB7] =	sst s0  }
0x18: {  	s0 =	sld [smem:$0x3F9A];
	_ =	swait.ge [sflag:s4], $0x0  }
0x19: {  	s7 =	sld [smem:$0x3F9B]  }
0x1a: {  	s8 =	sadd.s32 $0xFFFFE003, lr  }
0x1b: {  	s9 =	sadd.s32 $0xFFFFFEF7, lr;
	s5 =	simm.s32 $0xFFFFFFFF;
	p2 =	slt.u32 s8, $0xFFFFF086  }
0x1c: {  	p1 =	slt.u32 s9, $0xF7A;
	s5 =	simm.s32 @!p2 $0x0  }
0x1d: {  	s5 =	simm.s32 @p1 $0x1;
	p0 =	seq.s32 s7, s2  }
0x1e: {  	s7 =	smul.u32 @!p0 $0xF7A, s2;
	p2 =	seq.s32 @!p0 s5, $0x0  }
0x1f: {  	s9 =	smul.u32 $0xF7A, s1;
	s8 =	simm.s32 @!p0 $0x1BF5;
	p2 =	por !p2, p0  }
0x20: {  	[sflag:s8] =	ssyncset.s32 @!p0 $0xFFFFF086;
	s6 =	sadd.s32 @!p0 s3, s7;
	s7 =	simm.s32 @!p0 $0x108  }
0x21: {  	s3 =	sadd.s32 s3, s9;
	s6 =	sadd.s32 @!p0 $0x88, s6;
	s7 =	simm.s32 @p2 $0x1082  }
0x22: {  	[simem:s7], [sflag:s8] =	dma.local @!p0 [hbm:s6], $0xF7A  }
0x23: {  	s9 =	sor.u32 $0xD0000000, s2;
	s6 =	simm.s32 $0x108;
	_ =	swait.ge @!p0 [sflag:s8], $0x0  }
0x24: {  	s3 =	sadd.s32 $0x88, s3;
	s6 =	simm.s32 @!p1 $0x1082;
	[sflag:s4] =	ssyncset.s32 $0xFFFFF086  }
0x25: {  	[simem:s6], [sflag:s4] =	dma.local [hbm:s3], $0xF7A  }
0x26: {  	[smem:$0x3F9B] =	sst s1;
	(tag) =	ssettag s2;
	_ =	strace s9  }
0x27: {  	s1 =	sld [smem:$0x3FAB]  }
0x28: {  	s2 =	sld [smem:$0x3FAC]  }
0x29: {  	s4 =	sld [smem:$0x3FAE]  }
0x2a: {  	p0 =	seq.s32 s5, $0x0;
	s5 =	sld [smem:$0x3FAF]  }
0x2b: {  	s6 =	sld [smem:$0x3FB0]  }
0x2c: {  	s7 =	sld [smem:$0x3FB1]  }
0x2d: {  	s3 =	simm.s32 $0x108;
	s8 =	sld [smem:$0x3FB2]  }
0x2e: {  	s3 =	simm.s32 @!p0 $0x1082;
	s9 =	sld [smem:$0x3FB3]  }
0x2f: {  	lr =	sadd.s32 s0, s3;
	s0 =	sld [smem:$0x3FAA]  }
0x30: {  	s3 =	sld [smem:$0x3FAD]  }
0x31: {  	[smem:$0x3FB6] =	sst s10  }
0x32: {  	s10 =	sld [smem:$0x3FB4];
	_ =	sdelay $0x3  }
0x33: {  	p0 =	seq.s32 s10, $0x1;
	s10 =	sld [smem:$0x3FB6];
	_ =	sdelay $0x3  }
0x34: {  	[smem:$0x3FB6] =	sst s10  }
0x35: {  	s10 =	sld [smem:$0x3FB5];
	_ =	sdelay $0x3  }
0x36: {  	p1 =	seq.s32 s10, $0x1;
	s10 =	sld [smem:$0x3FB6];
	_ =	sdelay $0x3  }
0x37: {  	[smem:$0x3FB6] =	sst s10  }
0x38: {  	s10 =	sld [smem:$0x3FB7]  }
0x39: {  	_ = 	snop;
	(pc) =	sbr.ind lr, $3  }
0x3a: {  	_ = 	snop  }
0x3b: {  	_ = 	snop  }
0x3c: {  	p2 =	seq.s32 s10, $0x1;
	s10 =	sld [smem:$0x3FB6]  }
0x3d: {  	_ =	shalt  }
0x3e: {  	_ =	shalt  }
0x3f: {  	_ =	shalt  }
0x40: {  	_ =	shalt  }
0x41: {  	_ =	shalt  }
0x42: {  	_ =	shalt  }
0x43: {  	_ =	shalt  }
0x44: {  	_ =	shalt  }
0x45: {  	_ =	shalt  }
0x46: {  	_ =	shalt  }
0x47: {  	_ =	shalt  }
0x48: {  	_ =	shalt  }
0x49: {  	_ =	shalt  }
0x4a: {  	_ =	shalt  }
0x4b: {  	_ =	shalt  }
0x4c: {  	_ =	shalt  }
0x4d: {  	_ =	shalt  }
0x4e: {  	_ =	shalt  }
0x4f: {  	_ =	shalt  }
0x50: {  	_ =	shalt  }
0x51: {  	_ =	shalt  }
0x52: {  	_ =	shalt  }
0x53: {  	_ =	shalt  }
0x54: {  	_ =	shalt  }
0x55: {  	_ =	shalt  }
0x56: {  	_ =	shalt  }
0x57: {  	_ =	shalt  }
0x58: {  	_ =	shalt  }
0x59: {  	_ =	shalt  }
0x5a: {  	_ =	shalt  }
0x5b: {  	_ =	shalt  }
0x5c: {  	_ =	shalt  }
0x5d: {  	_ =	shalt  }
0x5e: {  	_ =	shalt  }
0x5f: {  	_ =	shalt  }
0x60: {  	_ =	shalt  }
0x61: {  	_ =	shalt  }
0x62: {  	_ =	shalt  }
0x63: {  	_ =	shalt  }
0x64: {  	_ =	shalt  }
0x65: {  	_ =	shalt  }
0x66: {  	_ =	shalt  }
0x67: {  	_ =	shalt  }
0x68: {  	_ =	shalt  }
0x69: {  	_ =	shalt  }
0x6a: {  	_ =	shalt  }
0x6b: {  	_ =	shalt  }
0x6c: {  	_ =	shalt  }
0x6d: {  	_ =	shalt  }
0x6e: {  	_ =	shalt  }
0x6f: {  	_ =	shalt  }
0x70: {  	_ =	shalt  }
0x71: {  	_ =	shalt  }
0x72: {  	_ =	shalt  }
0x73: {  	_ =	shalt  }
0x74: {  	_ =	shalt  }
0x75: {  	_ =	shalt  }
0x76: {  	_ =	shalt  }
0x77: {  	_ =	shalt  }
0x78: {  	_ =	shalt  }
0x79: {  	_ =	shalt  }
0x7a: {  	_ =	shalt  }
0x7b: {  	_ =	shalt  }
0x7c: {  	_ =	shalt  }
0x7d: {  	_ =	shalt  }
0x7e: {  	_ =	shalt  }
0x7f: {  	_ =	shalt  }
0x80: {  	_ =	shalt  }
0x81: {  	_ =	shalt  }
0x82: {  	_ =	shalt  }
0x83: {  	_ =	shalt  }
0x84: {  	_ =	shalt  }
0x85: {  	_ =	shalt  }
0x86: {  	_ =	shalt  }
0x87: {  	_ =	shalt  }
.Lfunc_end0:
.L_simem_size_0:
called_computation.2_lowered:
.L_overlay_start_0:
0x88: {  	s2 =	sld [smem:$0x3FD9]  }
0x89: {  	s3 =	sld [smem:$0x3FFE];
	_ =	sdelay $0x1  }
0x8a: {  	s1 =	srdreg.scid  }
0x8b: {  	s0 =	sand.u32 $0x1, s1  }
0x8c: {  	s17 =	sshll.u32 s0, $0xA;
	s2 =	sadd.s32 s3, s2  }
0x8d: {  	s2 =	sadd.s32 s2, s17  }
0x8e: {  	[smem:$0x3FC2] =	sst s2  }
0x8f: {  	_ = 	snop  }
0x90: {  	s2 =	sld [smem:$0x3FD0];
	(tm) =	ssettm $0x1  }
0x91: {  	s18 =	sld [smem:$0x3FFB];
	_ =	sdelay $0x3  }
0x92: {  	_ =	strace s18  }
0x93: {  	s3 =	sld [smem:$0x3FFC];
	_ =	sdelay $0x3  }
0x94: {  	_ =	strace s3  }
0x95: {  	s3 =	sld [smem:$0x3FFD];
	_ =	sdelay $0x3  }
0x96: {  	_ =	strace s3  }
0x97: {  	_ =	strace $0x8FFFFFFF  }
0x98: {  	s19 =	sld [smem:$0x3FDB];
	_ =	sdelay $0x1  }
0x99: {  	s4 =	simm.s32 $_scs_section_size  }
0x9a: {  	s5 =	simm.s32 $_size__tile_overlayer_lowered;
	s6 =	simm.s32 $_tile_overlayer_lowered  }
0x9b: {  	s22 =	simm.s32 $0x1BFF;
	s21 =	sshll.u32 s6, $0x1;
	s3 =	sadd.s32 s4, s19  }
0x9c: {  	s7 =	simm.s32 $0x0;
	s20 =	sshll.u32 s5, $0x1;
	s5 =	sadd.s32 s21, s3  }
0x9d: {  	[timem:s7], [sflag:s22] =	dma.local [hbm:s5], s20  }
0x9e: {  	_ =	swait.ge [sflag:s22], s20  }
0x9f: {  	s4 =	ssub.s32 $0x0, s20;
	[sflag:s22] =	ssyncset.done $0x0  }
0xa0: {  	[sflag:s22] =	ssyncadd.s32 s4;
	_ =	sdelay $0x1  }
0xa1: {  	s23 =	simm.s32 $0x1B8B  }
0xa2: {  	_ =	swait.ge [sflag:s23], $0x1  }
0xa3: {  	[sflag:s23] =	ssyncset.done $0x0  }
0xa4: {  	s25 =	simm.s32 $0x1B8E;
	s24 =	sld [smem:$0x3FFE];
	[sflag:s23] =	ssyncadd.s32 $0xFFFFFFFF  }
0xa5: {  	s26 =	simm.s32 $execute0_lowered;
	[smem:$0x3FD2] =	sst s25  }
0xa6: {  	s5 =	sshll.u32 s26, $0x1;
	_ =	strace $0x8000004C;
	[dreg:$0x1] =	wrdreg $0xFFFFFFFF  }
0xa7: {  	s28 =	simm.s32 $_size_execute0_lowered;
	s3 =	sadd.s32 s3, s5;
	[dreg:$0x0] =	wrdreg $0x0  }
0xa8: {  	s5 =	sshll.u32 s28, $0x1;
	[dreg:$0x2] =	wrdreg s3  }
0xa9: {  	[dreg:$0x3] =	wrdreg s5  }
0xaa: {  	[dreg:$0x4] =	wrdreg $0xC0  }
0xab: {  	_ =	task [dreg:s7], $0x5FFFF  }
0xac: {  	[dreg:$0x1] =	wrdreg $0xFFFFFFFF  }
0xad: {  	[dreg:$0x0] =	wrdreg $0x60  }
0xae: {  	[dreg:$0x2] =	wrdreg s24  }
0xaf: {  	[dreg:$0x3] =	wrdreg s2  }
0xb0: {  	[dreg:$0x4] =	wrdreg $0x104000  }
0xb1: {  	[dreg:$0x5] =	wrdreg $0xA0000  }
0xb2: {  	[dreg:$0x6] =	wrdreg $0x9  }
0xb3: {  	_ =	task.clear_ibuf [dreg:s7], $0x7FFFF;
	_ =	strace $0x9000004C  }
0xb4: {  	s29 =	simm.s32 $0x9;
	_ =	strace $0x8000004E  }
0xb5: {  	_ =	swait.ge [sflag:s29], $0x1  }
0xb6: {  	[sflag:s29] =	ssyncadd.s32 $0xFFFFFFFF  }
0xb7: {  	_ =	strace $0x9000004E  }
0xb8: {  	_ =	sfence  }
0xb9: {  	s30 =	sld [smem:$0x0];
	_ =	sdelay $0x2  }
0xba: {  	s31 =	sshll.u32 s1, $0xD;
	s1 =	sshrl.u32 s1, $0x2  }
0xbb: {  	s3 =	sand.u32 $0x4000, s31;
	s1 =	sadd.s32 s1, s30  }
0xbc: {  	s0 =	sor.u32 s3, s0;
	s1 =	sshll.u32 s1, $0x11  }
0xbd: {  	s0 =	sor.u32 s1, s0  }
0xbe: {  	s0 =	sadd.s32 $0x8F2B, s0  }
0xbf: {  	[sflag:s0] =	ssyncadd.remote.s32 $0x1  }
0xc0: {  	_ =	sfence.sel $0xFFFF  }
0xc1: {  	[dreg:$0x0] =	wrdreg $0xFFFFFFFF;
	(pc) =	sbr.abs _section_cstart, $3  }
0xc2: {  	[dreg:$0x1] =	wrdreg $0xFFFFFFFF  }
0xc3: {  	_ =	task.clear_ibuf [dreg:s7], $0x2FFFF;
	_ =	strace $0x9FFFFFFF  }
0xc4: {  	(tm) =	ssettm $0x7FFFFFFF  }
0xc5: {  	_ =	shalt  }
tec
execute0_lowered:
.L_overlay_start_1:
0x0: {  	(tag) =	ssettag $0x1  }
0x1: {  	s0 =	rddreg [dreg:$0x0]  }
0x2: {  	s1 =	srdreg.scid;
	s7 =	rddreg [dreg:$0x1]  }
0x3: {  	s13 =	stileid.u32;
	s2 =	rddreg [dreg:$0x2];
	s15 =	simm.s32 $0x2800  }
0x4: {  	s16 =	simm.s32 $0x80;
	s17 =	simm.s32 $0x5000;
	s18 =	simm.s32 $0x6400  }
0x5: {  	s19 =	simm.s32 $0x1;
	s21 =	simm.s32 $0x7800;
	s22 =	simm.s32 $0x2  }
0x6: {  	s29 =	simm.s32 $0x5;
	s31 =	simm.s32 $0x4;
	s23 =	simm.s32 $0x7  }
0x7: {  	s24 =	simm.s32 $0x8;
	s28 =	simm.s32 $0x0;
	s1 =	sand.u32 $0x1, s1  }
0x8: {  	s3 =	sshll.u32 s13, $0x1;
	s6 =	smul.u32 $0x6400, s13;
	s30 =	sshll.u32 s13, $0x6  }
0x9: {  	s13 =	simm.s32 $0x9;
	s4 =	sor.u32 s1, s3;
	s3 =	rddreg [dreg:$0x3]  }
0xa: {  	s5 =	smul.u32 $0x64000, s1;
	s11 =	ssub.s32 $0x2, s1;
	p0 =	seq.s32 s1, $0x1  }
0xb: {  	s8 =	smul.u32 $0x500, s4;
	s4 =	simm.s32 $0x0;
	s10 =	sshrl.u32 s6, $0x3  }
0xc: {  	s12 =	sshrl.u32 s11, $0x1;
	s25 =	sadd.s32 s6, s2;
	s14 =	sadd.s32 s6, s3  }
0xd: {  	[smem:$0x7FF] =	sst s4;
	s5 =	sadd.s32 s6, s5;
	s10 =	sadd.s32 s10, s0  }
0xe: {  	s11 =	ssub.s32 s11, s12;
	s14 =	sshrl.u32 s14, $0x3;
	_ =	strace $0x8000004D  }
0xf: {  	s9 =	sadd.s32 s8, s0;
	s5 =	sshrl.u32 s5, $0x3;
	s12 =	sadd.s32 $0x1AC00, s10  }
.Ltmp0:
0x10: {  	s7 =	sadd.s32 s7, s8;
	s0 =	sadd.s32 s5, s0;
	(pc) =	sbr.rel .LBB2_1-.Ltmp0, $4  }
0x11: {  	s5 =	sadd.s32 $0x1A00, s10;
	s26 =	sadd.s32 $0x10C00, s9;
	s9 =	smax.u32 s11, $0x1  }
0x12: {  	s11 =	sor.u32 $0x1C09, s30;
	[dreg:$0x5] =	wrdreg s26;
	s8 =	sadd.s32 $0x27400, s0  }
0x13: {  	s10 =	smov.u32 s5;
	s26 =	simm.s32 $0x3;
	s0 =	simm.s32 $0x6  }
0x14: {  	s10 =	smov.u32 @p0 s12;
	s12 =	sshrl.u32 s25, $0x3;
	s25 =	simm.s32 $0x8C00  }
.LBB2_4:
0x15: {  	_ =	swait.ge [sflag:s31], $0x1400  }
0x16: {  	[sflag:s31] =	ssyncset.done $0x0  }
0x17: {  	[sflag:s31] =	ssyncadd.s32 $0xFFFFEC00  }
0x18: {  	[spmem:s2] =	stream.indirect.scatter.add.f32 [tilespmem:s25], [sflag:$0x8], $0x28, s20, s16, $0xb8;
	[tilespmem:$0x16800] =	vst v63  }
0x19: {  	_ =	swait.ge [sflag:s0], $0x1400  }
0x1a: {  	[sflag:s0] =	ssyncset.done $0x0  }
0x1b: {  	[sflag:s0] =	ssyncadd.s32 $0xFFFFEC00  }
0x1c: {  	_ =	swait.ge [sflag:s23], $0x1400  }
0x1d: {  	[sflag:s23] =	ssyncset.done $0x0  }
0x1e: {  	[sflag:s23] =	ssyncadd.s32 $0xFFFFEC00  }
0x1f: {  	_ =	swait.ge [sflag:s24], $0x1400  }
0x20: {  	s28 =	sadd.s32 $0x1, s28;
	[sflag:s24] =	ssyncset.done $0x0  }
0x21: {  	p0 =	sne.s32 s28, s9;
	[sflag:s24] =	ssyncadd.s32 $0xFFFFEC00  }
.Ltmp1:
0x22: {  	[bflag:$0x0] =	sbarrier.arrive $0xFFFF;
	(pc) =	sbr.rel @!p0 .LBB2_5-.Ltmp1, $4  }
0x23: {  	[hbm:s8], [sflag:s11] =	dma.local [spmem:s12], $0xC80  }
0x24: {  	_ =	swait.ge [sflag:s13], $0xC80  }
0x25: {  	[sflag:s13] =	ssyncset.done $0x0  }
0x26: {  	[sflag:s13] =	ssyncadd.s32 $0xFFFFF380  }
.LBB2_1:
0x27: {  	[spmem:s12], [sflag:s11] =	dma.local [hbm:s10], $0xC80  }
0x28: {  	_ =	swait.ge [sflag:s13], $0xC80  }
0x29: {  	[sflag:s13] =	ssyncset.done $0x0  }
0x2a: {  	[sflag:s13] =	ssyncadd.s32 $0xFFFFF380  }
0x2b: {  	[spmem:s14], [sflag:s11] =	dma.local [hbm:s5], $0xC80  }
0x2c: {  	_ =	swait.ge [sflag:s13], $0xC80  }
0x2d: {  	[sflag:s13] =	ssyncset.done $0x0  }
0x2e: {  	s1 =	rddreg [dreg:$0x5];
	[sflag:s13] =	ssyncadd.s32 $0xFFFFF380  }
0x2f: {  	[tilespmem:s4], [sflag:$0x9] =	stream.linear.gather [hbm4b:s1+s4], $0x2800, $0x38;
	[tilespmem:$0x16800] =	vst v63  }
0x30: {  	_ =	swait.ge [sflag:s13], $0x2800  }
0x31: {  	[sflag:s13] =	ssyncset.done $0x0  }
0x32: {  	[sflag:s13] =	ssyncadd.s32 $0xFFFFD800  }
0x33: {  	[tilespmem:s15], [sflag:$0x9] =	stream.linear.gather [hbm4b:s7+s4], $0x2800, $0x38;
	[tilespmem:$0x16800] =	vst v63  }
0x34: {  	_ =	swait.ge [sflag:s13], $0x2800  }
0x35: {  	[sflag:s13] =	ssyncset.done $0x0  }
0x36: {  	[sflag:s13] =	ssyncadd.s32 $0xFFFFD800  }
0x37: {  	[bflag:$0x0] =	sbarrier.arrive $0xFFFF  }
0x38: {  	[tilespmem:s17], [sflag:$0x1] =	stream.indirect.gather [spmem:s3], $0x28, s4, s16, $0xb8;
	[tilespmem:$0x16800] =	vst v63  }
0x39: {  	_ = 	snop  }
0x3a: {  	[tilespmem:s18], [sflag:$0x2] =	stream.indirect.gather [spmem:s3], $0x28, s16, s16, $0xb8;
	[tilespmem:$0x16800] =	vst v63  }
0x3b: {  	_ =	swait.ge [sflag:s19], $0x1400  }
0x3c: {  	[sflag:s19] =	ssyncset.done $0x0  }
0x3d: {  	[sflag:s19] =	ssyncadd.s32 $0xFFFFEC00  }
0x3e: {  	[spmem:s2] =	stream.indirect.scatter.add.f32 [tilespmem:s17], [sflag:$0x5], $0x28, s15, s16, $0xb8;
	[tilespmem:$0x16800] =	vst v63  }
0x3f: {  	s20 =	simm.s32 $0x100  }
0x40: {  	[tilespmem:s21], [sflag:$0x3] =	stream.indirect.gather [spmem:s3], $0x28, s20, s16, $0xb8;
	[tilespmem:$0x16800] =	vst v63  }
0x41: {  	_ =	swait.ge [sflag:s22], $0x1400  }
0x42: {  	[sflag:s22] =	ssyncset.done $0x0  }
0x43: {  	s6 =	simm.s32 $0x2880;
	[sflag:s22] =	ssyncadd.s32 $0xFFFFEC00  }
0x44: {  	[spmem:s2] =	stream.indirect.scatter.add.f32 [tilespmem:s18], [sflag:$0x6], $0x28, s6, s16, $0xb8;
	[tilespmem:$0x16800] =	vst v63  }
0x45: {  	s20 =	simm.s32 $0x180  }
0x46: {  	[tilespmem:s25], [sflag:$0x4] =	stream.indirect.gather [spmem:s3], $0x28, s20, s16, $0xb8;
	[tilespmem:$0x16800] =	vst v63  }
0x47: {  	_ =	swait.ge [sflag:s26], $0x1400  }
0x48: {  	[sflag:s26] =	ssyncset.done $0x0  }
0x49: {  	s6 =	simm.s32 $0x2900;
	[sflag:s26] =	ssyncadd.s32 $0xFFFFEC00  }
0x4a: {  	[spmem:s2] =	stream.indirect.scatter.add.f32 [tilespmem:s21], [sflag:$0x7], $0x28, s6, s16, $0xb8;
	[tilespmem:$0x16800] =	vst v63  }
0x4b: {  	_ =	swait.ge [sflag:s29], $0x1400  }
0x4c: {  	[sflag:s29] =	ssyncset.done $0x0  }
0x4d: {  	s20 =	simm.s32 $0x200;
	[sflag:s29] =	ssyncadd.s32 $0xFFFFEC00  }
0x4e: {  	[tilespmem:s17], [sflag:$0x1] =	stream.indirect.gather [spmem:s3], $0x28, s20, s16, $0xb8;
	[tilespmem:$0x16800] =	vst v63  }
0x4f: {  	_ =	swait.ge [sflag:s31], $0x1400  }
0x50: {  	[sflag:s31] =	ssyncset.done $0x0  }
0x51: {  	s6 =	simm.s32 $0x2980;
	[sflag:s31] =	ssyncadd.s32 $0xFFFFEC00  }
0x52: {  	[spmem:s2] =	stream.indirect.scatter.add.f32 [tilespmem:s25], [sflag:$0x8], $0x28, s6, s16, $0xb8;
	[tilespmem:$0x16800] =	vst v63  }
0x53: {  	_ =	swait.ge [sflag:s0], $0x1400  }
0x54: {  	[sflag:s0] =	ssyncset.done $0x0  }
0x55: {  	s30 =	simm.s32 $0x0;
	s20 =	simm.s32 $0x280;
	[sflag:s0] =	ssyncadd.s32 $0xFFFFEC00  }
0x56: {  	[tilespmem:s18], [sflag:$0x2] =	stream.indirect.gather [spmem:s3], $0x28, s20, s16, $0xb8;
	[tilespmem:$0x16800] =	vst v63  }
.LBB2_2:
0x57: {  	_ =	swait.ge [sflag:s19], $0x1400  }
0x58: {  	s1 =	sshra.s32 s30, $0x2;
	[sflag:s19] =	ssyncset.done $0x0  }
0x59: {  	s20 =	sadd.s32 $0x2A00, s1;
	[sflag:s19] =	ssyncadd.s32 $0xFFFFEC00  }
0x5a: {  	[spmem:s2] =	stream.indirect.scatter.add.f32 [tilespmem:s17], [sflag:$0x5], $0x28, s20, s16, $0xb8;
	[tilespmem:$0x16800] =	vst v63  }
0x5b: {  	_ =	swait.ge [sflag:s23], $0x1400  }
0x5c: {  	[sflag:s23] =	ssyncset.done $0x0  }
0x5d: {  	s6 =	sadd.s32 $0x300, s1;
	[sflag:s23] =	ssyncadd.s32 $0xFFFFEC00  }
0x5e: {  	[tilespmem:s21], [sflag:$0x3] =	stream.indirect.gather [spmem:s3], $0x28, s6, s16, $0xb8;
	[tilespmem:$0x16800] =	vst v63  }
0x5f: {  	_ =	swait.ge [sflag:s22], $0x1400  }
0x60: {  	[sflag:s22] =	ssyncset.done $0x0  }
0x61: {  	s6 =	sadd.s32 $0x2A80, s1;
	[sflag:s22] =	ssyncadd.s32 $0xFFFFEC00  }
0x62: {  	[spmem:s2] =	stream.indirect.scatter.add.f32 [tilespmem:s18], [sflag:$0x6], $0x28, s6, s16, $0xb8;
	[tilespmem:$0x16800] =	vst v63  }
0x63: {  	_ =	swait.ge [sflag:s24], $0x1400  }
0x64: {  	[sflag:s24] =	ssyncset.done $0x0  }
0x65: {  	s6 =	sadd.s32 $0x380, s1;
	[sflag:s24] =	ssyncadd.s32 $0xFFFFEC00  }
0x66: {  	[tilespmem:s25], [sflag:$0x4] =	stream.indirect.gather [spmem:s3], $0x28, s6, s16, $0xb8;
	[tilespmem:$0x16800] =	vst v63  }
0x67: {  	_ =	swait.ge [sflag:s26], $0x1400  }
0x68: {  	p0 =	seq.s32 s30, $0x9000;
	[sflag:s26] =	ssyncset.done $0x0  }
.Ltmp2:
0x69: {  	s6 =	sadd.s32 $0x2B00, s1;
	[sflag:s26] =	ssyncadd.s32 $0xFFFFEC00;
	(pc) =	sbr.rel @p0 .LBB2_4-.Ltmp2, $4  }
0x6a: {  	[spmem:s2] =	stream.indirect.scatter.add.f32 [tilespmem:s21], [sflag:$0x7], $0x28, s6, s16, $0xb8;
	[tilespmem:$0x16800] =	vst v63  }
0x6b: {  	_ =	swait.ge [sflag:s29], $0x1400  }
0x6c: {  	[sflag:s29] =	ssyncset.done $0x0  }
0x6d: {  	s20 =	sadd.s32 $0x2B80, s1;
	[sflag:s29] =	ssyncadd.s32 $0xFFFFEC00  }
0x6e: {  	s6 =	sadd.s32 $0x400, s1  }
0x6f: {  	[tilespmem:s17], [sflag:$0x1] =	stream.indirect.gather [spmem:s3], $0x28, s6, s16, $0xb8;
	[tilespmem:$0x16800] =	vst v63  }
0x70: {  	_ =	swait.ge [sflag:s31], $0x1400  }
0x71: {  	[sflag:s31] =	ssyncset.done $0x0  }
0x72: {  	[sflag:s31] =	ssyncadd.s32 $0xFFFFEC00  }
0x73: {  	[spmem:s2] =	stream.indirect.scatter.add.f32 [tilespmem:s25], [sflag:$0x8], $0x28, s20, s16, $0xb8;
	[tilespmem:$0x16800] =	vst v63  }
.Ltmp3:
0x74: {  	_ = 	snop;
	(pc) =	sbr.rel .LBB2_2-.Ltmp3, $4  }
0x75: {  	_ =	swait.ge [sflag:s0], $0x1400  }
0x76: {  	[sflag:s0] =	ssyncset.done $0x0  }
0x77: {  	s30 =	sadd.s32 $0x800, s30;
	s20 =	sadd.s32 $0x480, s1;
	[sflag:s0] =	ssyncadd.s32 $0xFFFFEC00  }
0x78: {  	[tilespmem:s18], [sflag:$0x2] =	stream.indirect.gather [spmem:s3], $0x28, s20, s16, $0xb8;
	[tilespmem:$0x16800] =	vst v63  }
.LBB2_5:
0x79: {  	_ =	sfence.sel $0x180000  }
0x7a: {  	[bflag:$0x0] =	sbarrier.arrive $0xFFFF  }
0x7b: {  	_ =	strace $0x9000004D  }
0x7c: {  	s0 =	stileid.u32;
	[bflag:$0x2] =	sbarrier.arrive $0xFFFF  }
0x7d: {  	p0 =	sne.s32 s0, $0x0;
	s0 =	rddreg [dreg:$0x4]  }
0x7e: {  	s0 =	sadd.s32 @!p0 $0x100000, s0  }
0x7f: {  	[sflag:s0] =	ssyncadd.tile.s32 @!p0 $0x1;
	_ =	shalt  }
.Lfunc_end2:
_tile_overlayer_lowered:
.L_overlay_start_2:
0x80: {  	(tag) =	ssettag $0x2  }
0x81: {  	s0 =	rddreg [dreg:$0x0];
	s2 =	stileid.u32  }
0x82: {  	s1 =	rddreg [dreg:$0x1];
	p0 =	sne.s32 s2, $0x0  }
0x83: {  	s3 =	rddreg [dreg:$0x2];
	[bflag:$0x3] =	sbarrier.arrive $0xFFFF;
	s2 =	simm.s32 @!p0 $0x1C09  }
0x84: {  	[timem:s3], [sflag:s2] =	dma.local @!p0 [hbm:s0], s1  }
0x85: {  	s0 =	simm.s32 @!p0 $0x9  }
0x86: {  	_ =	swait.ge @!p0 [sflag:s0], s1  }
0x87: {  	s1 =	ssub.s32 @!p0 $0x0, s1;
	[sflag:s0] =	ssyncset.done @!p0 $0x0  }
0x88: {  	[sflag:s0] =	ssyncadd.s32 @!p0 s1  }
0x89: {  	[bflag:$0x3] =	sbarrier.arrive $0xFFFF  }
0x8a: {  	_ =	shalt  }

// kernel: kernel.8.cloned.1.call-start
scs
__scs_entry_jumppad:
0x0: {  	(pc) =	sbr.rel $0x88, $3  }
0x1: {  	(tag) =	ssettag $0x0;
	lr =	simm.s32 $0x1  }
0x2: {  	[smem:$0x3F9B] =	sst lr;
	_ =	strace $0xD0000000  }
0x3: {  	_ = 	snop  }
0x4: {  	_ = 	snop  }
0x5: {  	_ = 	snop  }
0x6: {  	_ = 	snop  }
0x7: {  	_ = 	snop  }
__scs_overlays_trampoline_lowered:
0x8: {  	[smem:$0x3FAA] =	sst s0  }
0x9: {  	[smem:$0x3FAB] =	sst s1  }
0xa: {  	[smem:$0x3FAC] =	sst s2  }
0xb: {  	[smem:$0x3FAD] =	sst s3  }
0xc: {  	[smem:$0x3FAE] =	sst s4  }
0xd: {  	[smem:$0x3FAF] =	sst s5  }
0xe: {  	[smem:$0x3FB0] =	sst s6  }
0xf: {  	[smem:$0x3FB1] =	sst s7  }
0x10: {  	[smem:$0x3FB2] =	sst s8  }
0x11: {  	[smem:$0x3FB3] =	sst s9;
	s0 =	simm.s32 @!p0 $0x0  }
0x12: {  	s1 =	sld [smem:$0x3F99];
	s0 =	simm.s32 @p0 $0x1  }
0x13: {  	[smem:$0x3FB4] =	sst s0;
	s0 =	simm.s32 @!p1 $0x0  }
0x14: {  	s2 =	sld [smem:$0x3F98];
	s0 =	simm.s32 @p1 $0x1  }
0x15: {  	[smem:$0x3FB5] =	sst s0;
	s0 =	simm.s32 @!p2 $0x0  }
0x16: {  	s3 =	sld [smem:$0x3FDB];
	s0 =	simm.s32 @p2 $0x1  }
0x17: {  	s4 =	simm.s32 $0x1BF5;
	[smem:$0x3FB7] =	sst s0  }
0x18: {  	s0 =	sld [smem:$0x3F9A];
	_ =	swait.ge [sflag:s4], $0x0  }
0x19: {  	s7 =	sld [smem:$0x3F9B]  }
0x1a: {  	s8 =	sadd.s32 $0xFFFFE003, lr  }
0x1b: {  	s9 =	sadd.s32 $0xFFFFFEF7, lr;
	s5 =	simm.s32 $0xFFFFFFFF;
	p2 =	slt.u32 s8, $0xFFFFF086  }
0x1c: {  	p1 =	slt.u32 s9, $0xF7A;
	s5 =	simm.s32 @!p2 $0x0  }
0x1d: {  	s5 =	simm.s32 @p1 $0x1;
	p0 =	seq.s32 s7, s2  }
0x1e: {  	s7 =	smul.u32 @!p0 $0xF7A, s2;
	p2 =	seq.s32 @!p0 s5, $0x0  }
0x1f: {  	s9 =	smul.u32 $0xF7A, s1;
	s8 =	simm.s32 @!p0 $0x1BF5;
	p2 =	por !p2, p0  }
0x20: {  	[sflag:s8] =	ssyncset.s32 @!p0 $0xFFFFF086;
	s6 =	sadd.s32 @!p0 s3, s7;
	s7 =	simm.s32 @!p0 $0x108  }
0x21: {  	s3 =	sadd.s32 s3, s9;
	s6 =	sadd.s32 @!p0 $0x88, s6;
	s7 =	simm.s32 @p2 $0x1082  }
0x22: {  	[simem:s7], [sflag:s8] =	dma.local @!p0 [hbm:s6], $0xF7A  }
0x23: {  	s9 =	sor.u32 $0xD0000000, s2;
	s6 =	simm.s32 $0x108;
	_ =	swait.ge @!p0 [sflag:s8], $0x0  }
0x24: {  	s3 =	sadd.s32 $0x88, s3;
	s6 =	simm.s32 @!p1 $0x1082;
	[sflag:s4] =	ssyncset.s32 $0xFFFFF086  }
0x25: {  	[simem:s6], [sflag:s4] =	dma.local [hbm:s3], $0xF7A  }
0x26: {  	[smem:$0x3F9B] =	sst s1;
	(tag) =	ssettag s2;
	_ =	strace s9  }
0x27: {  	s1 =	sld [smem:$0x3FAB]  }
0x28: {  	s2 =	sld [smem:$0x3FAC]  }
0x29: {  	s4 =	sld [smem:$0x3FAE]  }
0x2a: {  	p0 =	seq.s32 s5, $0x0;
	s5 =	sld [smem:$0x3FAF]  }
0x2b: {  	s6 =	sld [smem:$0x3FB0]  }
0x2c: {  	s7 =	sld [smem:$0x3FB1]  }
0x2d: {  	s3 =	simm.s32 $0x108;
	s8 =	sld [smem:$0x3FB2]  }
0x2e: {  	s3 =	simm.s32 @!p0 $0x1082;
	s9 =	sld [smem:$0x3FB3]  }
0x2f: {  	lr =	sadd.s32 s0, s3;
	s0 =	sld [smem:$0x3FAA]  }
0x30: {  	s3 =	sld [smem:$0x3FAD]  }
0x31: {  	[smem:$0x3FB6] =	sst s10  }
0x32: {  	s10 =	sld [smem:$0x3FB4];
	_ =	sdelay $0x3  }
0x33: {  	p0 =	seq.s32 s10, $0x1;
	s10 =	sld [smem:$0x3FB6];
	_ =	sdelay $0x3  }
0x34: {  	[smem:$0x3FB6] =	sst s10  }
0x35: {  	s10 =	sld [smem:$0x3FB5];
	_ =	sdelay $0x3  }
0x36: {  	p1 =	seq.s32 s10, $0x1;
	s10 =	sld [smem:$0x3FB6];
	_ =	sdelay $0x3  }
0x37: {  	[smem:$0x3FB6] =	sst s10  }
0x38: {  	s10 =	sld [smem:$0x3FB7]  }
0x39: {  	_ = 	snop;
	(pc) =	sbr.ind lr, $3  }
0x3a: {  	_ = 	snop  }
0x3b: {  	_ = 	snop  }
0x3c: {  	p2 =	seq.s32 s10, $0x1;
	s10 =	sld [smem:$0x3FB6]  }
0x3d: {  	_ =	shalt  }
0x3e: {  	_ =	shalt  }
0x3f: {  	_ =	shalt  }
0x40: {  	_ =	shalt  }
0x41: {  	_ =	shalt  }
0x42: {  	_ =	shalt  }
0x43: {  	_ =	shalt  }
0x44: {  	_ =	shalt  }
0x45: {  	_ =	shalt  }
0x46: {  	_ =	shalt  }
0x47: {  	_ =	shalt  }
0x48: {  	_ =	shalt  }
0x49: {  	_ =	shalt  }
0x4a: {  	_ =	shalt  }
0x4b: {  	_ =	shalt  }
0x4c: {  	_ =	shalt  }
0x4d: {  	_ =	shalt  }
0x4e: {  	_ =	shalt  }
0x4f: {  	_ =	shalt  }
0x50: {  	_ =	shalt  }
0x51: {  	_ =	shalt  }
0x52: {  	_ =	shalt  }
0x53: {  	_ =	shalt  }
0x54: {  	_ =	shalt  }
0x55: {  	_ =	shalt  }
0x56: {  	_ =	shalt  }
0x57: {  	_ =	shalt  }
0x58: {  	_ =	shalt  }
0x59: {  	_ =	shalt  }
0x5a: {  	_ =	shalt  }
0x5b: {  	_ =	shalt  }
0x5c: {  	_ =	shalt  }
0x5d: {  	_ =	shalt  }
0x5e: {  	_ =	shalt  }
0x5f: {  	_ =	shalt  }
0x60: {  	_ =	shalt  }
0x61: {  	_ =	shalt  }
0x62: {  	_ =	shalt  }
0x63: {  	_ =	shalt  }
0x64: {  	_ =	shalt  }
0x65: {  	_ =	shalt  }
0x66: {  	_ =	shalt  }
0x67: {  	_ =	shalt  }
0x68: {  	_ =	shalt  }
0x69: {  	_ =	shalt  }
0x6a: {  	_ =	shalt  }
0x6b: {  	_ =	shalt  }
0x6c: {  	_ =	shalt  }
0x6d: {  	_ =	shalt  }
0x6e: {  	_ =	shalt  }
0x6f: {  	_ =	shalt  }
0x70: {  	_ =	shalt  }
0x71: {  	_ =	shalt  }
0x72: {  	_ =	shalt  }
0x73: {  	_ =	shalt  }
0x74: {  	_ =	shalt  }
0x75: {  	_ =	shalt  }
0x76: {  	_ =	shalt  }
0x77: {  	_ =	shalt  }
0x78: {  	_ =	shalt  }
0x79: {  	_ =	shalt  }
0x7a: {  	_ =	shalt  }
0x7b: {  	_ =	shalt  }
0x7c: {  	_ =	shalt  }
0x7d: {  	_ =	shalt  }
0x7e: {  	_ =	shalt  }
0x7f: {  	_ =	shalt  }
0x80: {  	_ =	shalt  }
0x81: {  	_ =	shalt  }
0x82: {  	_ =	shalt  }
0x83: {  	_ =	shalt  }
0x84: {  	_ =	shalt  }
0x85: {  	_ =	shalt  }
0x86: {  	_ =	shalt  }
0x87: {  	_ =	shalt  }
.Lfunc_end0:
.L_simem_size_0:
called_computation_lowered:
.L_overlay_start_0:
0x88: {  	s2 =	sld [smem:$0x3FD9]  }
0x89: {  	s3 =	sld [smem:$0x3FFE];
	_ =	sdelay $0x1  }
0x8a: {  	s1 =	srdreg.scid  }
0x8b: {  	s0 =	sand.u32 $0x1, s1  }
0x8c: {  	s17 =	sshll.u32 s0, $0xA;
	s2 =	sadd.s32 s3, s2  }
0x8d: {  	s2 =	sadd.s32 s2, s17  }
0x8e: {  	[smem:$0x3FC2] =	sst s2  }
0x8f: {  	_ = 	snop  }
0x90: {  	s2 =	sld [smem:$0x3FD0];
	(tm) =	ssettm $0x1  }
0x91: {  	s18 =	sld [smem:$0x3FFB];
	_ =	sdelay $0x3  }
0x92: {  	_ =	strace s18  }
0x93: {  	s3 =	sld [smem:$0x3FFC];
	_ =	sdelay $0x3  }
0x94: {  	_ =	strace s3  }
0x95: {  	s3 =	sld [smem:$0x3FFD];
	_ =	sdelay $0x3  }
0x96: {  	_ =	strace s3  }
0x97: {  	_ =	strace $0x8FFFFFFF  }
0x98: {  	s19 =	sld [smem:$0x3FDB];
	_ =	sdelay $0x1  }
0x99: {  	s4 =	simm.s32 $_scs_section_size  }
0x9a: {  	s5 =	simm.s32 $_size__tile_overlayer_lowered;
	s6 =	simm.s32 $_tile_overlayer_lowered  }
0x9b: {  	s22 =	simm.s32 $0x1BFF;
	s21 =	sshll.u32 s6, $0x1;
	s3 =	sadd.s32 s4, s19  }
0x9c: {  	s7 =	simm.s32 $0x0;
	s20 =	sshll.u32 s5, $0x1;
	s5 =	sadd.s32 s21, s3  }
0x9d: {  	[timem:s7], [sflag:s22] =	dma.local [hbm:s5], s20  }
0x9e: {  	_ =	swait.ge [sflag:s22], s20  }
0x9f: {  	s4 =	ssub.s32 $0x0, s20;
	[sflag:s22] =	ssyncset.done $0x0  }
0xa0: {  	[sflag:s22] =	ssyncadd.s32 s4;
	_ =	sdelay $0x1  }
0xa1: {  	s23 =	simm.s32 $0x1B8B  }
0xa2: {  	_ =	swait.ge [sflag:s23], $0x1  }
0xa3: {  	[sflag:s23] =	ssyncset.done $0x0  }
0xa4: {  	s25 =	simm.s32 $0x1B8E;
	s24 =	sld [smem:$0x3FFE];
	[sflag:s23] =	ssyncadd.s32 $0xFFFFFFFF  }
0xa5: {  	s26 =	simm.s32 $execute0_lowered;
	[smem:$0x3FD2] =	sst s25  }
0xa6: {  	s5 =	sshll.u32 s26, $0x1;
	_ =	strace $0x80000046;
	[dreg:$0x1] =	wrdreg $0xFFFFFFFF  }
0xa7: {  	s28 =	simm.s32 $_size_execute0_lowered;
	s3 =	sadd.s32 s3, s5;
	[dreg:$0x0] =	wrdreg $0x0  }
0xa8: {  	s5 =	sshll.u32 s28, $0x1;
	[dreg:$0x2] =	wrdreg s3  }
0xa9: {  	[dreg:$0x3] =	wrdreg s5  }
0xaa: {  	[dreg:$0x4] =	wrdreg $0xC0  }
0xab: {  	_ =	task [dreg:s7], $0x5FFFF  }
0xac: {  	[dreg:$0x1] =	wrdreg $0xFFFFFFFF  }
0xad: {  	[dreg:$0x0] =	wrdreg $0x60  }
0xae: {  	[dreg:$0x2] =	wrdreg s2  }
0xaf: {  	[dreg:$0x3] =	wrdreg s24  }
0xb0: {  	[dreg:$0x4] =	wrdreg $0x30000  }
0xb1: {  	[dreg:$0x5] =	wrdreg $0x9  }
0xb2: {  	_ =	task.clear_ibuf [dreg:s7], $0x6FFFF;
	_ =	strace $0x90000046  }
0xb3: {  	s29 =	simm.s32 $0x9;
	_ =	strace $0x80000048  }
0xb4: {  	_ =	swait.ge [sflag:s29], $0x1  }
0xb5: {  	[sflag:s29] =	ssyncadd.s32 $0xFFFFFFFF  }
0xb6: {  	_ =	strace $0x90000048  }
0xb7: {  	_ =	sfence  }
0xb8: {  	s30 =	sld [smem:$0x0];
	_ =	sdelay $0x2  }
0xb9: {  	s31 =	sshll.u32 s1, $0xD;
	s1 =	sshrl.u32 s1, $0x2  }
0xba: {  	s3 =	sand.u32 $0x4000, s31;
	s1 =	sadd.s32 s1, s30  }
0xbb: {  	s0 =	sor.u32 s3, s0;
	s1 =	sshll.u32 s1, $0x11  }
0xbc: {  	s0 =	sor.u32 s1, s0  }
0xbd: {  	s0 =	sadd.s32 $0x8F2B, s0  }
0xbe: {  	[sflag:s0] =	ssyncadd.remote.s32 $0x1  }
0xbf: {  	_ =	sfence.sel $0xFFFF  }
0xc0: {  	[dreg:$0x0] =	wrdreg $0xFFFFFFFF;
	(pc) =	sbr.abs _section_cstart, $3  }
0xc1: {  	[dreg:$0x1] =	wrdreg $0xFFFFFFFF  }
0xc2: {  	_ =	task.clear_ibuf [dreg:s7], $0x2FFFF;
	_ =	strace $0x9FFFFFFF  }
0xc3: {  	(tm) =	ssettm $0x7FFFFFFF  }
tec
execute0_lowered:
.L_overlay_start_1:
0x0: {  	(tag) =	ssettag $0x1  }
0x1: {  	s7 =	rddreg [dreg:$0x0]  }
0x2: {  	s5 =	rddreg [dreg:$0x1]  }
0x3: {  	s2 =	rddreg [dreg:$0x2];
	s0 =	stileid.u32  }
0x4: {  	s4 =	srdreg.scid;
	s1 =	rddreg [dreg:$0x3]  }
0x5: {  	s3 =	simm.s32 $0x0;
	s14 =	simm.s32 $0x100;
	s15 =	simm.s32 $0x180  }
0x6: {  	s16 =	simm.s32 $0x1;
	s17 =	simm.s32 $0x2;
	s18 =	simm.s32 $0x3  }
0x7: {  	s19 =	simm.s32 $0x4;
	s20 =	simm.s32 $0x0;
	s6 =	smul.u32 $0x2800, s0  }
0x8: {  	s8 =	sand.u32 $0x1, s4;
	[smem:$0x7FF] =	sst s3;
	s4 =	sadd.s32 $0x6A00, s5  }
0x9: {  	s12 =	sshll.u32 s0, $0x1;
	s31 =	sshll.u32 s0, $0x6;
	s9 =	smul.u32 $0x28000, s8  }
0xa: {  	_ =	strace $0x80000047;
	s11 =	ssub.s32 $0x2, s8;
	s8 =	sor.u32 s8, s12  }
0xb: {  	s12 =	simm.s32 $0x2800;
	s29 =	sshrl.u32 s6, $0x3;
	s13 =	sshrl.u32 s11, $0x1  }
0xc: {  	s8 =	smul.u32 $0x500, s8;
	s30 =	sadd.s32 s6, s2;
	s10 =	sadd.s32 s29, s5  }
0xd: {  	s9 =	sadd.s32 s6, s9;
	s11 =	ssub.s32 s11, s13;
	s6 =	sor.u32 $0x1C05, s31  }
0xe: {  	s13 =	simm.s32 $0x80;
	s9 =	sshrl.u32 s9, $0x3;
	s7 =	sadd.s32 s7, s8  }
0xf: {  	s9 =	sadd.s32 s9, s5;
	s5 =	sadd.s32 $0x1A00, s10;
	s10 =	sshrl.u32 s30, $0x3  }
0x10: {  	s8 =	sadd.s32 $0x6C00, s9;
	s9 =	smax.u32 s11, $0x1;
	s11 =	simm.s32 $0x5  }
.LBB2_1:
0x11: {  	[spmem:s10], [sflag:s6] =	dma.local [hbm:s5], $0x500  }
0x12: {  	_ =	swait.ge [sflag:s11], $0x500  }
0x13: {  	[sflag:s11] =	ssyncset.done $0x0  }
0x14: {  	[sflag:s11] =	ssyncadd.s32 $0xFFFFFB00  }
0x15: {  	[tilespmem:s12], [sflag:$0x5] =	stream.linear.gather [hbm4b:s4+s3], $0x800, $0x38;
	[tilespmem:$0x5800] =	vst v63  }
0x16: {  	_ =	swait.ge [sflag:s11], $0x800  }
0x17: {  	[sflag:s11] =	ssyncset.done $0x0  }
0x18: {  	[sflag:s11] =	ssyncadd.s32 $0xFFFFF800  }
0x19: {  	[tilespmem:s3], [sflag:$0x5] =	stream.linear.gather [hbm4b:s7+s3], $0x2800, $0x38;
	[tilespmem:$0x5800] =	vst v63  }
0x1a: {  	_ =	swait.ge [sflag:s11], $0x2800  }
0x1b: {  	[sflag:s11] =	ssyncset.done $0x0  }
0x1c: {  	[sflag:s11] =	ssyncadd.s32 $0xFFFFD800  }
0x1d: {  	[bflag:$0x0] =	sbarrier.arrive $0xFFFF  }
0x1e: {  	[spmem:s2] =	stream.indirect.scatter.add.f32 [tilespmem:s12], [sflag:$0x1], $0x10, s3, s13, $0xb8;
	[tilespmem:$0x5800] =	vst v63  }
0x1f: {  	_ = 	snop  }
0x20: {  	[spmem:s2] =	stream.indirect.scatter.add.f32 [tilespmem:s12], [sflag:$0x2], $0x10, s13, s13, $0xb8;
	[tilespmem:$0x5800] =	vst v63  }
0x21: {  	_ = 	snop  }
0x22: {  	[spmem:s2] =	stream.indirect.scatter.add.f32 [tilespmem:s12], [sflag:$0x3], $0x10, s14, s13, $0xb8;
	[tilespmem:$0x5800] =	vst v63  }
0x23: {  	_ = 	snop  }
0x24: {  	[spmem:s2] =	stream.indirect.scatter.add.f32 [tilespmem:s12], [sflag:$0x4], $0x10, s15, s13, $0xb8;
	[tilespmem:$0x5800] =	vst v63  }
0x25: {  	_ =	swait.ge [sflag:s16], $0x800  }
0x26: {  	[sflag:s16] =	ssyncset.done $0x0  }
0x27: {  	s21 =	simm.s32 $0x200;
	[sflag:s16] =	ssyncadd.s32 $0xFFFFF800  }
0x28: {  	[spmem:s2] =	stream.indirect.scatter.add.f32 [tilespmem:s12], [sflag:$0x1], $0x10, s21, s13, $0xb8;
	[tilespmem:$0x5800] =	vst v63  }
0x29: {  	_ =	swait.ge [sflag:s17], $0x800  }
0x2a: {  	[sflag:s17] =	ssyncset.done $0x0  }
0x2b: {  	s30 =	simm.s32 $0x280;
	[sflag:s17] =	ssyncadd.s32 $0xFFFFF800  }
0x2c: {  	[spmem:s2] =	stream.indirect.scatter.add.f32 [tilespmem:s12], [sflag:$0x2], $0x10, s30, s13, $0xb8;
	[tilespmem:$0x5800] =	vst v63  }
0x2d: {  	_ =	swait.ge [sflag:s18], $0x800  }
0x2e: {  	[sflag:s18] =	ssyncset.done $0x0  }
0x2f: {  	s31 =	simm.s32 $0x300;
	[sflag:s18] =	ssyncadd.s32 $0xFFFFF800  }
0x30: {  	[spmem:s2] =	stream.indirect.scatter.add.f32 [tilespmem:s12], [sflag:$0x3], $0x10, s31, s13, $0xb8;
	[tilespmem:$0x5800] =	vst v63  }
0x31: {  	_ =	swait.ge [sflag:s19], $0x800  }
0x32: {  	[sflag:s19] =	ssyncset.done $0x0  }
0x33: {  	s22 =	simm.s32 $0x380;
	s21 =	simm.s32 $0xFFFF7000;
	[sflag:s19] =	ssyncadd.s32 $0xFFFFF800  }
.LBB2_2:
0x34: {  	[spmem:s2] =	stream.indirect.scatter.add.f32 [tilespmem:s12], [sflag:$0x4], $0x10, s22, s13, $0xb8;
	[tilespmem:$0x5800] =	vst v63  }
0x35: {  	s22 =	smov.u32 s21  }
0x36: {  	p0 =	sne.s32 s21, $0xFFFFF800;
	s21 =	sadd.s32 $0x800, s21;
	_ =	swait.ge [sflag:s16], $0x800  }
0x37: {  	s22 =	sshra.s32 s22, $0x2;
	[sflag:s16] =	ssyncset.done $0x0  }
0x38: {  	s23 =	sadd.s32 $0x2800, s22;
	[sflag:s16] =	ssyncadd.s32 $0xFFFFF800  }
0x39: {  	[spmem:s2] =	stream.indirect.scatter.add.f32 [tilespmem:s12], [sflag:$0x1], $0x10, s23, s13, $0xb8;
	[tilespmem:$0x5800] =	vst v63  }
0x3a: {  	_ =	swait.ge [sflag:s17], $0x800  }
0x3b: {  	[sflag:s17] =	ssyncset.done $0x0  }
0x3c: {  	s23 =	sadd.s32 $0x2880, s22;
	[sflag:s17] =	ssyncadd.s32 $0xFFFFF800  }
0x3d: {  	[spmem:s2] =	stream.indirect.scatter.add.f32 [tilespmem:s12], [sflag:$0x2], $0x10, s23, s13, $0xb8;
	[tilespmem:$0x5800] =	vst v63  }
0x3e: {  	_ =	swait.ge [sflag:s18], $0x800  }
0x3f: {  	[sflag:s18] =	ssyncset.done $0x0  }
.Ltmp0:
0x40: {  	s23 =	sadd.s32 $0x2900, s22;
	[sflag:s18] =	ssyncadd.s32 $0xFFFFF800;
	(pc) =	sbr.rel @p0 .LBB2_2-.Ltmp0, $4  }
0x41: {  	[spmem:s2] =	stream.indirect.scatter.add.f32 [tilespmem:s12], [sflag:$0x3], $0x10, s23, s13, $0xb8;
	[tilespmem:$0x5800] =	vst v63  }
0x42: {  	_ =	swait.ge [sflag:s19], $0x800  }
0x43: {  	[sflag:s19] =	ssyncset.done $0x0  }
0x44: {  	s22 =	sadd.s32 $0x2980, s22;
	[sflag:s19] =	ssyncadd.s32 $0xFFFFF800  }
0x45: {  	[spmem:s2] =	stream.indirect.scatter.add.f32 [tilespmem:s12], [sflag:$0x4], $0x10, s22, s13, $0xb8;
	[tilespmem:$0x5800] =	vst v63  }
0x46: {  	_ =	swait.ge [sflag:s16], $0x800  }
0x47: {  	[sflag:s16] =	ssyncset.done $0x0  }
0x48: {  	[sflag:s16] =	ssyncadd.s32 $0xFFFFF800  }
0x49: {  	_ =	swait.ge [sflag:s17], $0x800  }
0x4a: {  	[sflag:s17] =	ssyncset.done $0x0  }
0x4b: {  	[sflag:s17] =	ssyncadd.s32 $0xFFFFF800  }
0x4c: {  	_ =	swait.ge [sflag:s18], $0x800  }
0x4d: {  	[sflag:s18] =	ssyncset.done $0x0  }
0x4e: {  	[sflag:s18] =	ssyncadd.s32 $0xFFFFF800  }
0x4f: {  	_ =	swait.ge [sflag:s19], $0x800  }
0x50: {  	s20 =	sadd.s32 $0x1, s20;
	[sflag:s19] =	ssyncset.done $0x0  }
0x51: {  	p0 =	sne.s32 s20, s9;
	[sflag:s19] =	ssyncadd.s32 $0xFFFFF800  }
.Ltmp1:
0x52: {  	[bflag:$0x0] =	sbarrier.arrive $0xFFFF;
	(pc) =	sbr.rel @p0 .LBB2_1-.Ltmp1, $4  }
0x53: {  	[hbm:s8], [sflag:s6] =	dma.local [spmem:s10], $0x500  }
0x54: {  	_ =	swait.ge [sflag:s11], $0x500  }
0x55: {  	[sflag:s11] =	ssyncset.done $0x0  }
0x56: {  	[sflag:s11] =	ssyncadd.s32 $0xFFFFFB00  }
0x57: {  	_ =	sfence.sel $0x180000  }
0x58: {  	[bflag:$0x0] =	sbarrier.arrive $0xFFFF  }
0x59: {  	p0 =	sne.s32 s0, $0x0;
	_ =	strace $0x90000047  }
0x5a: {  	s0 =	sadd.s32 @!p0 $0x100000, s1;
	[bflag:$0x2] =	sbarrier.arrive $0xFFFF  }
0x5b: {  	[sflag:s0] =	ssyncadd.tile.s32 @!p0 $0x1;
	_ =	shalt  }
.Lfunc_end2:
_tile_overlayer_lowered:
.L_overlay_start_2:
0x5c: {  	(tag) =	ssettag $0x2  }
0x5d: {  	s0 =	rddreg [dreg:$0x0];
	s2 =	stileid.u32  }
0x5e: {  	s1 =	rddreg [dreg:$0x1];
	p0 =	sne.s32 s2, $0x0  }
0x5f: {  	s3 =	rddreg [dreg:$0x2];
	[bflag:$0x3] =	sbarrier.arrive $0xFFFF;
	s2 =	simm.s32 @!p0 $0x1C05  }
0x60: {  	[timem:s3], [sflag:s2] =	dma.local @!p0 [hbm:s0], s1  }
0x61: {  	s0 =	simm.s32 @!p0 $0x5  }
0x62: {  	_ =	swait.ge @!p0 [sflag:s0], s1  }
0x63: {  	s1 =	ssub.s32 @!p0 $0x0, s1;
	[sflag:s0] =	ssyncset.done @!p0 $0x0  }
0x64: {  	[sflag:s0] =	ssyncadd.s32 @!p0 s1  }
0x65: {  	[bflag:$0x3] =	sbarrier.arrive $0xFFFF  }
0x66: {  	_ =	shalt  }

</sc_bundles>
